<compile_context>
chip_gen: v7x
topology: tpu7x:2x2x1
jax: 0.10.2.dev20260603
libtpu: 0.0.44.dev20260713+nightly
codegen_flags: <defaults>
</compile_context>

<pallas_src>
import functools

import jax
import jax.numpy as jnp
from jax import lax
from jax.experimental import pallas as pl
from jax.experimental.pallas import tpu as pltpu
from jax.experimental.pallas import tpu_sc as plsc

_NC = 2
_NS = 16
_NW = _NC * _NS
_CHUNK = 128

_BIG = 1e30


def _k0_body(tgt_t_ref, tsq_ref, *, t_real):
    sq = tgt_t_ref[...] * tgt_t_ref[...]
    s = jnp.sum(sq, axis=0, keepdims=True)
    col = lax.broadcasted_iota(jnp.int32, s.shape, 1)
    s = jnp.where(col < t_real, s, _BIG)
    tsq_ref[...] = jnp.broadcast_to(s, tsq_ref.shape)


def _k1_body(src_ref, tgt_ref, tsq_ref, pts_t_ref, pos_ref, g_ref):
    dp = lax.dot_general(
        src_ref[...], tgt_ref[...], (((1,), (1,)), ((), ())),
        preferred_element_type=jnp.float32)
    d = tsq_ref[0:1, :] - 2.0 * dp
    m = jnp.min(d, axis=1, keepdims=True)
    m1 = m
    for _ in range(5):
        m = jnp.min(jnp.where(d > m, d, _BIG), axis=1, keepdims=True)
    w = jnp.where(d <= m, jnp.exp(m1 - d), 0.0)
    p = lax.dot_general(
        w, pts_t_ref[...], (((1,), (1,)), ((), ())),
        preferred_element_type=jnp.float32)
    pred = p[:, 0:3] / p[:, 3:4]
    pos = pos_ref[...]
    cols = [jnp.ones_like(p[:, 0:1]), pos, pred]
    for i in range(3):
        for j in range(3):
            cols.append(pos[:, i:i + 1] * pred[:, j:j + 1])
    g_ref[...] = jnp.concatenate(cols, axis=1)


def _k2_body(seg_hbm, nbr_hbm, g_hbm, zeros_hbm, out_hbm,
             nbr_v, seg_v, rows_v, g_sh, acc_sh, sem, *, nrows_w, ew):
    c = lax.axis_index("c")
    s = lax.axis_index("s")
    wid = c * _NS + s
    pltpu.sync_copy(zeros_hbm.at[pl.ds(s * nrows_w, nrows_w)],
                    acc_sh.at[pl.ds(s * nrows_w, nrows_w)])
    pltpu.sync_copy(g_hbm.at[pl.ds(s * nrows_w, nrows_w)],
                    g_sh.at[pl.ds(s * nrows_w, nrows_w)])
    pltpu.sync_copy(nbr_hbm.at[wid], nbr_v)
    pltpu.sync_copy(seg_hbm.at[wid], seg_v)
    plsc.subcore_barrier()

    def step(j, carry):
        idxg = nbr_v[pl.ds(j * 16, 16)]
        idxs = seg_v[pl.ds(j * 16, 16)]
        pltpu.async_copy(g_sh.at[idxg], rows_v, sem).wait()
        pltpu.sync_copy(rows_v, acc_sh.at[idxs], add=True)
        return carry

    lax.fori_loop(0, ew // 16, step, 0)
    plsc.subcore_barrier()
    pltpu.sync_copy(acc_sh.at[pl.ds(s * nrows_w, nrows_w)],
                    out_hbm.at[c, pl.ds(s * nrows_w, nrows_w)])


def _jacobi3(b, v, sweeps=8):
    for _ in range(sweeps):
        for (p, q) in ((0, 1), (0, 2), (1, 2)):
            bpq = b[(p, q)]
            bpp = b[(p, p)]
            bqq = b[(q, q)]
            safe = jnp.where(bpq != 0.0, bpq, 1.0)
            tau = (bqq - bpp) * 0.5 / safe
            t_ = jnp.sign(tau) / (jnp.abs(tau) + jnp.sqrt(1.0 + tau * tau))
            t = jnp.where(tau == 0.0, 1.0, t_)
            t = jnp.where(bpq == 0.0, 0.0, t)
            cth = lax.rsqrt(1.0 + t * t)
            sth = t * cth
            r = 3 - p - q
            b[(p, p)] = bpp - t * bpq
            b[(q, q)] = bqq + t * bpq
            b[(p, q)] = jnp.zeros_like(bpq)
            bpr = b[(min(p, r), max(p, r))]
            bqr = b[(min(q, r), max(q, r))]
            b[(min(p, r), max(p, r))] = cth * bpr - sth * bqr
            b[(min(q, r), max(q, r))] = sth * bpr + cth * bqr
            for i in range(3):
                vip = v[i][p]
                viq = v[i][q]
                v[i][p] = cth * vip - sth * viq
                v[i][q] = sth * vip + cth * viq
    return b, v


def _k3_body(sums_ref, post_ref, predt_ref, rt_ref, transt_ref, ft_ref,
             cnt_ref):
    S = [sums_ref[0, k] + sums_ref[1, k] for k in range(16)]
    cnt = S[0]
    cl = jnp.maximum(cnt, 1.0)
    inv = 1.0 / cl
    sc = [S[1] * inv, S[2] * inv, S[3] * inv]
    tc = [S[4] * inv, S[5] * inv, S[6] * inv]
    A = [[S[7 + 3 * i + j] - cl * sc[i] * tc[j] for j in range(3)]
         for i in range(3)]
    b = {}
    for i in range(3):
        for j in range(i, 3):
            b[(i, j)] = (A[0][i] * A[0][j] + A[1][i] * A[1][j]
                         + A[2][i] * A[2][j])
    tracesum = b[(0, 0)] + b[(1, 1)] + b[(2, 2)]
    norm_m = sum(S[7 + k] * S[7 + k] for k in range(9))
    norm_c = (cl * cl * (sc[0] * sc[0] + sc[1] * sc[1] + sc[2] * sc[2])
              * (tc[0] * tc[0] + tc[1] * tc[1] + tc[2] * tc[2]))
    one = jnp.ones_like(cnt)
    zero = jnp.zeros_like(cnt)
    v = [[one, zero, zero], [zero, one, zero], [zero, zero, one]]
    b, v = _jacobi3(b, v)
    lam = [b[(0, 0)], b[(1, 1)], b[(2, 2)]]
    for (p, q) in ((0, 1), (0, 2), (1, 2)):
        swap = lam[p] < lam[q]
        lam[p], lam[q] = (jnp.where(swap, lam[q], lam[p]),
                          jnp.where(swap, lam[p], lam[q]))
        for i in range(3):
            v[i][p], v[i][q] = (jnp.where(swap, v[i][q], v[i][p]),
                                jnp.where(swap, v[i][p], v[i][q]))
    v1 = [v[i][0] for i in range(3)]
    v2 = [v[i][1] for i in range(3)]
    av1 = [A[i][0] * v1[0] + A[i][1] * v1[1] + A[i][2] * v1[2]
           for i in range(3)]
    av2 = [A[i][0] * v2[0] + A[i][1] * v2[1] + A[i][2] * v2[2]
           for i in range(3)]
    n1 = av1[0] * av1[0] + av1[1] * av1[1] + av1[2] * av1[2]
    u1 = [x * lax.rsqrt(jnp.maximum(n1, 1e-35)) for x in av1]
    proj = u1[0] * av2[0] + u1[1] * av2[1] + u1[2] * av2[2]
    w2 = [av2[i] - proj * u1[i] for i in range(3)]
    n2 = w2[0] * w2[0] + w2[1] * w2[1] + w2[2] * w2[2]
    u2 = [x * lax.rsqrt(jnp.maximum(n2, 1e-35)) for x in w2]
    u3 = [u1[1] * u2[2] - u1[2] * u2[1],
          u1[2] * u2[0] - u1[0] * u2[2],
          u1[0] * u2[1] - u1[1] * u2[0]]
    v3 = [v1[1] * v2[2] - v1[2] * v2[1],
          v1[2] * v2[0] - v1[0] * v2[2],
          v1[0] * v2[1] - v1[1] * v2[0]]
    rank1 = lam[1] <= lam[0] * 1e-6
    iszero = tracesum <= (norm_m + norm_c + 1e-30) * 1e-12
    R = [[None] * 3 for _ in range(3)]
    for i in range(3):
        for j in range(3):
            full = u1[i] * v1[j] + u2[i] * v2[j] + u3[i] * v3[j]
            r = jnp.where(rank1, u1[i] * v1[j], full)
            eye = one if i == j else zero
            R[i][j] = jnp.where(iszero, eye, r)
    trans = [tc[i] - (R[i][0] * sc[0] + R[i][1] * sc[1] + R[i][2] * sc[2])
             for i in range(3)]
    pos = [post_ref[i] for i in range(3)]
    pred = [predt_ref[i] for i in range(3)]
    f = zero
    for i in range(3):
        resid = (R[i][0] * pos[0] + R[i][1] * pos[1] + R[i][2] * pos[2]
                 + trans[i] - pred[i])
        f = f + resid * resid
    for i in range(3):
        for j in range(3):
            rt_ref[3 * i + j] = R[i][j]
        transt_ref[i] = trans[i]
    ft_ref[...] = f
    cnt_ref[...] = cnt


def _k5_body(d_ref, cnt_ref, out_ref):
    out_ref[...] = (d_ref[0] + d_ref[1]) / jnp.maximum(cnt_ref[...], 1.0)


def kernel(source_feats, target_feats, target_points, pos, edge_index):
    n, feat = source_feats.shape
    t = target_feats.shape[0]
    e = edge_index.shape[1]

    br = 128
    npad1 = pl.cdiv(n, br) * br
    tpad = pl.cdiv(t, 128) * 128
    nacc = pl.cdiv(n, 1024) * 1024
    nrows_w = nacc // _NS
    lanes3 = nacc // 8
    ew = pl.cdiv(e, _NW * _CHUNK) * _CHUNK
    nchunk = ew // _CHUNK
    epad = ew * _NW

    f32 = jnp.float32

    srcp = jnp.zeros((npad1, feat), f32).at[:n].set(source_feats)
    tgtp = jnp.zeros((tpad, feat), f32).at[:t].set(target_feats)
    tgt_t = tgtp.T
    pts_t = jnp.zeros((8, tpad), f32)
    pts_t = pts_t.at[0:3, :t].set(target_points.T)
    pts_t = pts_t.at[3, :].set(1.0)
    posp = jnp.zeros((npad1, 3), f32).at[:n].set(pos)

    seg = edge_index[0].astype(jnp.int32)
    nbr = edge_index[1].astype(jnp.int32)
    segp = jnp.full((epad,), nacc - 1, jnp.int32).at[:e].set(seg)
    nbrp = jnp.zeros((epad,), jnp.int32).at[:e].set(nbr)
    seg3 = segp.reshape(_NW, ew)
    nbr3 = nbrp.reshape(_NW, ew)
    zeros16 = jnp.zeros((nacc, 16), f32)

    tsq8 = pl.pallas_call(
        functools.partial(_k0_body, t_real=t),
        out_shape=jax.ShapeDtypeStruct((8, tpad), f32),
    )(tgt_t)

    g = pl.pallas_call(
        _k1_body,
        grid=(npad1 // br,),
        in_specs=[
            pl.BlockSpec((br, feat), lambda i: (i, 0)),
            pl.BlockSpec((tpad, feat), lambda i: (0, 0)),
            pl.BlockSpec((8, tpad), lambda i: (0, 0)),
            pl.BlockSpec((8, tpad), lambda i: (0, 0)),
            pl.BlockSpec((br, 3), lambda i: (i, 0)),
        ],
        out_specs=pl.BlockSpec((br, 16), lambda i: (i, 0)),
        out_shape=jax.ShapeDtypeStruct((npad1, 16), f32),
    )(srcp, tgtp, tsq8, pts_t, posp)

    mesh = plsc.VectorSubcoreMesh(core_axis_name="c", subcore_axis_name="s",
                                  num_cores=_NC, num_subcores=_NS)
    k2 = functools.partial(
        pl.kernel,
        out_type=jax.ShapeDtypeStruct((_NC, nacc, 16), f32),
        mesh=mesh,
        scratch_types=[
            pltpu.VMEM((ew,), jnp.int32),
            pltpu.VMEM((ew,), jnp.int32),
            pltpu.VMEM((16, 16), f32),
            pltpu.VMEM_SHARED((nacc, 16), f32),
            pltpu.VMEM_SHARED((nacc, 16), f32),
            pltpu.SemaphoreType.DMA,
        ],
    )(functools.partial(_k2_body, nrows_w=nrows_w, ew=ew))
    gpad = jnp.zeros((nacc, 16), f32).at[:npad1].set(g)
    sums2 = k2(seg3, nbr3, gpad, zeros16)

    sums_t = sums2.transpose(0, 2, 1).reshape(_NC, 16, 8, lanes3)
    predt = jnp.zeros((3, nacc), f32).at[:, :n].set(g[:n, 4:7].T)
    post = jnp.zeros((3, nacc), f32).at[:, :n].set(pos.T)
    rt, transt, ft, cntt = pl.pallas_call(
        _k3_body,
        out_shape=(
            jax.ShapeDtypeStruct((9, 8, lanes3), f32),
            jax.ShapeDtypeStruct((3, 8, lanes3), f32),
            jax.ShapeDtypeStruct((8, lanes3), f32),
            jax.ShapeDtypeStruct((8, lanes3), f32),
        ),
    )(sums_t, post.reshape(3, 8, lanes3), predt.reshape(3, 8, lanes3))

    f16 = jnp.zeros((nacc, 16), f32).at[:, 0].set(ft.reshape(nacc))
    dsums = k2(seg3, nbr3, f16, zeros16)

    dst8 = pl.pallas_call(
        _k5_body,
        out_shape=jax.ShapeDtypeStruct((8, lanes3), f32),
    )(dsums[:, :, 0].reshape(_NC, 8, lanes3), cntt)

    R = rt.reshape(9, nacc)[:, :n].T.reshape(n, 3, 3)
    trans = transt.reshape(3, nacc)[:, :n].T
    dst = dst8.reshape(nacc)[:n].reshape(n, 1)
    return (R, trans, dst)

# --- scband reference (transcript-rebuilt; emitter-appended) ---
"""Pipeline reference for scband-transformation-module-33397665694046 (READ-ONLY COPY).

The authoritative reference and input builder live on the scoring server;
editing this copy changes nothing except your own understanding.
"""

import jax, jax.numpy as jnp
import numpy as np

N = 10000
E = 160000
FEAT = 256
T = 6890

def setup_inputs(seed: int = 0):
    key = jax.random.key(seed)
    k1, k2, k3, k4, k5 = jax.random.split(key, 5)
    return {
        "source_feats": jax.random.normal(k1, (N, FEAT), dtype=jnp.float32),
        "target_feats": jax.random.normal(k2, (T, FEAT), dtype=jnp.float32),
        "target_points": jax.random.normal(k3, (T, 3), dtype=jnp.float32),
        "pos": jax.random.normal(k4, (N, 3), dtype=jnp.float32),
        "edge_index": jax.random.randint(k5, (2, E), 0, N),
    }

def reference(source_feats, target_feats, target_points, pos, edge_index):
    Nn = source_feats.shape[0]
    # brute-force kNN (k=6) against template features
    dp = source_feats @ target_feats.T
    ssq = jnp.sum(source_feats * source_feats, axis=-1, keepdims=True)
    tsq = jnp.sum(target_feats * target_feats, axis=-1, keepdims=True)
    dists = ssq - 2.0 * dp + tsq.reshape(1, -1)
    scores, indices = jax.lax.top_k(-dists, 6)
    scores = jax.nn.softmax(scores, axis=-1)
    selected = target_points[indices.reshape(-1)].reshape(-1, 6, 3)
    predicted = jnp.sum(selected * scores[..., None], axis=-2)
    seg = edge_index[0]
    nbr = edge_index[1]
    src_nbr = pos[nbr]
    tgt_nbr = predicted[nbr]
    counts = jax.ops.segment_sum(jnp.ones((nbr.shape[0], 1), jnp.float32), seg, num_segments=Nn)
    counts = jnp.maximum(counts, 1.0)
    src_centers = jax.ops.segment_sum(src_nbr, seg, num_segments=Nn) / counts
    tgt_centers = jax.ops.segment_sum(tgt_nbr, seg, num_segments=Nn) / counts
    src_diffs = src_nbr - src_centers[seg]
    tgt_diffs = tgt_nbr - tgt_centers[seg]
    edge_mats = src_diffs[:, :, None] * tgt_diffs[:, None, :]
    point_mats = jax.ops.segment_sum(edge_mats, seg, num_segments=Nn)
    point_mats = jax.lax.optimization_barrier(point_mats)
    U, S, Vh = jnp.linalg.svd(point_mats, full_matrices=False)
    U, S, Vh = jax.lax.optimization_barrier((U, S, Vh))
    # torch.svd returns V with A = U diag(S) V^T, so U @ V.transpose(1,2) == U @ Vh
    R0 = jax.lax.stop_gradient(U @ Vh)
    det = jnp.linalg.det(R0)
    diagvals = jnp.stack([jnp.ones_like(det), jnp.ones_like(det), det], axis=-1)
    D = jax.lax.stop_gradient(diagvals[:, :, None] * jnp.eye(3, dtype=diagvals.dtype))
    R = U @ D @ Vh
    trans = tgt_centers - (R @ src_centers[:, :, None])[:, :, 0]
    R_nbr = R[nbr]
    t_nbr = trans[nbr]
    transformed = (R_nbr @ src_nbr[:, :, None] + t_nbr[:, :, None])[:, :, 0]
    d = transformed - tgt_nbr
    d = jnp.sum(d * d, axis=-1, keepdims=True)
    dst = jax.ops.segment_sum(d, seg, num_segments=Nn) / counts
    return (R, trans, dst)

if __name__ == "__main__":
    import jax
    _d = setup_inputs()
    print(jax.jit(kernel)(*tuple(_d.values())))

</pallas_src>

<mosaic_0001>
#map = affine_map<(d0, d1) -> (0, 0)>
#map1 = affine_map<(d0, d1) -> (0, 0, 0)>
module attributes {stable_mosaic.version = 14 : i64} {
  func.func @_k2_body(%arg0: i32, %arg1: i32, %arg2: memref<32x5120xi32, #tpu.memory_space<hbm>>, %arg3: memref<32x5120xi32, #tpu.memory_space<hbm>>, %arg4: memref<10240x16xf32, #tpu.memory_space<hbm>>, %arg5: memref<10240x16xf32, #tpu.memory_space<hbm>>, %arg6: memref<2x10240x16xf32, #tpu.memory_space<hbm>>, %arg7: memref<5120xi32, #tpu.memory_space<vmem>>, %arg8: memref<5120xi32, #tpu.memory_space<vmem>>, %arg9: memref<16x16xf32, #tpu.memory_space<vmem>>, %arg10: memref<10240x16xf32, #tpu.memory_space<vmem_shared>>, %arg11: memref<10240x16xf32, #tpu.memory_space<vmem_shared>>, %arg12: memref<!tpu.dma_semaphore, #tpu.memory_space<semaphore_mem>>) attributes {dimension_semantics = [#tpu.dimension_semantics<core_parallel>, #tpu.dimension_semantics<subcore_parallel>], iteration_bounds = array<i64: 2, 16>, scalar_prefetch = 0 : i64, scratch_operands = 6 : i64, tpu.core_type = #tpu.core_type<sc_vector_subcore>, window_params = [{transform_indices = #map}, {transform_indices = #map}, {transform_indices = #map}, {transform_indices = #map}, {transform_indices = #map1}]} {
    %mul3A = arith.constant 16 : i32
    %mul3A_0 = arith.muli %arg0, %mul3A : i32
    %add3A = arith.addi %mul3A_0, %arg1 : i32
    %mul3A_1 = arith.constant 640 : i32
    %mul3A_2 = arith.muli %arg1, %mul3A_1 : i32
    %mul3A_3 = arith.constant 640 : i32
    %mul3A_4 = arith.muli %arg1, %mul3A_3 : i32
    "tpu.region"() ({
      %run_scoped3A = tpu.sem_alloc : memref<!tpu.dma_semaphore, #tpu.memory_space<semaphore_mem>>
      %dma_start3A = arith.constant 0 : i32
      %dma_start3A_19 = tpu.memref_slice %arg11[%mul3A_4, %dma_start3A] : memref<10240x16xf32, #tpu.memory_space<vmem_shared>> -> memref<640x16xf32, #tpu.memory_space<vmem_shared>>
      %dma_start3A_20 = arith.constant 0 : i32
      %dma_start3A_21 = tpu.memref_slice %arg5[%mul3A_2, %dma_start3A_20] : memref<10240x16xf32, #tpu.memory_space<hbm>> -> memref<640x16xf32, #tpu.memory_space<hbm>>
      tpu.enqueue_dma source(%dma_start3A_21 : memref<640x16xf32, #tpu.memory_space<hbm>>) target(%dma_start3A_19 : memref<640x16xf32, #tpu.memory_space<vmem_shared>>) target_semaphore(%run_scoped3A : memref<!tpu.dma_semaphore, #tpu.memory_space<semaphore_mem>>)
      %dma_wait3A = arith.constant 0 : i32
      %dma_wait3A_22 = tpu.memref_slice %arg11[%mul3A_4, %dma_wait3A] : memref<10240x16xf32, #tpu.memory_space<vmem_shared>> -> memref<640x16xf32, #tpu.memory_space<vmem_shared>>
      %dma_wait3A_23 = arith.constant 0 : i32
      %dma_wait3A_24 = tpu.memref_slice %arg5[%mul3A_2, %dma_wait3A_23] : memref<10240x16xf32, #tpu.memory_space<hbm>> -> memref<640x16xf32, #tpu.memory_space<hbm>>
      tpu.wait_dma2 semaphore(%run_scoped3A : memref<!tpu.dma_semaphore, #tpu.memory_space<semaphore_mem>>) src(%dma_wait3A_24 : memref<640x16xf32, #tpu.memory_space<hbm>>) dst(%dma_wait3A_22 : memref<640x16xf32, #tpu.memory_space<vmem_shared>>)
      tpu.yield
    }) : () -> ()
    %mul3A_5 = arith.constant 640 : i32
    %mul3A_6 = arith.muli %arg1, %mul3A_5 : i32
    %mul3A_7 = arith.constant 640 : i32
    %mul3A_8 = arith.muli %arg1, %mul3A_7 : i32
    "tpu.region"() ({
      %run_scoped3A = tpu.sem_alloc : memref<!tpu.dma_semaphore, #tpu.memory_space<semaphore_mem>>
      %dma_start3A = arith.constant 0 : i32
      %dma_start3A_19 = tpu.memref_slice %arg10[%mul3A_8, %dma_start3A] : memref<10240x16xf32, #tpu.memory_space<vmem_shared>> -> memref<640x16xf32, #tpu.memory_space<vmem_shared>>
      %dma_start3A_20 = arith.constant 0 : i32
      %dma_start3A_21 = tpu.memref_slice %arg4[%mul3A_6, %dma_start3A_20] : memref<10240x16xf32, #tpu.memory_space<hbm>> -> memref<640x16xf32, #tpu.memory_space<hbm>>
      tpu.enqueue_dma source(%dma_start3A_21 : memref<640x16xf32, #tpu.memory_space<hbm>>) target(%dma_start3A_19 : memref<640x16xf32, #tpu.memory_space<vmem_shared>>) target_semaphore(%run_scoped3A : memref<!tpu.dma_semaphore, #tpu.memory_space<semaphore_mem>>)
      %dma_wait3A = arith.constant 0 : i32
      %dma_wait3A_22 = tpu.memref_slice %arg10[%mul3A_8, %dma_wait3A] : memref<10240x16xf32, #tpu.memory_space<vmem_shared>> -> memref<640x16xf32, #tpu.memory_space<vmem_shared>>
      %dma_wait3A_23 = arith.constant 0 : i32
      %dma_wait3A_24 = tpu.memref_slice %arg4[%mul3A_6, %dma_wait3A_23] : memref<10240x16xf32, #tpu.memory_space<hbm>> -> memref<640x16xf32, #tpu.memory_space<hbm>>
      tpu.wait_dma2 semaphore(%run_scoped3A : memref<!tpu.dma_semaphore, #tpu.memory_space<semaphore_mem>>) src(%dma_wait3A_24 : memref<640x16xf32, #tpu.memory_space<hbm>>) dst(%dma_wait3A_22 : memref<640x16xf32, #tpu.memory_space<vmem_shared>>)
      tpu.yield
    }) : () -> ()
    "tpu.region"() ({
      %run_scoped3A = tpu.sem_alloc : memref<!tpu.dma_semaphore, #tpu.memory_space<semaphore_mem>>
      %dma_start3A = arith.constant 0 : i32
      %dma_start3A_19 = tpu.memref_slice %arg3[%add3A, %dma_start3A] : memref<32x5120xi32, #tpu.memory_space<hbm>> -> memref<1x5120xi32, #tpu.memory_space<hbm>>
      %dma_start3A_20 = tpu.memref_squeeze %dma_start3A_19 : memref<1x5120xi32, #tpu.memory_space<hbm>> -> memref<5120xi32, #tpu.memory_space<hbm>>
      %dma_start3A_21 = arith.constant 0 : i32
      %dma_start3A_22 = tpu.memref_slice %arg3[%add3A, %dma_start3A_21] : memref<32x5120xi32, #tpu.memory_space<hbm>> -> memref<1x5120xi32, #tpu.memory_space<hbm>>
      %dma_start3A_23 = tpu.memref_squeeze %dma_start3A_22 : memref<1x5120xi32, #tpu.memory_space<hbm>> -> memref<5120xi32, #tpu.memory_space<hbm>>
      tpu.enqueue_dma source(%dma_start3A_23 : memref<5120xi32, #tpu.memory_space<hbm>>) target(%arg7 : memref<5120xi32, #tpu.memory_space<vmem>>) target_semaphore(%run_scoped3A : memref<!tpu.dma_semaphore, #tpu.memory_space<semaphore_mem>>)
      %dma_wait3A = arith.constant 0 : i32
      %dma_wait3A_24 = tpu.memref_slice %arg3[%add3A, %dma_wait3A] : memref<32x5120xi32, #tpu.memory_space<hbm>> -> memref<1x5120xi32, #tpu.memory_space<hbm>>
      %dma_wait3A_25 = tpu.memref_squeeze %dma_wait3A_24 : memref<1x5120xi32, #tpu.memory_space<hbm>> -> memref<5120xi32, #tpu.memory_space<hbm>>
      %dma_wait3A_26 = arith.constant 0 : i32
      %dma_wait3A_27 = tpu.memref_slice %arg3[%add3A, %dma_wait3A_26] : memref<32x5120xi32, #tpu.memory_space<hbm>> -> memref<1x5120xi32, #tpu.memory_space<hbm>>
      %dma_wait3A_28 = tpu.memref_squeeze %dma_wait3A_27 : memref<1x5120xi32, #tpu.memory_space<hbm>> -> memref<5120xi32, #tpu.memory_space<hbm>>
      tpu.wait_dma2 semaphore(%run_scoped3A : memref<!tpu.dma_semaphore, #tpu.memory_space<semaphore_mem>>) src(%dma_wait3A_28 : memref<5120xi32, #tpu.memory_space<hbm>>) dst(%arg7 : memref<5120xi32, #tpu.memory_space<vmem>>)
      tpu.yield
    }) : () -> ()
    "tpu.region"() ({
      %run_scoped3A = tpu.sem_alloc : memref<!tpu.dma_semaphore, #tpu.memory_space<semaphore_mem>>
      %dma_start3A = arith.constant 0 : i32
      %dma_start3A_19 = tpu.memref_slice %arg2[%add3A, %dma_start3A] : memref<32x5120xi32, #tpu.memory_space<hbm>> -> memref<1x5120xi32, #tpu.memory_space<hbm>>
      %dma_start3A_20 = tpu.memref_squeeze %dma_start3A_19 : memref<1x5120xi32, #tpu.memory_space<hbm>> -> memref<5120xi32, #tpu.memory_space<hbm>>
      %dma_start3A_21 = arith.constant 0 : i32
      %dma_start3A_22 = tpu.memref_slice %arg2[%add3A, %dma_start3A_21] : memref<32x5120xi32, #tpu.memory_space<hbm>> -> memref<1x5120xi32, #tpu.memory_space<hbm>>
      %dma_start3A_23 = tpu.memref_squeeze %dma_start3A_22 : memref<1x5120xi32, #tpu.memory_space<hbm>> -> memref<5120xi32, #tpu.memory_space<hbm>>
      tpu.enqueue_dma source(%dma_start3A_23 : memref<5120xi32, #tpu.memory_space<hbm>>) target(%arg8 : memref<5120xi32, #tpu.memory_space<vmem>>) target_semaphore(%run_scoped3A : memref<!tpu.dma_semaphore, #tpu.memory_space<semaphore_mem>>)
      %dma_wait3A = arith.constant 0 : i32
      %dma_wait3A_24 = tpu.memref_slice %arg2[%add3A, %dma_wait3A] : memref<32x5120xi32, #tpu.memory_space<hbm>> -> memref<1x5120xi32, #tpu.memory_space<hbm>>
      %dma_wait3A_25 = tpu.memref_squeeze %dma_wait3A_24 : memref<1x5120xi32, #tpu.memory_space<hbm>> -> memref<5120xi32, #tpu.memory_space<hbm>>
      %dma_wait3A_26 = arith.constant 0 : i32
      %dma_wait3A_27 = tpu.memref_slice %arg2[%add3A, %dma_wait3A_26] : memref<32x5120xi32, #tpu.memory_space<hbm>> -> memref<1x5120xi32, #tpu.memory_space<hbm>>
      %dma_wait3A_28 = tpu.memref_squeeze %dma_wait3A_27 : memref<1x5120xi32, #tpu.memory_space<hbm>> -> memref<5120xi32, #tpu.memory_space<hbm>>
      tpu.wait_dma2 semaphore(%run_scoped3A : memref<!tpu.dma_semaphore, #tpu.memory_space<semaphore_mem>>) src(%dma_wait3A_28 : memref<5120xi32, #tpu.memory_space<hbm>>) dst(%arg8 : memref<5120xi32, #tpu.memory_space<vmem>>)
      tpu.yield
    }) : () -> ()
    %barrier3A = arith.constant 0 : index
    tpu.barrier barrier_id(%barrier3A)
    %scan3A = arith.constant 0 : i32
    %scan3A_9 = arith.constant 0 : i32
    %scan3A_10 = arith.constant 320 : i32
    %scan3A_11 = arith.addi %scan3A_9, %scan3A_10 : i32
    %scan3A_12 = arith.constant 1 : i32
    scf.for %scan3A_19 = %scan3A_9 to %scan3A_11 step %scan3A_12  : i32 {
      %mul3A_20 = arith.constant 16 : i32
      %mul3A_21 = arith.muli %scan3A_19, %mul3A_20 : i32
      %get3A = arith.index_cast %mul3A_21 : i32 to index
      %get3A_22 = tpu.vector_load %arg7[%get3A] {strides = array<i32>} : memref<5120xi32, #tpu.memory_space<vmem>>, vector<16xi32>,
      %get3A_23 = vector.shape_cast %get3A_22 : vector<16xi32> to vector<16xi32>
      %mul3A_24 = arith.constant 16 : i32
      %mul3A_25 = arith.muli %scan3A_19, %mul3A_24 : i32
      %get3A_26 = arith.index_cast %mul3A_25 : i32 to index
      %get3A_27 = tpu.vector_load %arg8[%get3A_26] {strides = array<i32>} : memref<5120xi32, #tpu.memory_space<vmem>>, vector<16xi32>,
      %get3A_28 = vector.shape_cast %get3A_27 : vector<16xi32> to vector<16xi32>
      %dma_start3A = arith.constant 0 : i32
      %dma_start3A_29 = arith.constant 0 : i32
      %dma_start3A_30 = tpu.memref_slice %arg10[%dma_start3A, %dma_start3A_29] : memref<10240x16xf32, #tpu.memory_space<vmem_shared>> -> memref<10240x16xf32, #tpu.memory_space<vmem_shared>>
      tpu.enqueue_indirect_dma source(%dma_start3A_30 : memref<10240x16xf32, #tpu.memory_space<vmem_shared>>) target(%arg9 : memref<16x16xf32, #tpu.memory_space<vmem>>) offsets(%get3A_23 : vector<16xi32>) semaphore(%arg12 : memref<!tpu.dma_semaphore, #tpu.memory_space<semaphore_mem>>)
      %dma_wait3A = arith.constant 0 : i32
      %dma_wait3A_31 = arith.constant 0 : i32
      %dma_wait3A_32 = tpu.memref_slice %arg10[%dma_wait3A, %dma_wait3A_31] : memref<10240x16xf32, #tpu.memory_space<vmem_shared>> -> memref<10240x16xf32, #tpu.memory_space<vmem_shared>>
      tpu.wait_indirect_dma semaphore(%arg12 : memref<!tpu.dma_semaphore, #tpu.memory_space<semaphore_mem>>) src(%dma_wait3A_32 : memref<10240x16xf32, #tpu.memory_space<vmem_shared>>) dst(%arg9 : memref<16x16xf32, #tpu.memory_space<vmem>>)
      "tpu.region"() ({
        %run_scoped3A = tpu.sem_alloc : memref<!tpu.dma_semaphore, #tpu.memory_space<semaphore_mem>>
        %dma_start3A_33 = arith.constant 0 : i32
        %dma_start3A_34 = arith.constant 0 : i32
        %dma_start3A_35 = tpu.memref_slice %arg11[%dma_start3A_33, %dma_start3A_34] : memref<10240x16xf32, #tpu.memory_space<vmem_shared>> -> memref<10240x16xf32, #tpu.memory_space<vmem_shared>>
        tpu.enqueue_indirect_dma source(%arg9 : memref<16x16xf32, #tpu.memory_space<vmem>>) target(%dma_start3A_35 : memref<10240x16xf32, #tpu.memory_space<vmem_shared>>) offsets(%get3A_28 : vector<16xi32>) semaphore(%run_scoped3A : memref<!tpu.dma_semaphore, #tpu.memory_space<semaphore_mem>>) {add = true}
        %dma_wait3A_36 = arith.constant 0 : i32
        %dma_wait3A_37 = arith.constant 0 : i32
        %dma_wait3A_38 = tpu.memref_slice %arg11[%dma_wait3A_36, %dma_wait3A_37] : memref<10240x16xf32, #tpu.memory_space<vmem_shared>> -> memref<10240x16xf32, #tpu.memory_space<vmem_shared>>
        tpu.wait_indirect_dma semaphore(%run_scoped3A : memref<!tpu.dma_semaphore, #tpu.memory_space<semaphore_mem>>) src(%arg9 : memref<16x16xf32, #tpu.memory_space<vmem>>) dst(%dma_wait3A_38 : memref<10240x16xf32, #tpu.memory_space<vmem_shared>>)
        tpu.yield
      }) : () -> ()
    }
    %scan3A_13 = arith.constant 320 : i32
    %barrier3A_14 = arith.constant 0 : index
    tpu.barrier barrier_id(%barrier3A_14)
    %mul3A_15 = arith.constant 640 : i32
    %mul3A_16 = arith.muli %arg1, %mul3A_15 : i32
    %mul3A_17 = arith.constant 640 : i32
    %mul3A_18 = arith.muli %arg1, %mul3A_17 : i32
    "tpu.region"() ({
      %run_scoped3A = tpu.sem_alloc : memref<!tpu.dma_semaphore, #tpu.memory_space<semaphore_mem>>
      %dma_start3A = arith.constant 0 : i32
      %dma_start3A_19 = tpu.memref_slice %arg6[%arg0, %mul3A_18, %dma_start3A] : memref<2x10240x16xf32, #tpu.memory_space<hbm>> -> memref<1x640x16xf32, #tpu.memory_space<hbm>>
      %dma_start3A_20 = tpu.memref_squeeze %dma_start3A_19 : memref<1x640x16xf32, #tpu.memory_space<hbm>> -> memref<640x16xf32, #tpu.memory_space<hbm>>
      %dma_start3A_21 = arith.constant 0 : i32
      %dma_start3A_22 = tpu.memref_slice %arg11[%mul3A_16, %dma_start3A_21] : memref<10240x16xf32, #tpu.memory_space<vmem_shared>> -> memref<640x16xf32, #tpu.memory_space<vmem_shared>>
      tpu.enqueue_dma source(%dma_start3A_22 : memref<640x16xf32, #tpu.memory_space<vmem_shared>>) target(%dma_start3A_20 : memref<640x16xf32, #tpu.memory_space<hbm>>) target_semaphore(%run_scoped3A : memref<!tpu.dma_semaphore, #tpu.memory_space<semaphore_mem>>)
      %dma_wait3A = arith.constant 0 : i32
      %dma_wait3A_23 = tpu.memref_slice %arg6[%arg0, %mul3A_18, %dma_wait3A] : memref<2x10240x16xf32, #tpu.memory_space<hbm>> -> memref<1x640x16xf32, #tpu.memory_space<hbm>>
      %dma_wait3A_24 = tpu.memref_squeeze %dma_wait3A_23 : memref<1x640x16xf32, #tpu.memory_space<hbm>> -> memref<640x16xf32, #tpu.memory_space<hbm>>
      %dma_wait3A_25 = arith.constant 0 : i32
      %dma_wait3A_26 = tpu.memref_slice %arg11[%mul3A_16, %dma_wait3A_25] : memref<10240x16xf32, #tpu.memory_space<vmem_shared>> -> memref<640x16xf32, #tpu.memory_space<vmem_shared>>
      tpu.wait_dma2 semaphore(%run_scoped3A : memref<!tpu.dma_semaphore, #tpu.memory_space<semaphore_mem>>) src(%dma_wait3A_26 : memref<640x16xf32, #tpu.memory_space<vmem_shared>>) dst(%dma_wait3A_24 : memref<640x16xf32, #tpu.memory_space<hbm>>)
      tpu.yield
    }) : () -> ()
    return
  }
}

#map = affine_map<(d0, d1) -> (0, 0)>
#map1 = affine_map<(d0, d1) -> (0, 0, 0)>
module attributes {stable_mosaic.version = 14 : i64} {
  func.func @_k2_body(%arg0: i32, %arg1: i32, %arg2: memref<32x5120xi32, #tpu.memory_space<hbm>>, %arg3: memref<32x5120xi32, #tpu.memory_space<hbm>>, %arg4: memref<10240x16xf32, #tpu.memory_space<hbm>>, %arg5: memref<10240x16xf32, #tpu.memory_space<hbm>>, %arg6: memref<2x10240x16xf32, #tpu.memory_space<hbm>>, %arg7: memref<5120xi32, #tpu.memory_space<vmem>>, %arg8: memref<5120xi32, #tpu.memory_space<vmem>>, %arg9: memref<16x16xf32, #tpu.memory_space<vmem>>, %arg10: memref<10240x16xf32, #tpu.memory_space<vmem_shared>>, %arg11: memref<10240x16xf32, #tpu.memory_space<vmem_shared>>, %arg12: memref<!tpu.dma_semaphore, #tpu.memory_space<semaphore_mem>>) attributes {dimension_semantics = [#tpu.dimension_semantics<core_parallel>, #tpu.dimension_semantics<subcore_parallel>], iteration_bounds = array<i64: 2, 16>, scalar_prefetch = 0 : i64, scratch_operands = 6 : i64, tpu.core_type = #tpu.core_type<sc_vector_subcore>, window_params = [{transform_indices = #map}, {transform_indices = #map}, {transform_indices = #map}, {transform_indices = #map}, {transform_indices = #map1}]} {
    %mul3A = arith.constant 16 : i32
    %mul3A_0 = arith.muli %arg0, %mul3A : i32
    %add3A = arith.addi %mul3A_0, %arg1 : i32
    %mul3A_1 = arith.constant 640 : i32
    %mul3A_2 = arith.muli %arg1, %mul3A_1 : i32
    %mul3A_3 = arith.constant 640 : i32
    %mul3A_4 = arith.muli %arg1, %mul3A_3 : i32
    "tpu.region"() ({
      %run_scoped3A = tpu.sem_alloc : memref<!tpu.dma_semaphore, #tpu.memory_space<semaphore_mem>>
      %dma_start3A = arith.constant 0 : i32
      %dma_start3A_19 = tpu.memref_slice %arg11[%mul3A_4, %dma_start3A] : memref<10240x16xf32, #tpu.memory_space<vmem_shared>> -> memref<640x16xf32, #tpu.memory_space<vmem_shared>>
      %dma_start3A_20 = arith.constant 0 : i32
      %dma_start3A_21 = tpu.memref_slice %arg5[%mul3A_2, %dma_start3A_20] : memref<10240x16xf32, #tpu.memory_space<hbm>> -> memref<640x16xf32, #tpu.memory_space<hbm>>
      tpu.enqueue_dma source(%dma_start3A_21 : memref<640x16xf32, #tpu.memory_space<hbm>>) target(%dma_start3A_19 : memref<640x16xf32, #tpu.memory_space<vmem_shared>>) target_semaphore(%run_scoped3A : memref<!tpu.dma_semaphore, #tpu.memory_space<semaphore_mem>>)
      %dma_wait3A = arith.constant 0 : i32
      %dma_wait3A_22 = tpu.memref_slice %arg11[%mul3A_4, %dma_wait3A] : memref<10240x16xf32, #tpu.memory_space<vmem_shared>> -> memref<640x16xf32, #tpu.memory_space<vmem_shared>>
      %dma_wait3A_23 = arith.constant 0 : i32
      %dma_wait3A_24 = tpu.memref_slice %arg5[%mul3A_2, %dma_wait3A_23] : memref<10240x16xf32, #tpu.memory_space<hbm>> -> memref<640x16xf32, #tpu.memory_space<hbm>>
      tpu.wait_dma2 semaphore(%run_scoped3A : memref<!tpu.dma_semaphore, #tpu.memory_space<semaphore_mem>>) src(%dma_wait3A_24 : memref<640x16xf32, #tpu.memory_space<hbm>>) dst(%dma_wait3A_22 : memref<640x16xf32, #tpu.memory_space<vmem_shared>>)
      tpu.yield
    }) : () -> ()
    %mul3A_5 = arith.constant 640 : i32
    %mul3A_6 = arith.muli %arg1, %mul3A_5 : i32
    %mul3A_7 = arith.constant 640 : i32
    %mul3A_8 = arith.muli %arg1, %mul3A_7 : i32
    "tpu.region"() ({
      %run_scoped3A = tpu.sem_alloc : memref<!tpu.dma_semaphore, #tpu.memory_space<semaphore_mem>>
      %dma_start3A = arith.constant 0 : i32
      %dma_start3A_19 = tpu.memref_slice %arg10[%mul3A_8, %dma_start3A] : memref<10240x16xf32, #tpu.memory_space<vmem_shared>> -> memref<640x16xf32, #tpu.memory_space<vmem_shared>>
      %dma_start3A_20 = arith.constant 0 : i32
      %dma_start3A_21 = tpu.memref_slice %arg4[%mul3A_6, %dma_start3A_20] : memref<10240x16xf32, #tpu.memory_space<hbm>> -> memref<640x16xf32, #tpu.memory_space<hbm>>
      tpu.enqueue_dma source(%dma_start3A_21 : memref<640x16xf32, #tpu.memory_space<hbm>>) target(%dma_start3A_19 : memref<640x16xf32, #tpu.memory_space<vmem_shared>>) target_semaphore(%run_scoped3A : memref<!tpu.dma_semaphore, #tpu.memory_space<semaphore_mem>>)
      %dma_wait3A = arith.constant 0 : i32
      %dma_wait3A_22 = tpu.memref_slice %arg10[%mul3A_8, %dma_wait3A] : memref<10240x16xf32, #tpu.memory_space<vmem_shared>> -> memref<640x16xf32, #tpu.memory_space<vmem_shared>>
      %dma_wait3A_23 = arith.constant 0 : i32
      %dma_wait3A_24 = tpu.memref_slice %arg4[%mul3A_6, %dma_wait3A_23] : memref<10240x16xf32, #tpu.memory_space<hbm>> -> memref<640x16xf32, #tpu.memory_space<hbm>>
      tpu.wait_dma2 semaphore(%run_scoped3A : memref<!tpu.dma_semaphore, #tpu.memory_space<semaphore_mem>>) src(%dma_wait3A_24 : memref<640x16xf32, #tpu.memory_space<hbm>>) dst(%dma_wait3A_22 : memref<640x16xf32, #tpu.memory_space<vmem_shared>>)
      tpu.yield
    }) : () -> ()
    "tpu.region"() ({
      %run_scoped3A = tpu.sem_alloc : memref<!tpu.dma_semaphore, #tpu.memory_space<semaphore_mem>>
      %dma_start3A = arith.constant 0 : i32
      %dma_start3A_19 = tpu.memref_slice %arg3[%add3A, %dma_start3A] : memref<32x5120xi32, #tpu.memory_space<hbm>> -> memref<1x5120xi32, #tpu.memory_space<hbm>>
      %dma_start3A_20 = tpu.memref_squeeze %dma_start3A_19 : memref<1x5120xi32, #tpu.memory_space<hbm>> -> memref<5120xi32, #tpu.memory_space<hbm>>
      %dma_start3A_21 = arith.constant 0 : i32
      %dma_start3A_22 = tpu.memref_slice %arg3[%add3A, %dma_start3A_21] : memref<32x5120xi32, #tpu.memory_space<hbm>> -> memref<1x5120xi32, #tpu.memory_space<hbm>>
      %dma_start3A_23 = tpu.memref_squeeze %dma_start3A_22 : memref<1x5120xi32, #tpu.memory_space<hbm>> -> memref<5120xi32, #tpu.memory_space<hbm>>
      tpu.enqueue_dma source(%dma_start3A_23 : memref<5120xi32, #tpu.memory_space<hbm>>) target(%arg7 : memref<5120xi32, #tpu.memory_space<vmem>>) target_semaphore(%run_scoped3A : memref<!tpu.dma_semaphore, #tpu.memory_space<semaphore_mem>>)
      %dma_wait3A = arith.constant 0 : i32
      %dma_wait3A_24 = tpu.memref_slice %arg3[%add3A, %dma_wait3A] : memref<32x5120xi32, #tpu.memory_space<hbm>> -> memref<1x5120xi32, #tpu.memory_space<hbm>>
      %dma_wait3A_25 = tpu.memref_squeeze %dma_wait3A_24 : memref<1x5120xi32, #tpu.memory_space<hbm>> -> memref<5120xi32, #tpu.memory_space<hbm>>
      %dma_wait3A_26 = arith.constant 0 : i32
      %dma_wait3A_27 = tpu.memref_slice %arg3[%add3A, %dma_wait3A_26] : memref<32x5120xi32, #tpu.memory_space<hbm>> -> memref<1x5120xi32, #tpu.memory_space<hbm>>
      %dma_wait3A_28 = tpu.memref_squeeze %dma_wait3A_27 : memref<1x5120xi32, #tpu.memory_space<hbm>> -> memref<5120xi32, #tpu.memory_space<hbm>>
      tpu.wait_dma2 semaphore(%run_scoped3A : memref<!tpu.dma_semaphore, #tpu.memory_space<semaphore_mem>>) src(%dma_wait3A_28 : memref<5120xi32, #tpu.memory_space<hbm>>) dst(%arg7 : memref<5120xi32, #tpu.memory_space<vmem>>)
      tpu.yield
    }) : () -> ()
    "tpu.region"() ({
      %run_scoped3A = tpu.sem_alloc : memref<!tpu.dma_semaphore, #tpu.memory_space<semaphore_mem>>
      %dma_start3A = arith.constant 0 : i32
      %dma_start3A_19 = tpu.memref_slice %arg2[%add3A, %dma_start3A] : memref<32x5120xi32, #tpu.memory_space<hbm>> -> memref<1x5120xi32, #tpu.memory_space<hbm>>
      %dma_start3A_20 = tpu.memref_squeeze %dma_start3A_19 : memref<1x5120xi32, #tpu.memory_space<hbm>> -> memref<5120xi32, #tpu.memory_space<hbm>>
      %dma_start3A_21 = arith.constant 0 : i32
      %dma_start3A_22 = tpu.memref_slice %arg2[%add3A, %dma_start3A_21] : memref<32x5120xi32, #tpu.memory_space<hbm>> -> memref<1x5120xi32, #tpu.memory_space<hbm>>
      %dma_start3A_23 = tpu.memref_squeeze %dma_start3A_22 : memref<1x5120xi32, #tpu.memory_space<hbm>> -> memref<5120xi32, #tpu.memory_space<hbm>>
      tpu.enqueue_dma source(%dma_start3A_23 : memref<5120xi32, #tpu.memory_space<hbm>>) target(%arg8 : memref<5120xi32, #tpu.memory_space<vmem>>) target_semaphore(%run_scoped3A : memref<!tpu.dma_semaphore, #tpu.memory_space<semaphore_mem>>)
      %dma_wait3A = arith.constant 0 : i32
      %dma_wait3A_24 = tpu.memref_slice %arg2[%add3A, %dma_wait3A] : memref<32x5120xi32, #tpu.memory_space<hbm>> -> memref<1x5120xi32, #tpu.memory_space<hbm>>
      %dma_wait3A_25 = tpu.memref_squeeze %dma_wait3A_24 : memref<1x5120xi32, #tpu.memory_space<hbm>> -> memref<5120xi32, #tpu.memory_space<hbm>>
      %dma_wait3A_26 = arith.constant 0 : i32
      %dma_wait3A_27 = tpu.memref_slice %arg2[%add3A, %dma_wait3A_26] : memref<32x5120xi32, #tpu.memory_space<hbm>> -> memref<1x5120xi32, #tpu.memory_space<hbm>>
      %dma_wait3A_28 = tpu.memref_squeeze %dma_wait3A_27 : memref<1x5120xi32, #tpu.memory_space<hbm>> -> memref<5120xi32, #tpu.memory_space<hbm>>
      tpu.wait_dma2 semaphore(%run_scoped3A : memref<!tpu.dma_semaphore, #tpu.memory_space<semaphore_mem>>) src(%dma_wait3A_28 : memref<5120xi32, #tpu.memory_space<hbm>>) dst(%arg8 : memref<5120xi32, #tpu.memory_space<vmem>>)
      tpu.yield
    }) : () -> ()
    %barrier3A = arith.constant 0 : index
    tpu.barrier barrier_id(%barrier3A)
    %scan3A = arith.constant 0 : i32
    %scan3A_9 = arith.constant 0 : i32
    %scan3A_10 = arith.constant 320 : i32
    %scan3A_11 = arith.addi %scan3A_9, %scan3A_10 : i32
    %scan3A_12 = arith.constant 1 : i32
    scf.for %scan3A_19 = %scan3A_9 to %scan3A_11 step %scan3A_12  : i32 {
      %mul3A_20 = arith.constant 16 : i32
      %mul3A_21 = arith.muli %scan3A_19, %mul3A_20 : i32
      %get3A = arith.index_cast %mul3A_21 : i32 to index
      %get3A_22 = tpu.vector_load %arg7[%get3A] {strides = array<i32>} : memref<5120xi32, #tpu.memory_space<vmem>>, vector<16xi32>,
      %get3A_23 = vector.shape_cast %get3A_22 : vector<16xi32> to vector<16xi32>
      %mul3A_24 = arith.constant 16 : i32
      %mul3A_25 = arith.muli %scan3A_19, %mul3A_24 : i32
      %get3A_26 = arith.index_cast %mul3A_25 : i32 to index
      %get3A_27 = tpu.vector_load %arg8[%get3A_26] {strides = array<i32>} : memref<5120xi32, #tpu.memory_space<vmem>>, vector<16xi32>,
      %get3A_28 = vector.shape_cast %get3A_27 : vector<16xi32> to vector<16xi32>
      %dma_start3A = arith.constant 0 : i32
      %dma_start3A_29 = arith.constant 0 : i32
      %dma_start3A_30 = tpu.memref_slice %arg10[%dma_start3A, %dma_start3A_29] : memref<10240x16xf32, #tpu.memory_space<vmem_shared>> -> memref<10240x16xf32, #tpu.memory_space<vmem_shared>>
      tpu.enqueue_indirect_dma source(%dma_start3A_30 : memref<10240x16xf32, #tpu.memory_space<vmem_shared>>) target(%arg9 : memref<16x16xf32, #tpu.memory_space<vmem>>) offsets(%get3A_23 : vector<16xi32>) semaphore(%arg12 : memref<!tpu.dma_semaphore, #tpu.memory_space<semaphore_mem>>)
      %dma_wait3A = arith.constant 0 : i32
      %dma_wait3A_31 = arith.constant 0 : i32
      %dma_wait3A_32 = tpu.memref_slice %arg10[%dma_wait3A, %dma_wait3A_31] : memref<10240x16xf32, #tpu.memory_space<vmem_shared>> -> memref<10240x16xf32, #tpu.memory_space<vmem_shared>>
      tpu.wait_indirect_dma semaphore(%arg12 : memref<!tpu.dma_semaphore, #tpu.memory_space<semaphore_mem>>) src(%dma_wait3A_32 : memref<10240x16xf32, #tpu.memory_space<vmem_shared>>) dst(%arg9 : memref<16x16xf32, #tpu.memory_space<vmem>>)
      "tpu.region"() ({
        %run_scoped3A = tpu.sem_alloc : memref<!tpu.dma_semaphore, #tpu.memory_space<semaphore_mem>>
        %dma_start3A_33 = arith.constant 0 : i32
        %dma_start3A_34 = arith.constant 0 : i32
        %dma_start3A_35 = tpu.memref_slice %arg11[%dma_start3A_33, %dma_start3A_34] : memref<10240x16xf32, #tpu.memory_space<vmem_shared>> -> memref<10240x16xf32, #tpu.memory_space<vmem_shared>>
        tpu.enqueue_indirect_dma source(%arg9 : memref<16x16xf32, #tpu.memory_space<vmem>>) target(%dma_start3A_35 : memref<10240x16xf32, #tpu.memory_space<vmem_shared>>) offsets(%get3A_28 : vector<16xi32>) semaphore(%run_scoped3A : memref<!tpu.dma_semaphore, #tpu.memory_space<semaphore_mem>>) {add = true}
        %dma_wait3A_36 = arith.constant 0 : i32
        %dma_wait3A_37 = arith.constant 0 : i32
        %dma_wait3A_38 = tpu.memref_slice %arg11[%dma_wait3A_36, %dma_wait3A_37] : memref<10240x16xf32, #tpu.memory_space<vmem_shared>> -> memref<10240x16xf32, #tpu.memory_space<vmem_shared>>
        tpu.wait_indirect_dma semaphore(%run_scoped3A : memref<!tpu.dma_semaphore, #tpu.memory_space<semaphore_mem>>) src(%arg9 : memref<16x16xf32, #tpu.memory_space<vmem>>) dst(%dma_wait3A_38 : memref<10240x16xf32, #tpu.memory_space<vmem_shared>>)
        tpu.yield
      }) : () -> ()
    }
    %scan3A_13 = arith.constant 320 : i32
    %barrier3A_14 = arith.constant 0 : index
    tpu.barrier barrier_id(%barrier3A_14)
    %mul3A_15 = arith.constant 640 : i32
    %mul3A_16 = arith.muli %arg1, %mul3A_15 : i32
    %mul3A_17 = arith.constant 640 : i32
    %mul3A_18 = arith.muli %arg1, %mul3A_17 : i32
    "tpu.region"() ({
      %run_scoped3A = tpu.sem_alloc : memref<!tpu.dma_semaphore, #tpu.memory_space<semaphore_mem>>
      %dma_start3A = arith.constant 0 : i32
      %dma_start3A_19 = tpu.memref_slice %arg6[%arg0, %mul3A_18, %dma_start3A] : memref<2x10240x16xf32, #tpu.memory_space<hbm>> -> memref<1x640x16xf32, #tpu.memory_space<hbm>>
      %dma_start3A_20 = tpu.memref_squeeze %dma_start3A_19 : memref<1x640x16xf32, #tpu.memory_space<hbm>> -> memref<640x16xf32, #tpu.memory_space<hbm>>
      %dma_start3A_21 = arith.constant 0 : i32
      %dma_start3A_22 = tpu.memref_slice %arg11[%mul3A_16, %dma_start3A_21] : memref<10240x16xf32, #tpu.memory_space<vmem_shared>> -> memref<640x16xf32, #tpu.memory_space<vmem_shared>>
      tpu.enqueue_dma source(%dma_start3A_22 : memref<640x16xf32, #tpu.memory_space<vmem_shared>>) target(%dma_start3A_20 : memref<640x16xf32, #tpu.memory_space<hbm>>) target_semaphore(%run_scoped3A : memref<!tpu.dma_semaphore, #tpu.memory_space<semaphore_mem>>)
      %dma_wait3A = arith.constant 0 : i32
      %dma_wait3A_23 = tpu.memref_slice %arg6[%arg0, %mul3A_18, %dma_wait3A] : memref<2x10240x16xf32, #tpu.memory_space<hbm>> -> memref<1x640x16xf32, #tpu.memory_space<hbm>>
      %dma_wait3A_24 = tpu.memref_squeeze %dma_wait3A_23 : memref<1x640x16xf32, #tpu.memory_space<hbm>> -> memref<640x16xf32, #tpu.memory_space<hbm>>
      %dma_wait3A_25 = arith.constant 0 : i32
      %dma_wait3A_26 = tpu.memref_slice %arg11[%mul3A_16, %dma_wait3A_25] : memref<10240x16xf32, #tpu.memory_space<vmem_shared>> -> memref<640x16xf32, #tpu.memory_space<vmem_shared>>
      tpu.wait_dma2 semaphore(%run_scoped3A : memref<!tpu.dma_semaphore, #tpu.memory_space<semaphore_mem>>) src(%dma_wait3A_26 : memref<640x16xf32, #tpu.memory_space<vmem_shared>>) dst(%dma_wait3A_24 : memref<640x16xf32, #tpu.memory_space<hbm>>)
      tpu.yield
    }) : () -> ()
    return
  }
}

module attributes {stable_mosaic.version = 14 : i64} {
  func.func @_k0_body(%arg0: memref<256x6912xf32, #tpu.memory_space<vmem>>, %arg1: memref<8x6912xf32, #tpu.memory_space<vmem>>) attributes {dimension_semantics = [], scalar_prefetch = 0 : i64, scratch_operands = 0 : i64, tpu.core_type = #tpu.core_type<tc>} {
    %get3A = arith.constant 0 : index
    %get3A_0 = arith.constant 0 : index
    %get3A_1 = vector.load %arg0[%get3A, %get3A_0] : memref<256x6912xf32, #tpu.memory_space<vmem>>, vector<256x6912xf32>
    %get3A_2 = arith.constant 0 : index
    %get3A_3 = arith.constant 0 : index
    %get3A_4 = vector.load %arg0[%get3A_2, %get3A_3] : memref<256x6912xf32, #tpu.memory_space<vmem>>, vector<256x6912xf32>
    %mul3A = arith.mulf %get3A_1, %get3A_4 : vector<256x6912xf32>
    %reduce_sum3A = arith.constant dense<0.000000e+00> : vector<6912xf32>
    %reduce_sum3A_5 = vector.multi_reduction <add>, %mul3A, %reduce_sum3A [0] : vector<256x6912xf32> to vector<6912xf32>
    %broadcast_in_dim3A = vector.shape_cast %reduce_sum3A_5 : vector<6912xf32> to vector<1x6912xf32>
    %iota3A = tpu.iota {dimensions = array<i32: 1>} : vector<1x6912xi32>
    %lt3A = arith.constant 6890 : i32
    %lt3A_6 = vector.broadcast %lt3A : i32 to vector<1x6912xi32>
    %lt3A_7 = arith.cmpi slt, %iota3A, %lt3A_6 : vector<1x6912xi32>
    %jit3A = arith.constant 1.000000e+30 : f32
    %broadcast_in_dim3A_8 = vector.broadcast %jit3A : f32 to vector<1x6912xf32>
    %select_n3A = arith.select %lt3A_7, %broadcast_in_dim3A, %broadcast_in_dim3A_8 : vector<1x6912xi1>, vector<1x6912xf32>
    %broadcast_in_dim3A_9 = vector.shape_cast %select_n3A : vector<1x6912xf32> to vector<1x6912xf32>
    %broadcast_in_dim3A_10 = vector.broadcast %broadcast_in_dim3A_9 : vector<1x6912xf32> to vector<8x6912xf32>
    %swap3A = arith.constant 0 : index
    %swap3A_11 = arith.constant 0 : index
    %swap3A_12 = vector.load %arg1[%swap3A, %swap3A_11] : memref<8x6912xf32, #tpu.memory_space<vmem>>, vector<8x6912xf32>
    tpu.vector_store %arg1[%swap3A, %swap3A_11], %broadcast_in_dim3A_10 {strides = array<i32>} : memref<8x6912xf32, #tpu.memory_space<vmem>>, vector<8x6912xf32>,
    return
  }
}

module attributes {stable_mosaic.version = 14 : i64} {
  func.func @_k1_body(%arg0: i32, %arg1: memref<128x256xf32, #tpu.memory_space<vmem>>, %arg2: memref<6912x256xf32, #tpu.memory_space<vmem>>, %arg3: memref<8x6912xf32, #tpu.memory_space<vmem>>, %arg4: memref<8x6912xf32, #tpu.memory_space<vmem>>, %arg5: memref<128x3xf32, #tpu.memory_space<vmem>>, %arg6: memref<128x16xf32, #tpu.memory_space<vmem>>) attributes {dimension_semantics = [#tpu.dimension_semantics<arbitrary>], iteration_bounds = array<i64: 79>, scalar_prefetch = 0 : i64, scratch_operands = 0 : i64, tpu.core_type = #tpu.core_type<tc>, window_params = [{transform_indices = @transform_0, window_bounds = array<i64: 128, 256>}, {pipeline_mode = #tpu.pipeline_mode<synchronous>, transform_indices = @transform_1, window_bounds = array<i64: 6912, 256>}, {pipeline_mode = #tpu.pipeline_mode<synchronous>, transform_indices = @transform_2, window_bounds = array<i64: 8, 6912>}, {pipeline_mode = #tpu.pipeline_mode<synchronous>, transform_indices = @transform_3, window_bounds = array<i64: 8, 6912>}, {transform_indices = @transform_4, window_bounds = array<i64: 128, 3>}, {transform_indices = @transform_5, window_bounds = array<i64: 128, 16>}]} {
    %get3A = arith.constant 0 : index
    %get3A_0 = arith.constant 0 : index
    %get3A_1 = vector.load %arg1[%get3A, %get3A_0] : memref<128x256xf32, #tpu.memory_space<vmem>>, vector<128x256xf32>
    %get3A_2 = arith.constant 0 : index
    %get3A_3 = arith.constant 0 : index
    %get3A_4 = vector.load %arg2[%get3A_2, %get3A_3] : memref<6912x256xf32, #tpu.memory_space<vmem>>, vector<6912x256xf32>
    %dot_general3A = arith.constant dense<0.000000e+00> : vector<128x6912xf32>
    %dot_general3A_5 = tpu.matmul %get3A_1, %get3A_4, %dot_general3A {dimension_numbers = #tpu.dot_dimension_numbers<[1], [1], [0], [0], [0, 0, 1, 0], [], []>, transpose_lhs_hint = false} : vector<128x256xf32>, vector<6912x256xf32>, vector<128x6912xf32> -> vector<128x6912xf32>
    %get3A_6 = arith.constant 0 : index
    %get3A_7 = arith.constant 0 : index
    %get3A_8 = vector.load %arg3[%get3A_6, %get3A_7] : memref<8x6912xf32, #tpu.memory_space<vmem>>, vector<1x6912xf32>
    %mul3A = arith.constant 2.000000e+00 : f32
    %mul3A_9 = vector.broadcast %mul3A : f32 to vector<128x6912xf32>
    %mul3A_10 = arith.mulf %mul3A_9, %dot_general3A_5 : vector<128x6912xf32>
    %sub3A = vector.broadcast %get3A_8 : vector<1x6912xf32> to vector<128x6912xf32>
    %sub3A_11 = arith.subf %sub3A, %mul3A_10 : vector<128x6912xf32>
    %reduce_min3A = arith.constant dense<0x7F800000> : vector<128xf32>
    %reduce_min3A_12 = vector.multi_reduction <minimumf>, %sub3A_11, %reduce_min3A [1] : vector<128x6912xf32> to vector<128xf32>
    %broadcast_in_dim3A = vector.shape_cast %reduce_min3A_12 : vector<128xf32> to vector<128x1xf32>
    %gt3A = vector.broadcast %broadcast_in_dim3A : vector<128x1xf32> to vector<128x6912xf32>
    %gt3A_13 = arith.cmpf ogt, %sub3A_11, %gt3A : vector<128x6912xf32>
    %jit3A = arith.constant 1.000000e+30 : f32
    %broadcast_in_dim3A_14 = vector.broadcast %jit3A : f32 to vector<128x6912xf32>
    %select_n3A = arith.select %gt3A_13, %sub3A_11, %broadcast_in_dim3A_14 : vector<128x6912xi1>, vector<128x6912xf32>
    %reduce_min3A_15 = arith.constant dense<0x7F800000> : vector<128xf32>
    %reduce_min3A_16 = vector.multi_reduction <minimumf>, %select_n3A, %reduce_min3A_15 [1] : vector<128x6912xf32> to vector<128xf32>
    %broadcast_in_dim3A_17 = vector.shape_cast %reduce_min3A_16 : vector<128xf32> to vector<128x1xf32>
    %gt3A_18 = vector.broadcast %broadcast_in_dim3A_17 : vector<128x1xf32> to vector<128x6912xf32>
    %gt3A_19 = arith.cmpf ogt, %sub3A_11, %gt3A_18 : vector<128x6912xf32>
    %jit3A_20 = arith.constant 1.000000e+30 : f32
    %broadcast_in_dim3A_21 = vector.broadcast %jit3A_20 : f32 to vector<128x6912xf32>
    %select_n3A_22 = arith.select %gt3A_19, %sub3A_11, %broadcast_in_dim3A_21 : vector<128x6912xi1>, vector<128x6912xf32>
    %reduce_min3A_23 = arith.constant dense<0x7F800000> : vector<128xf32>
    %reduce_min3A_24 = vector.multi_reduction <minimumf>, %select_n3A_22, %reduce_min3A_23 [1] : vector<128x6912xf32> to vector<128xf32>
    %broadcast_in_dim3A_25 = vector.shape_cast %reduce_min3A_24 : vector<128xf32> to vector<128x1xf32>
    %gt3A_26 = vector.broadcast %broadcast_in_dim3A_25 : vector<128x1xf32> to vector<128x6912xf32>
    %gt3A_27 = arith.cmpf ogt, %sub3A_11, %gt3A_26 : vector<128x6912xf32>
    %jit3A_28 = arith.constant 1.000000e+30 : f32
    %broadcast_in_dim3A_29 = vector.broadcast %jit3A_28 : f32 to vector<128x6912xf32>
    %select_n3A_30 = arith.select %gt3A_27, %sub3A_11, %broadcast_in_dim3A_29 : vector<128x6912xi1>, vector<128x6912xf32>
    %reduce_min3A_31 = arith.constant dense<0x7F800000> : vector<128xf32>
    %reduce_min3A_32 = vector.multi_reduction <minimumf>, %select_n3A_30, %reduce_min3A_31 [1] : vector<128x6912xf32> to vector<128xf32>
    %broadcast_in_dim3A_33 = vector.shape_cast %reduce_min3A_32 : vector<128xf32> to vector<128x1xf32>
    %gt3A_34 = vector.broadcast %broadcast_in_dim3A_33 : vector<128x1xf32> to vector<128x6912xf32>
    %gt3A_35 = arith.cmpf ogt, %sub3A_11, %gt3A_34 : vector<128x6912xf32>
    %jit3A_36 = arith.constant 1.000000e+30 : f32
    %broadcast_in_dim3A_37 = vector.broadcast %jit3A_36 : f32 to vector<128x6912xf32>
    %select_n3A_38 = arith.select %gt3A_35, %sub3A_11, %broadcast_in_dim3A_37 : vector<128x6912xi1>, vector<128x6912xf32>
    %reduce_min3A_39 = arith.constant dense<0x7F800000> : vector<128xf32>
    %reduce_min3A_40 = vector.multi_reduction <minimumf>, %select_n3A_38, %reduce_min3A_39 [1] : vector<128x6912xf32> to vector<128xf32>
    %broadcast_in_dim3A_41 = vector.shape_cast %reduce_min3A_40 : vector<128xf32> to vector<128x1xf32>
    %gt3A_42 = vector.broadcast %broadcast_in_dim3A_41 : vector<128x1xf32> to vector<128x6912xf32>
    %gt3A_43 = arith.cmpf ogt, %sub3A_11, %gt3A_42 : vector<128x6912xf32>
    %jit3A_44 = arith.constant 1.000000e+30 : f32
    %broadcast_in_dim3A_45 = vector.broadcast %jit3A_44 : f32 to vector<128x6912xf32>
    %select_n3A_46 = arith.select %gt3A_43, %sub3A_11, %broadcast_in_dim3A_45 : vector<128x6912xi1>, vector<128x6912xf32>
    %reduce_min3A_47 = arith.constant dense<0x7F800000> : vector<128xf32>
    %reduce_min3A_48 = vector.multi_reduction <minimumf>, %select_n3A_46, %reduce_min3A_47 [1] : vector<128x6912xf32> to vector<128xf32>
    %broadcast_in_dim3A_49 = vector.shape_cast %reduce_min3A_48 : vector<128xf32> to vector<128x1xf32>
    %le3A = vector.broadcast %broadcast_in_dim3A_49 : vector<128x1xf32> to vector<128x6912xf32>
    %le3A_50 = arith.cmpf ole, %sub3A_11, %le3A : vector<128x6912xf32>
    %sub3A_51 = vector.broadcast %broadcast_in_dim3A : vector<128x1xf32> to vector<128x6912xf32>
    %sub3A_52 = arith.subf %sub3A_51, %sub3A_11 : vector<128x6912xf32>
    %exp3A = math.exp %sub3A_52 : vector<128x6912xf32>
    %jit3A_53 = arith.constant 0.000000e+00 : f32
    %broadcast_in_dim3A_54 = vector.broadcast %jit3A_53 : f32 to vector<128x6912xf32>
    %select_n3A_55 = arith.select %le3A_50, %exp3A, %broadcast_in_dim3A_54 : vector<128x6912xi1>, vector<128x6912xf32>
    %get3A_56 = arith.constant 0 : index
    %get3A_57 = arith.constant 0 : index
    %get3A_58 = vector.load %arg4[%get3A_56, %get3A_57] : memref<8x6912xf32, #tpu.memory_space<vmem>>, vector<8x6912xf32>
    %dot_general3A_59 = arith.constant dense<0.000000e+00> : vector<128x8xf32>
    %dot_general3A_60 = tpu.matmul %select_n3A_55, %get3A_58, %dot_general3A_59 {dimension_numbers = #tpu.dot_dimension_numbers<[1], [1], [0], [0], [0, 0, 1, 0], [], []>, transpose_lhs_hint = false} : vector<128x6912xf32>, vector<8x6912xf32>, vector<128x8xf32> -> vector<128x8xf32>
    %slice3A = vector.extract_strided_slice %dot_general3A_60 {offsets = [0, 0], sizes = [128, 3], strides = [1, 1]} : vector<128x8xf32> to vector<128x3xf32>
    %slice3A_61 = vector.extract_strided_slice %dot_general3A_60 {offsets = [0, 3], sizes = [128, 1], strides = [1, 1]} : vector<128x8xf32> to vector<128x1xf32>
    %div3A = vector.broadcast %slice3A_61 : vector<128x1xf32> to vector<128x3xf32>
    %div3A_62 = arith.divf %slice3A, %div3A : vector<128x3xf32>
    %get3A_63 = arith.constant 0 : index
    %get3A_64 = arith.constant 0 : index
    %get3A_65 = vector.load %arg5[%get3A_63, %get3A_64] : memref<128x3xf32, #tpu.memory_space<vmem>>, vector<128x3xf32>
    %broadcast_in_dim3A_66 = arith.constant 1.000000e+00 : f32
    %broadcast_in_dim3A_67 = vector.broadcast %broadcast_in_dim3A_66 : f32 to vector<128x1xf32>
    %slice3A_68 = vector.extract_strided_slice %get3A_65 {offsets = [0, 0], sizes = [128, 1], strides = [1, 1]} : vector<128x3xf32> to vector<128x1xf32>
    %slice3A_69 = vector.extract_strided_slice %div3A_62 {offsets = [0, 0], sizes = [128, 1], strides = [1, 1]} : vector<128x3xf32> to vector<128x1xf32>
    %mul3A_70 = arith.mulf %slice3A_68, %slice3A_69 : vector<128x1xf32>
    %slice3A_71 = vector.extract_strided_slice %get3A_65 {offsets = [0, 0], sizes = [128, 1], strides = [1, 1]} : vector<128x3xf32> to vector<128x1xf32>
    %slice3A_72 = vector.extract_strided_slice %div3A_62 {offsets = [0, 1], sizes = [128, 1], strides = [1, 1]} : vector<128x3xf32> to vector<128x1xf32>
    %mul3A_73 = arith.mulf %slice3A_71, %slice3A_72 : vector<128x1xf32>
    %slice3A_74 = vector.extract_strided_slice %get3A_65 {offsets = [0, 0], sizes = [128, 1], strides = [1, 1]} : vector<128x3xf32> to vector<128x1xf32>
    %slice3A_75 = vector.extract_strided_slice %div3A_62 {offsets = [0, 2], sizes = [128, 1], strides = [1, 1]} : vector<128x3xf32> to vector<128x1xf32>
    %mul3A_76 = arith.mulf %slice3A_74, %slice3A_75 : vector<128x1xf32>
    %slice3A_77 = vector.extract_strided_slice %get3A_65 {offsets = [0, 1], sizes = [128, 1], strides = [1, 1]} : vector<128x3xf32> to vector<128x1xf32>
    %slice3A_78 = vector.extract_strided_slice %div3A_62 {offsets = [0, 0], sizes = [128, 1], strides = [1, 1]} : vector<128x3xf32> to vector<128x1xf32>
    %mul3A_79 = arith.mulf %slice3A_77, %slice3A_78 : vector<128x1xf32>
    %slice3A_80 = vector.extract_strided_slice %get3A_65 {offsets = [0, 1], sizes = [128, 1], strides = [1, 1]} : vector<128x3xf32> to vector<128x1xf32>
    %slice3A_81 = vector.extract_strided_slice %div3A_62 {offsets = [0, 1], sizes = [128, 1], strides = [1, 1]} : vector<128x3xf32> to vector<128x1xf32>
    %mul3A_82 = arith.mulf %slice3A_80, %slice3A_81 : vector<128x1xf32>
    %slice3A_83 = vector.extract_strided_slice %get3A_65 {offsets = [0, 1], sizes = [128, 1], strides = [1, 1]} : vector<128x3xf32> to vector<128x1xf32>
    %slice3A_84 = vector.extract_strided_slice %div3A_62 {offsets = [0, 2], sizes = [128, 1], strides = [1, 1]} : vector<128x3xf32> to vector<128x1xf32>
    %mul3A_85 = arith.mulf %slice3A_83, %slice3A_84 : vector<128x1xf32>
    %slice3A_86 = vector.extract_strided_slice %get3A_65 {offsets = [0, 2], sizes = [128, 1], strides = [1, 1]} : vector<128x3xf32> to vector<128x1xf32>
    %slice3A_87 = vector.extract_strided_slice %div3A_62 {offsets = [0, 0], sizes = [128, 1], strides = [1, 1]} : vector<128x3xf32> to vector<128x1xf32>
    %mul3A_88 = arith.mulf %slice3A_86, %slice3A_87 : vector<128x1xf32>
    %slice3A_89 = vector.extract_strided_slice %get3A_65 {offsets = [0, 2], sizes = [128, 1], strides = [1, 1]} : vector<128x3xf32> to vector<128x1xf32>
    %slice3A_90 = vector.extract_strided_slice %div3A_62 {offsets = [0, 1], sizes = [128, 1], strides = [1, 1]} : vector<128x3xf32> to vector<128x1xf32>
    %mul3A_91 = arith.mulf %slice3A_89, %slice3A_90 : vector<128x1xf32>
    %slice3A_92 = vector.extract_strided_slice %get3A_65 {offsets = [0, 2], sizes = [128, 1], strides = [1, 1]} : vector<128x3xf32> to vector<128x1xf32>
    %slice3A_93 = vector.extract_strided_slice %div3A_62 {offsets = [0, 2], sizes = [128, 1], strides = [1, 1]} : vector<128x3xf32> to vector<128x1xf32>
    %mul3A_94 = arith.mulf %slice3A_92, %slice3A_93 : vector<128x1xf32>
    %concatenate3A = tpu.concatenate %broadcast_in_dim3A_67, %get3A_65, %div3A_62, %mul3A_70, %mul3A_73, %mul3A_76, %mul3A_79, %mul3A_82, %mul3A_85, %mul3A_88, %mul3A_91, %mul3A_94 in 1 : vector<128x1xf32>, vector<128x3xf32>, vector<128x3xf32>, vector<128x1xf32>, vector<128x1xf32>, vector<128x1xf32>, vector<128x1xf32>, vector<128x1xf32>, vector<128x1xf32>, vector<128x1xf32>, vector<128x1xf32>, vector<128x1xf32> -> vector<128x16xf32>
    %swap3A = arith.constant 0 : index
    %swap3A_95 = arith.constant 0 : index
    %swap3A_96 = vector.load %arg6[%swap3A, %swap3A_95] : memref<128x16xf32, #tpu.memory_space<vmem>>, vector<128x16xf32>
    tpu.vector_store %arg6[%swap3A, %swap3A_95], %concatenate3A {strides = array<i32>} : memref<128x16xf32, #tpu.memory_space<vmem>>, vector<128x16xf32>,
    return
  }
  func.func @transform_0(%arg0: i32) -> (i32, i32) {
    %c0_i32 = arith.constant 0 : i32
    %c0_i32_0 = arith.constant 0 : i32
    return %arg0, %c0_i32 : i32, i32
  }
  func.func @transform_1(%arg0: i32) -> (i32, i32) {
    %c0_i32 = arith.constant 0 : i32
    %c0_i32_0 = arith.constant 0 : i32
    %c0_i32_1 = arith.constant 0 : i32
    return %c0_i32, %c0_i32_0 : i32, i32
  }
  func.func @transform_2(%arg0: i32) -> (i32, i32) {
    %c0_i32 = arith.constant 0 : i32
    %c0_i32_0 = arith.constant 0 : i32
    %c0_i32_1 = arith.constant 0 : i32
    return %c0_i32, %c0_i32_0 : i32, i32
  }
  func.func @transform_3(%arg0: i32) -> (i32, i32) {
    %c0_i32 = arith.constant 0 : i32
    %c0_i32_0 = arith.constant 0 : i32
    %c0_i32_1 = arith.constant 0 : i32
    return %c0_i32, %c0_i32_0 : i32, i32
  }
  func.func @transform_4(%arg0: i32) -> (i32, i32) {
    %c0_i32 = arith.constant 0 : i32
    %c0_i32_0 = arith.constant 0 : i32
    return %arg0, %c0_i32 : i32, i32
  }
  func.func @transform_5(%arg0: i32) -> (i32, i32) {
    %c0_i32 = arith.constant 0 : i32
    %c0_i32_0 = arith.constant 0 : i32
    return %arg0, %c0_i32 : i32, i32
  }
}

module attributes {stable_mosaic.version = 14 : i64} {
  func.func @_k3_body(%arg0: memref<2x16x8x1280xf32, #tpu.memory_space<vmem>>, %arg1: memref<3x8x1280xf32, #tpu.memory_space<vmem>>, %arg2: memref<3x8x1280xf32, #tpu.memory_space<vmem>>, %arg3: memref<9x8x1280xf32, #tpu.memory_space<vmem>>, %arg4: memref<3x8x1280xf32, #tpu.memory_space<vmem>>, %arg5: memref<8x1280xf32, #tpu.memory_space<vmem>>, %arg6: memref<8x1280xf32, #tpu.memory_space<vmem>>) attributes {dimension_semantics = [], scalar_prefetch = 0 : i64, scratch_operands = 0 : i64, tpu.core_type = #tpu.core_type<tc>} {
    %get3A = arith.constant 0 : index
    %get3A_0 = arith.constant 0 : index
    %get3A_1 = arith.constant 0 : index
    %get3A_2 = arith.constant 0 : index
    %get3A_3 = vector.load %arg0[%get3A, %get3A_0, %get3A_1, %get3A_2] : memref<2x16x8x1280xf32, #tpu.memory_space<vmem>>, vector<1x1x8x1280xf32>
    %get3A_4 = vector.shape_cast %get3A_3 : vector<1x1x8x1280xf32> to vector<8x1280xf32>
    %get3A_5 = arith.constant 1 : index
    %get3A_6 = arith.constant 0 : index
    %get3A_7 = arith.constant 0 : index
    %get3A_8 = arith.constant 0 : index
    %get3A_9 = vector.load %arg0[%get3A_5, %get3A_6, %get3A_7, %get3A_8] : memref<2x16x8x1280xf32, #tpu.memory_space<vmem>>, vector<1x1x8x1280xf32>
    %get3A_10 = vector.shape_cast %get3A_9 : vector<1x1x8x1280xf32> to vector<8x1280xf32>
    %add3A = arith.addf %get3A_4, %get3A_10 : vector<8x1280xf32>
    %get3A_11 = arith.constant 0 : index
    %get3A_12 = arith.constant 1 : index
    %get3A_13 = arith.constant 0 : index
    %get3A_14 = arith.constant 0 : index
    %get3A_15 = vector.load %arg0[%get3A_11, %get3A_12, %get3A_13, %get3A_14] : memref<2x16x8x1280xf32, #tpu.memory_space<vmem>>, vector<1x1x8x1280xf32>
    %get3A_16 = vector.shape_cast %get3A_15 : vector<1x1x8x1280xf32> to vector<8x1280xf32>
    %get3A_17 = arith.constant 1 : index
    %get3A_18 = arith.constant 1 : index
    %get3A_19 = arith.constant 0 : index
    %get3A_20 = arith.constant 0 : index
    %get3A_21 = vector.load %arg0[%get3A_17, %get3A_18, %get3A_19, %get3A_20] : memref<2x16x8x1280xf32, #tpu.memory_space<vmem>>, vector<1x1x8x1280xf32>
    %get3A_22 = vector.shape_cast %get3A_21 : vector<1x1x8x1280xf32> to vector<8x1280xf32>
    %add3A_23 = arith.addf %get3A_16, %get3A_22 : vector<8x1280xf32>
    %get3A_24 = arith.constant 0 : index
    %get3A_25 = arith.constant 2 : index
    %get3A_26 = arith.constant 0 : index
    %get3A_27 = arith.constant 0 : index
    %get3A_28 = vector.load %arg0[%get3A_24, %get3A_25, %get3A_26, %get3A_27] : memref<2x16x8x1280xf32, #tpu.memory_space<vmem>>, vector<1x1x8x1280xf32>
    %get3A_29 = vector.shape_cast %get3A_28 : vector<1x1x8x1280xf32> to vector<8x1280xf32>
    %get3A_30 = arith.constant 1 : index
    %get3A_31 = arith.constant 2 : index
    %get3A_32 = arith.constant 0 : index
    %get3A_33 = arith.constant 0 : index
    %get3A_34 = vector.load %arg0[%get3A_30, %get3A_31, %get3A_32, %get3A_33] : memref<2x16x8x1280xf32, #tpu.memory_space<vmem>>, vector<1x1x8x1280xf32>
    %get3A_35 = vector.shape_cast %get3A_34 : vector<1x1x8x1280xf32> to vector<8x1280xf32>
    %add3A_36 = arith.addf %get3A_29, %get3A_35 : vector<8x1280xf32>
    %get3A_37 = arith.constant 0 : index
    %get3A_38 = arith.constant 3 : index
    %get3A_39 = arith.constant 0 : index
    %get3A_40 = arith.constant 0 : index
    %get3A_41 = vector.load %arg0[%get3A_37, %get3A_38, %get3A_39, %get3A_40] : memref<2x16x8x1280xf32, #tpu.memory_space<vmem>>, vector<1x1x8x1280xf32>
    %get3A_42 = vector.shape_cast %get3A_41 : vector<1x1x8x1280xf32> to vector<8x1280xf32>
    %get3A_43 = arith.constant 1 : index
    %get3A_44 = arith.constant 3 : index
    %get3A_45 = arith.constant 0 : index
    %get3A_46 = arith.constant 0 : index
    %get3A_47 = vector.load %arg0[%get3A_43, %get3A_44, %get3A_45, %get3A_46] : memref<2x16x8x1280xf32, #tpu.memory_space<vmem>>, vector<1x1x8x1280xf32>
    %get3A_48 = vector.shape_cast %get3A_47 : vector<1x1x8x1280xf32> to vector<8x1280xf32>
    %add3A_49 = arith.addf %get3A_42, %get3A_48 : vector<8x1280xf32>
    %get3A_50 = arith.constant 0 : index
    %get3A_51 = arith.constant 4 : index
    %get3A_52 = arith.constant 0 : index
    %get3A_53 = arith.constant 0 : index
    %get3A_54 = vector.load %arg0[%get3A_50, %get3A_51, %get3A_52, %get3A_53] : memref<2x16x8x1280xf32, #tpu.memory_space<vmem>>, vector<1x1x8x1280xf32>
    %get3A_55 = vector.shape_cast %get3A_54 : vector<1x1x8x1280xf32> to vector<8x1280xf32>
    %get3A_56 = arith.constant 1 : index
    %get3A_57 = arith.constant 4 : index
    %get3A_58 = arith.constant 0 : index
    %get3A_59 = arith.constant 0 : index
    %get3A_60 = vector.load %arg0[%get3A_56, %get3A_57, %get3A_58, %get3A_59] : memref<2x16x8x1280xf32, #tpu.memory_space<vmem>>, vector<1x1x8x1280xf32>
    %get3A_61 = vector.shape_cast %get3A_60 : vector<1x1x8x1280xf32> to vector<8x1280xf32>
    %add3A_62 = arith.addf %get3A_55, %get3A_61 : vector<8x1280xf32>
    %get3A_63 = arith.constant 0 : index
    %get3A_64 = arith.constant 5 : index
    %get3A_65 = arith.constant 0 : index
    %get3A_66 = arith.constant 0 : index
    %get3A_67 = vector.load %arg0[%get3A_63, %get3A_64, %get3A_65, %get3A_66] : memref<2x16x8x1280xf32, #tpu.memory_space<vmem>>, vector<1x1x8x1280xf32>
    %get3A_68 = vector.shape_cast %get3A_67 : vector<1x1x8x1280xf32> to vector<8x1280xf32>
    %get3A_69 = arith.constant 1 : index
    %get3A_70 = arith.constant 5 : index
    %get3A_71 = arith.constant 0 : index
    %get3A_72 = arith.constant 0 : index
    %get3A_73 = vector.load %arg0[%get3A_69, %get3A_70, %get3A_71, %get3A_72] : memref<2x16x8x1280xf32, #tpu.memory_space<vmem>>, vector<1x1x8x1280xf32>
    %get3A_74 = vector.shape_cast %get3A_73 : vector<1x1x8x1280xf32> to vector<8x1280xf32>
    %add3A_75 = arith.addf %get3A_68, %get3A_74 : vector<8x1280xf32>
    %get3A_76 = arith.constant 0 : index
    %get3A_77 = arith.constant 6 : index
    %get3A_78 = arith.constant 0 : index
    %get3A_79 = arith.constant 0 : index
    %get3A_80 = vector.load %arg0[%get3A_76, %get3A_77, %get3A_78, %get3A_79] : memref<2x16x8x1280xf32, #tpu.memory_space<vmem>>, vector<1x1x8x1280xf32>
    %get3A_81 = vector.shape_cast %get3A_80 : vector<1x1x8x1280xf32> to vector<8x1280xf32>
    %get3A_82 = arith.constant 1 : index
    %get3A_83 = arith.constant 6 : index
    %get3A_84 = arith.constant 0 : index
    %get3A_85 = arith.constant 0 : index
    %get3A_86 = vector.load %arg0[%get3A_82, %get3A_83, %get3A_84, %get3A_85] : memref<2x16x8x1280xf32, #tpu.memory_space<vmem>>, vector<1x1x8x1280xf32>
    %get3A_87 = vector.shape_cast %get3A_86 : vector<1x1x8x1280xf32> to vector<8x1280xf32>
    %add3A_88 = arith.addf %get3A_81, %get3A_87 : vector<8x1280xf32>
    %get3A_89 = arith.constant 0 : index
    %get3A_90 = arith.constant 7 : index
    %get3A_91 = arith.constant 0 : index
    %get3A_92 = arith.constant 0 : index
    %get3A_93 = vector.load %arg0[%get3A_89, %get3A_90, %get3A_91, %get3A_92] : memref<2x16x8x1280xf32, #tpu.memory_space<vmem>>, vector<1x1x8x1280xf32>
    %get3A_94 = vector.shape_cast %get3A_93 : vector<1x1x8x1280xf32> to vector<8x1280xf32>
    %get3A_95 = arith.constant 1 : index
    %get3A_96 = arith.constant 7 : index
    %get3A_97 = arith.constant 0 : index
    %get3A_98 = arith.constant 0 : index
    %get3A_99 = vector.load %arg0[%get3A_95, %get3A_96, %get3A_97, %get3A_98] : memref<2x16x8x1280xf32, #tpu.memory_space<vmem>>, vector<1x1x8x1280xf32>
    %get3A_100 = vector.shape_cast %get3A_99 : vector<1x1x8x1280xf32> to vector<8x1280xf32>
    %add3A_101 = arith.addf %get3A_94, %get3A_100 : vector<8x1280xf32>
    %get3A_102 = arith.constant 0 : index
    %get3A_103 = arith.constant 8 : index
    %get3A_104 = arith.constant 0 : index
    %get3A_105 = arith.constant 0 : index
    %get3A_106 = vector.load %arg0[%get3A_102, %get3A_103, %get3A_104, %get3A_105] : memref<2x16x8x1280xf32, #tpu.memory_space<vmem>>, vector<1x1x8x1280xf32>
    %get3A_107 = vector.shape_cast %get3A_106 : vector<1x1x8x1280xf32> to vector<8x1280xf32>
    %get3A_108 = arith.constant 1 : index
    %get3A_109 = arith.constant 8 : index
    %get3A_110 = arith.constant 0 : index
    %get3A_111 = arith.constant 0 : index
    %get3A_112 = vector.load %arg0[%get3A_108, %get3A_109, %get3A_110, %get3A_111] : memref<2x16x8x1280xf32, #tpu.memory_space<vmem>>, vector<1x1x8x1280xf32>
    %get3A_113 = vector.shape_cast %get3A_112 : vector<1x1x8x1280xf32> to vector<8x1280xf32>
    %add3A_114 = arith.addf %get3A_107, %get3A_113 : vector<8x1280xf32>
    %get3A_115 = arith.constant 0 : index
    %get3A_116 = arith.constant 9 : index
    %get3A_117 = arith.constant 0 : index
    %get3A_118 = arith.constant 0 : index
    %get3A_119 = vector.load %arg0[%get3A_115, %get3A_116, %get3A_117, %get3A_118] : memref<2x16x8x1280xf32, #tpu.memory_space<vmem>>, vector<1x1x8x1280xf32>
    %get3A_120 = vector.shape_cast %get3A_119 : vector<1x1x8x1280xf32> to vector<8x1280xf32>
    %get3A_121 = arith.constant 1 : index
    %get3A_122 = arith.constant 9 : index
    %get3A_123 = arith.constant 0 : index
    %get3A_124 = arith.constant 0 : index
    %get3A_125 = vector.load %arg0[%get3A_121, %get3A_122, %get3A_123, %get3A_124] : memref<2x16x8x1280xf32, #tpu.memory_space<vmem>>, vector<1x1x8x1280xf32>
    %get3A_126 = vector.shape_cast %get3A_125 : vector<1x1x8x1280xf32> to vector<8x1280xf32>
    %add3A_127 = arith.addf %get3A_120, %get3A_126 : vector<8x1280xf32>
    %get3A_128 = arith.constant 0 : index
    %get3A_129 = arith.constant 10 : index
    %get3A_130 = arith.constant 0 : index
    %get3A_131 = arith.constant 0 : index
    %get3A_132 = vector.load %arg0[%get3A_128, %get3A_129, %get3A_130, %get3A_131] : memref<2x16x8x1280xf32, #tpu.memory_space<vmem>>, vector<1x1x8x1280xf32>
    %get3A_133 = vector.shape_cast %get3A_132 : vector<1x1x8x1280xf32> to vector<8x1280xf32>
    %get3A_134 = arith.constant 1 : index
    %get3A_135 = arith.constant 10 : index
    %get3A_136 = arith.constant 0 : index
    %get3A_137 = arith.constant 0 : index
    %get3A_138 = vector.load %arg0[%get3A_134, %get3A_135, %get3A_136, %get3A_137] : memref<2x16x8x1280xf32, #tpu.memory_space<vmem>>, vector<1x1x8x1280xf32>
    %get3A_139 = vector.shape_cast %get3A_138 : vector<1x1x8x1280xf32> to vector<8x1280xf32>
    %add3A_140 = arith.addf %get3A_133, %get3A_139 : vector<8x1280xf32>
    %get3A_141 = arith.constant 0 : index
    %get3A_142 = arith.constant 11 : index
    %get3A_143 = arith.constant 0 : index
    %get3A_144 = arith.constant 0 : index
    %get3A_145 = vector.load %arg0[%get3A_141, %get3A_142, %get3A_143, %get3A_144] : memref<2x16x8x1280xf32, #tpu.memory_space<vmem>>, vector<1x1x8x1280xf32>
    %get3A_146 = vector.shape_cast %get3A_145 : vector<1x1x8x1280xf32> to vector<8x1280xf32>
    %get3A_147 = arith.constant 1 : index
    %get3A_148 = arith.constant 11 : index
    %get3A_149 = arith.constant 0 : index
    %get3A_150 = arith.constant 0 : index
    %get3A_151 = vector.load %arg0[%get3A_147, %get3A_148, %get3A_149, %get3A_150] : memref<2x16x8x1280xf32, #tpu.memory_space<vmem>>, vector<1x1x8x1280xf32>
    %get3A_152 = vector.shape_cast %get3A_151 : vector<1x1x8x1280xf32> to vector<8x1280xf32>
    %add3A_153 = arith.addf %get3A_146, %get3A_152 : vector<8x1280xf32>
    %get3A_154 = arith.constant 0 : index
    %get3A_155 = arith.constant 12 : index
    %get3A_156 = arith.constant 0 : index
    %get3A_157 = arith.constant 0 : index
    %get3A_158 = vector.load %arg0[%get3A_154, %get3A_155, %get3A_156, %get3A_157] : memref<2x16x8x1280xf32, #tpu.memory_space<vmem>>, vector<1x1x8x1280xf32>
    %get3A_159 = vector.shape_cast %get3A_158 : vector<1x1x8x1280xf32> to vector<8x1280xf32>
    %get3A_160 = arith.constant 1 : index
    %get3A_161 = arith.constant 12 : index
    %get3A_162 = arith.constant 0 : index
    %get3A_163 = arith.constant 0 : index
    %get3A_164 = vector.load %arg0[%get3A_160, %get3A_161, %get3A_162, %get3A_163] : memref<2x16x8x1280xf32, #tpu.memory_space<vmem>>, vector<1x1x8x1280xf32>
    %get3A_165 = vector.shape_cast %get3A_164 : vector<1x1x8x1280xf32> to vector<8x1280xf32>
    %add3A_166 = arith.addf %get3A_159, %get3A_165 : vector<8x1280xf32>
    %get3A_167 = arith.constant 0 : index
    %get3A_168 = arith.constant 13 : index
    %get3A_169 = arith.constant 0 : index
    %get3A_170 = arith.constant 0 : index
    %get3A_171 = vector.load %arg0[%get3A_167, %get3A_168, %get3A_169, %get3A_170] : memref<2x16x8x1280xf32, #tpu.memory_space<vmem>>, vector<1x1x8x1280xf32>
    %get3A_172 = vector.shape_cast %get3A_171 : vector<1x1x8x1280xf32> to vector<8x1280xf32>
    %get3A_173 = arith.constant 1 : index
    %get3A_174 = arith.constant 13 : index
    %get3A_175 = arith.constant 0 : index
    %get3A_176 = arith.constant 0 : index
    %get3A_177 = vector.load %arg0[%get3A_173, %get3A_174, %get3A_175, %get3A_176] : memref<2x16x8x1280xf32, #tpu.memory_space<vmem>>, vector<1x1x8x1280xf32>
    %get3A_178 = vector.shape_cast %get3A_177 : vector<1x1x8x1280xf32> to vector<8x1280xf32>
    %add3A_179 = arith.addf %get3A_172, %get3A_178 : vector<8x1280xf32>
    %get3A_180 = arith.constant 0 : index
    %get3A_181 = arith.constant 14 : index
    %get3A_182 = arith.constant 0 : index
    %get3A_183 = arith.constant 0 : index
    %get3A_184 = vector.load %arg0[%get3A_180, %get3A_181, %get3A_182, %get3A_183] : memref<2x16x8x1280xf32, #tpu.memory_space<vmem>>, vector<1x1x8x1280xf32>
    %get3A_185 = vector.shape_cast %get3A_184 : vector<1x1x8x1280xf32> to vector<8x1280xf32>
    %get3A_186 = arith.constant 1 : index
    %get3A_187 = arith.constant 14 : index
    %get3A_188 = arith.constant 0 : index
    %get3A_189 = arith.constant 0 : index
    %get3A_190 = vector.load %arg0[%get3A_186, %get3A_187, %get3A_188, %get3A_189] : memref<2x16x8x1280xf32, #tpu.memory_space<vmem>>, vector<1x1x8x1280xf32>
    %get3A_191 = vector.shape_cast %get3A_190 : vector<1x1x8x1280xf32> to vector<8x1280xf32>
    %add3A_192 = arith.addf %get3A_185, %get3A_191 : vector<8x1280xf32>
    %get3A_193 = arith.constant 0 : index
    %get3A_194 = arith.constant 15 : index
    %get3A_195 = arith.constant 0 : index
    %get3A_196 = arith.constant 0 : index
    %get3A_197 = vector.load %arg0[%get3A_193, %get3A_194, %get3A_195, %get3A_196] : memref<2x16x8x1280xf32, #tpu.memory_space<vmem>>, vector<1x1x8x1280xf32>
    %get3A_198 = vector.shape_cast %get3A_197 : vector<1x1x8x1280xf32> to vector<8x1280xf32>
    %get3A_199 = arith.constant 1 : index
    %get3A_200 = arith.constant 15 : index
    %get3A_201 = arith.constant 0 : index
    %get3A_202 = arith.constant 0 : index
    %get3A_203 = vector.load %arg0[%get3A_199, %get3A_200, %get3A_201, %get3A_202] : memref<2x16x8x1280xf32, #tpu.memory_space<vmem>>, vector<1x1x8x1280xf32>
    %get3A_204 = vector.shape_cast %get3A_203 : vector<1x1x8x1280xf32> to vector<8x1280xf32>
    %add3A_205 = arith.addf %get3A_198, %get3A_204 : vector<8x1280xf32>
    %max3A = arith.constant 1.000000e+00 : f32
    %max3A_206 = vector.broadcast %max3A : f32 to vector<8x1280xf32>
    %max3A_207 = arith.maximumf %add3A, %max3A_206 : vector<8x1280xf32>
    %div3A = arith.constant 1.000000e+00 : f32
    %div3A_208 = vector.broadcast %div3A : f32 to vector<8x1280xf32>
    %div3A_209 = arith.divf %div3A_208, %max3A_207 : vector<8x1280xf32>
    %mul3A = arith.mulf %add3A_23, %div3A_209 : vector<8x1280xf32>
    %mul3A_210 = arith.mulf %add3A_36, %div3A_209 : vector<8x1280xf32>
    %mul3A_211 = arith.mulf %add3A_49, %div3A_209 : vector<8x1280xf32>
    %mul3A_212 = arith.mulf %add3A_62, %div3A_209 : vector<8x1280xf32>
    %mul3A_213 = arith.mulf %add3A_75, %div3A_209 : vector<8x1280xf32>
    %mul3A_214 = arith.mulf %add3A_88, %div3A_209 : vector<8x1280xf32>
    %mul3A_215 = arith.mulf %max3A_207, %mul3A : vector<8x1280xf32>
    %mul3A_216 = arith.mulf %mul3A_215, %mul3A_212 : vector<8x1280xf32>
    %sub3A = arith.subf %add3A_101, %mul3A_216 : vector<8x1280xf32>
    %mul3A_217 = arith.mulf %max3A_207, %mul3A : vector<8x1280xf32>
    %mul3A_218 = arith.mulf %mul3A_217, %mul3A_213 : vector<8x1280xf32>
    %sub3A_219 = arith.subf %add3A_114, %mul3A_218 : vector<8x1280xf32>
    %mul3A_220 = arith.mulf %max3A_207, %mul3A : vector<8x1280xf32>
    %mul3A_221 = arith.mulf %mul3A_220, %mul3A_214 : vector<8x1280xf32>
    %sub3A_222 = arith.subf %add3A_127, %mul3A_221 : vector<8x1280xf32>
    %mul3A_223 = arith.mulf %max3A_207, %mul3A_210 : vector<8x1280xf32>
    %mul3A_224 = arith.mulf %mul3A_223, %mul3A_212 : vector<8x1280xf32>
    %sub3A_225 = arith.subf %add3A_140, %mul3A_224 : vector<8x1280xf32>
    %mul3A_226 = arith.mulf %max3A_207, %mul3A_210 : vector<8x1280xf32>
    %mul3A_227 = arith.mulf %mul3A_226, %mul3A_213 : vector<8x1280xf32>
    %sub3A_228 = arith.subf %add3A_153, %mul3A_227 : vector<8x1280xf32>
    %mul3A_229 = arith.mulf %max3A_207, %mul3A_210 : vector<8x1280xf32>
    %mul3A_230 = arith.mulf %mul3A_229, %mul3A_214 : vector<8x1280xf32>
    %sub3A_231 = arith.subf %add3A_166, %mul3A_230 : vector<8x1280xf32>
    %mul3A_232 = arith.mulf %max3A_207, %mul3A_211 : vector<8x1280xf32>
    %mul3A_233 = arith.mulf %mul3A_232, %mul3A_212 : vector<8x1280xf32>
    %sub3A_234 = arith.subf %add3A_179, %mul3A_233 : vector<8x1280xf32>
    %mul3A_235 = arith.mulf %max3A_207, %mul3A_211 : vector<8x1280xf32>
    %mul3A_236 = arith.mulf %mul3A_235, %mul3A_213 : vector<8x1280xf32>
    %sub3A_237 = arith.subf %add3A_192, %mul3A_236 : vector<8x1280xf32>
    %mul3A_238 = arith.mulf %max3A_207, %mul3A_211 : vector<8x1280xf32>
    %mul3A_239 = arith.mulf %mul3A_238, %mul3A_214 : vector<8x1280xf32>
    %sub3A_240 = arith.subf %add3A_205, %mul3A_239 : vector<8x1280xf32>
    %mul3A_241 = arith.mulf %sub3A, %sub3A : vector<8x1280xf32>
    %mul3A_242 = arith.mulf %sub3A_225, %sub3A_225 : vector<8x1280xf32>
    %add3A_243 = arith.addf %mul3A_241, %mul3A_242 : vector<8x1280xf32>
    %mul3A_244 = arith.mulf %sub3A_234, %sub3A_234 : vector<8x1280xf32>
    %add3A_245 = arith.addf %add3A_243, %mul3A_244 : vector<8x1280xf32>
    %mul3A_246 = arith.mulf %sub3A, %sub3A_219 : vector<8x1280xf32>
    %mul3A_247 = arith.mulf %sub3A_225, %sub3A_228 : vector<8x1280xf32>
    %add3A_248 = arith.addf %mul3A_246, %mul3A_247 : vector<8x1280xf32>
    %mul3A_249 = arith.mulf %sub3A_234, %sub3A_237 : vector<8x1280xf32>
    %add3A_250 = arith.addf %add3A_248, %mul3A_249 : vector<8x1280xf32>
    %mul3A_251 = arith.mulf %sub3A, %sub3A_222 : vector<8x1280xf32>
    %mul3A_252 = arith.mulf %sub3A_225, %sub3A_231 : vector<8x1280xf32>
    %add3A_253 = arith.addf %mul3A_251, %mul3A_252 : vector<8x1280xf32>
    %mul3A_254 = arith.mulf %sub3A_234, %sub3A_240 : vector<8x1280xf32>
    %add3A_255 = arith.addf %add3A_253, %mul3A_254 : vector<8x1280xf32>
    %mul3A_256 = arith.mulf %sub3A_219, %sub3A_219 : vector<8x1280xf32>
    %mul3A_257 = arith.mulf %sub3A_228, %sub3A_228 : vector<8x1280xf32>
    %add3A_258 = arith.addf %mul3A_256, %mul3A_257 : vector<8x1280xf32>
    %mul3A_259 = arith.mulf %sub3A_237, %sub3A_237 : vector<8x1280xf32>
    %add3A_260 = arith.addf %add3A_258, %mul3A_259 : vector<8x1280xf32>
    %mul3A_261 = arith.mulf %sub3A_219, %sub3A_222 : vector<8x1280xf32>
    %mul3A_262 = arith.mulf %sub3A_228, %sub3A_231 : vector<8x1280xf32>
    %add3A_263 = arith.addf %mul3A_261, %mul3A_262 : vector<8x1280xf32>
    %mul3A_264 = arith.mulf %sub3A_237, %sub3A_240 : vector<8x1280xf32>
    %add3A_265 = arith.addf %add3A_263, %mul3A_264 : vector<8x1280xf32>
    %mul3A_266 = arith.mulf %sub3A_222, %sub3A_222 : vector<8x1280xf32>
    %mul3A_267 = arith.mulf %sub3A_231, %sub3A_231 : vector<8x1280xf32>
    %add3A_268 = arith.addf %mul3A_266, %mul3A_267 : vector<8x1280xf32>
    %mul3A_269 = arith.mulf %sub3A_240, %sub3A_240 : vector<8x1280xf32>
    %add3A_270 = arith.addf %add3A_268, %mul3A_269 : vector<8x1280xf32>
    %add3A_271 = arith.addf %add3A_245, %add3A_260 : vector<8x1280xf32>
    %add3A_272 = arith.addf %add3A_271, %add3A_270 : vector<8x1280xf32>
    %mul3A_273 = arith.mulf %add3A_101, %add3A_101 : vector<8x1280xf32>
    %add3A_274 = arith.constant 0.000000e+00 : f32
    %add3A_275 = vector.broadcast %add3A_274 : f32 to vector<8x1280xf32>
    %add3A_276 = arith.addf %add3A_275, %mul3A_273 : vector<8x1280xf32>
    %mul3A_277 = arith.mulf %add3A_114, %add3A_114 : vector<8x1280xf32>
    %add3A_278 = arith.addf %add3A_276, %mul3A_277 : vector<8x1280xf32>
    %mul3A_279 = arith.mulf %add3A_127, %add3A_127 : vector<8x1280xf32>
    %add3A_280 = arith.addf %add3A_278, %mul3A_279 : vector<8x1280xf32>
    %mul3A_281 = arith.mulf %add3A_140, %add3A_140 : vector<8x1280xf32>
    %add3A_282 = arith.addf %add3A_280, %mul3A_281 : vector<8x1280xf32>
    %mul3A_283 = arith.mulf %add3A_153, %add3A_153 : vector<8x1280xf32>
    %add3A_284 = arith.addf %add3A_282, %mul3A_283 : vector<8x1280xf32>
    %mul3A_285 = arith.mulf %add3A_166, %add3A_166 : vector<8x1280xf32>
    %add3A_286 = arith.addf %add3A_284, %mul3A_285 : vector<8x1280xf32>
    %mul3A_287 = arith.mulf %add3A_179, %add3A_179 : vector<8x1280xf32>
    %add3A_288 = arith.addf %add3A_286, %mul3A_287 : vector<8x1280xf32>
    %mul3A_289 = arith.mulf %add3A_192, %add3A_192 : vector<8x1280xf32>
    %add3A_290 = arith.addf %add3A_288, %mul3A_289 : vector<8x1280xf32>
    %mul3A_291 = arith.mulf %add3A_205, %add3A_205 : vector<8x1280xf32>
    %add3A_292 = arith.addf %add3A_290, %mul3A_291 : vector<8x1280xf32>
    %mul3A_293 = arith.mulf %max3A_207, %max3A_207 : vector<8x1280xf32>
    %mul3A_294 = arith.mulf %mul3A, %mul3A : vector<8x1280xf32>
    %mul3A_295 = arith.mulf %mul3A_210, %mul3A_210 : vector<8x1280xf32>
    %add3A_296 = arith.addf %mul3A_294, %mul3A_295 : vector<8x1280xf32>
    %mul3A_297 = arith.mulf %mul3A_211, %mul3A_211 : vector<8x1280xf32>
    %add3A_298 = arith.addf %add3A_296, %mul3A_297 : vector<8x1280xf32>
    %mul3A_299 = arith.mulf %mul3A_293, %add3A_298 : vector<8x1280xf32>
    %mul3A_300 = arith.mulf %mul3A_212, %mul3A_212 : vector<8x1280xf32>
    %mul3A_301 = arith.mulf %mul3A_213, %mul3A_213 : vector<8x1280xf32>
    %add3A_302 = arith.addf %mul3A_300, %mul3A_301 : vector<8x1280xf32>
    %mul3A_303 = arith.mulf %mul3A_214, %mul3A_214 : vector<8x1280xf32>
    %add3A_304 = arith.addf %add3A_302, %mul3A_303 : vector<8x1280xf32>
    %mul3A_305 = arith.mulf %mul3A_299, %add3A_304 : vector<8x1280xf32>
    %broadcast_in_dim3A = arith.constant 1.000000e+00 : f32
    %broadcast_in_dim3A_306 = vector.broadcast %broadcast_in_dim3A : f32 to vector<8x1280xf32>
    %broadcast_in_dim3A_307 = arith.constant 0.000000e+00 : f32
    %broadcast_in_dim3A_308 = vector.broadcast %broadcast_in_dim3A_307 : f32 to vector<8x1280xf32>
    %ne3A = arith.constant 0.000000e+00 : f32
    %ne3A_309 = vector.broadcast %ne3A : f32 to vector<8x1280xf32>
    %ne3A_310 = arith.cmpf one, %add3A_250, %ne3A_309 : vector<8x1280xf32>
    %jit3A = arith.constant 1.000000e+00 : f32
    %broadcast_in_dim3A_311 = vector.broadcast %jit3A : f32 to vector<8x1280xf32>
    %select_n3A = arith.select %ne3A_310, %add3A_250, %broadcast_in_dim3A_311 : vector<8x1280xi1>, vector<8x1280xf32>
    %sub3A_312 = arith.subf %add3A_260, %add3A_245 : vector<8x1280xf32>
    %mul3A_313 = arith.constant 5.000000e-01 : f32
    %mul3A_314 = vector.broadcast %mul3A_313 : f32 to vector<8x1280xf32>
    %mul3A_315 = arith.mulf %sub3A_312, %mul3A_314 : vector<8x1280xf32>
    %div3A_316 = arith.divf %mul3A_315, %select_n3A : vector<8x1280xf32>
    %sign3A = tpu.bitcast %div3A_316 : vector<8x1280xf32> -> vector<8x1280xi32>
    %sign3A_317 = arith.constant -2147483648 : i32
    %sign3A_318 = vector.broadcast %sign3A_317 : i32 to vector<8x1280xi32>
    %sign3A_319 = arith.andi %sign3A, %sign3A_318 : vector<8x1280xi32>
    %sign3A_320 = arith.constant 1065353216 : i32
    %sign3A_321 = vector.broadcast %sign3A_320 : i32 to vector<8x1280xi32>
    %sign3A_322 = arith.ori %sign3A_321, %sign3A_319 : vector<8x1280xi32>
    %sign3A_323 = tpu.bitcast %sign3A_322 : vector<8x1280xi32> -> vector<8x1280xf32>
    %sign3A_324 = math.absf %div3A_316 : vector<8x1280xf32>
    %sign3A_325 = arith.constant 0.000000e+00 : f32
    %sign3A_326 = vector.broadcast %sign3A_325 : f32 to vector<8x1280xf32>
    %sign3A_327 = arith.cmpf ogt, %sign3A_324, %sign3A_326 : vector<8x1280xf32>
    %sign3A_328 = arith.select %sign3A_327, %sign3A_323, %div3A_316 : vector<8x1280xi1>, vector<8x1280xf32>
    %abs3A = math.absf %div3A_316 : vector<8x1280xf32>
    %mul3A_329 = arith.mulf %div3A_316, %div3A_316 : vector<8x1280xf32>
    %add3A_330 = arith.constant 1.000000e+00 : f32
    %add3A_331 = vector.broadcast %add3A_330 : f32 to vector<8x1280xf32>
    %add3A_332 = arith.addf %add3A_331, %mul3A_329 : vector<8x1280xf32>
    %sqrt3A = math.sqrt %add3A_332 : vector<8x1280xf32>
    %add3A_333 = arith.addf %abs3A, %sqrt3A : vector<8x1280xf32>
    %div3A_334 = arith.divf %sign3A_328, %add3A_333 : vector<8x1280xf32>
    %eq3A = arith.constant 0.000000e+00 : f32
    %eq3A_335 = vector.broadcast %eq3A : f32 to vector<8x1280xf32>
    %eq3A_336 = arith.cmpf oeq, %div3A_316, %eq3A_335 : vector<8x1280xf32>
    %jit3A_337 = arith.constant 1.000000e+00 : f32
    %broadcast_in_dim3A_338 = vector.broadcast %jit3A_337 : f32 to vector<8x1280xf32>
    %select_n3A_339 = arith.select %eq3A_336, %broadcast_in_dim3A_338, %div3A_334 : vector<8x1280xi1>, vector<8x1280xf32>
    %eq3A_340 = arith.constant 0.000000e+00 : f32
    %eq3A_341 = vector.broadcast %eq3A_340 : f32 to vector<8x1280xf32>
    %eq3A_342 = arith.cmpf oeq, %add3A_250, %eq3A_341 : vector<8x1280xf32>
    %jit3A_343 = arith.constant 0.000000e+00 : f32
    %broadcast_in_dim3A_344 = vector.broadcast %jit3A_343 : f32 to vector<8x1280xf32>
    %select_n3A_345 = arith.select %eq3A_342, %broadcast_in_dim3A_344, %select_n3A_339 : vector<8x1280xi1>, vector<8x1280xf32>
    %mul3A_346 = arith.mulf %select_n3A_345, %select_n3A_345 : vector<8x1280xf32>
    %add3A_347 = arith.constant 1.000000e+00 : f32
    %add3A_348 = vector.broadcast %add3A_347 : f32 to vector<8x1280xf32>
    %add3A_349 = arith.addf %add3A_348, %mul3A_346 : vector<8x1280xf32>
    %rsqrt3A = math.rsqrt %add3A_349 : vector<8x1280xf32>
    %mul3A_350 = arith.mulf %select_n3A_345, %rsqrt3A : vector<8x1280xf32>
    %mul3A_351 = arith.mulf %select_n3A_345, %add3A_250 : vector<8x1280xf32>
    %sub3A_352 = arith.subf %add3A_245, %mul3A_351 : vector<8x1280xf32>
    %mul3A_353 = arith.mulf %select_n3A_345, %add3A_250 : vector<8x1280xf32>
    %add3A_354 = arith.addf %add3A_260, %mul3A_353 : vector<8x1280xf32>
    %broadcast_in_dim3A_355 = arith.constant 0.000000e+00 : f32
    %broadcast_in_dim3A_356 = vector.broadcast %broadcast_in_dim3A_355 : f32 to vector<8x1280xf32>
    %mul3A_357 = arith.mulf %rsqrt3A, %add3A_255 : vector<8x1280xf32>
    %mul3A_358 = arith.mulf %mul3A_350, %add3A_265 : vector<8x1280xf32>
    %sub3A_359 = arith.subf %mul3A_357, %mul3A_358 : vector<8x1280xf32>
    %mul3A_360 = arith.mulf %mul3A_350, %add3A_255 : vector<8x1280xf32>
    %mul3A_361 = arith.mulf %rsqrt3A, %add3A_265 : vector<8x1280xf32>
    %add3A_362 = arith.addf %mul3A_360, %mul3A_361 : vector<8x1280xf32>
    %mul3A_363 = arith.mulf %rsqrt3A, %broadcast_in_dim3A_306 : vector<8x1280xf32>
    %mul3A_364 = arith.mulf %mul3A_350, %broadcast_in_dim3A_308 : vector<8x1280xf32>
    %sub3A_365 = arith.subf %mul3A_363, %mul3A_364 : vector<8x1280xf32>
    %mul3A_366 = arith.mulf %mul3A_350, %broadcast_in_dim3A_306 : vector<8x1280xf32>
    %mul3A_367 = arith.mulf %rsqrt3A, %broadcast_in_dim3A_308 : vector<8x1280xf32>
    %add3A_368 = arith.addf %mul3A_366, %mul3A_367 : vector<8x1280xf32>
    %mul3A_369 = arith.mulf %rsqrt3A, %broadcast_in_dim3A_308 : vector<8x1280xf32>
    %mul3A_370 = arith.mulf %mul3A_350, %broadcast_in_dim3A_306 : vector<8x1280xf32>
    %sub3A_371 = arith.subf %mul3A_369, %mul3A_370 : vector<8x1280xf32>
    %mul3A_372 = arith.mulf %mul3A_350, %broadcast_in_dim3A_308 : vector<8x1280xf32>
    %mul3A_373 = arith.mulf %rsqrt3A, %broadcast_in_dim3A_306 : vector<8x1280xf32>
    %add3A_374 = arith.addf %mul3A_372, %mul3A_373 : vector<8x1280xf32>
    %mul3A_375 = arith.mulf %rsqrt3A, %broadcast_in_dim3A_308 : vector<8x1280xf32>
    %mul3A_376 = arith.mulf %mul3A_350, %broadcast_in_dim3A_308 : vector<8x1280xf32>
    %sub3A_377 = arith.subf %mul3A_375, %mul3A_376 : vector<8x1280xf32>
    %mul3A_378 = arith.mulf %mul3A_350, %broadcast_in_dim3A_308 : vector<8x1280xf32>
    %mul3A_379 = arith.mulf %rsqrt3A, %broadcast_in_dim3A_308 : vector<8x1280xf32>
    %add3A_380 = arith.addf %mul3A_378, %mul3A_379 : vector<8x1280xf32>
    %ne3A_381 = arith.constant 0.000000e+00 : f32
    %ne3A_382 = vector.broadcast %ne3A_381 : f32 to vector<8x1280xf32>
    %ne3A_383 = arith.cmpf one, %sub3A_359, %ne3A_382 : vector<8x1280xf32>
    %jit3A_384 = arith.constant 1.000000e+00 : f32
    %broadcast_in_dim3A_385 = vector.broadcast %jit3A_384 : f32 to vector<8x1280xf32>
    %select_n3A_386 = arith.select %ne3A_383, %sub3A_359, %broadcast_in_dim3A_385 : vector<8x1280xi1>, vector<8x1280xf32>
    %sub3A_387 = arith.subf %add3A_270, %sub3A_352 : vector<8x1280xf32>
    %mul3A_388 = arith.constant 5.000000e-01 : f32
    %mul3A_389 = vector.broadcast %mul3A_388 : f32 to vector<8x1280xf32>
    %mul3A_390 = arith.mulf %sub3A_387, %mul3A_389 : vector<8x1280xf32>
    %div3A_391 = arith.divf %mul3A_390, %select_n3A_386 : vector<8x1280xf32>
    %sign3A_392 = tpu.bitcast %div3A_391 : vector<8x1280xf32> -> vector<8x1280xi32>
    %sign3A_393 = arith.constant -2147483648 : i32
    %sign3A_394 = vector.broadcast %sign3A_393 : i32 to vector<8x1280xi32>
    %sign3A_395 = arith.andi %sign3A_392, %sign3A_394 : vector<8x1280xi32>
    %sign3A_396 = arith.constant 1065353216 : i32
    %sign3A_397 = vector.broadcast %sign3A_396 : i32 to vector<8x1280xi32>
    %sign3A_398 = arith.ori %sign3A_397, %sign3A_395 : vector<8x1280xi32>
    %sign3A_399 = tpu.bitcast %sign3A_398 : vector<8x1280xi32> -> vector<8x1280xf32>
    %sign3A_400 = math.absf %div3A_391 : vector<8x1280xf32>
    %sign3A_401 = arith.constant 0.000000e+00 : f32
    %sign3A_402 = vector.broadcast %sign3A_401 : f32 to vector<8x1280xf32>
    %sign3A_403 = arith.cmpf ogt, %sign3A_400, %sign3A_402 : vector<8x1280xf32>
    %sign3A_404 = arith.select %sign3A_403, %sign3A_399, %div3A_391 : vector<8x1280xi1>, vector<8x1280xf32>
    %abs3A_405 = math.absf %div3A_391 : vector<8x1280xf32>
    %mul3A_406 = arith.mulf %div3A_391, %div3A_391 : vector<8x1280xf32>
    %add3A_407 = arith.constant 1.000000e+00 : f32
    %add3A_408 = vector.broadcast %add3A_407 : f32 to vector<8x1280xf32>
    %add3A_409 = arith.addf %add3A_408, %mul3A_406 : vector<8x1280xf32>
    %sqrt3A_410 = math.sqrt %add3A_409 : vector<8x1280xf32>
    %add3A_411 = arith.addf %abs3A_405, %sqrt3A_410 : vector<8x1280xf32>
    %div3A_412 = arith.divf %sign3A_404, %add3A_411 : vector<8x1280xf32>
    %eq3A_413 = arith.constant 0.000000e+00 : f32
    %eq3A_414 = vector.broadcast %eq3A_413 : f32 to vector<8x1280xf32>
    %eq3A_415 = arith.cmpf oeq, %div3A_391, %eq3A_414 : vector<8x1280xf32>
    %jit3A_416 = arith.constant 1.000000e+00 : f32
    %broadcast_in_dim3A_417 = vector.broadcast %jit3A_416 : f32 to vector<8x1280xf32>
    %select_n3A_418 = arith.select %eq3A_415, %broadcast_in_dim3A_417, %div3A_412 : vector<8x1280xi1>, vector<8x1280xf32>
    %eq3A_419 = arith.constant 0.000000e+00 : f32
    %eq3A_420 = vector.broadcast %eq3A_419 : f32 to vector<8x1280xf32>
    %eq3A_421 = arith.cmpf oeq, %sub3A_359, %eq3A_420 : vector<8x1280xf32>
    %jit3A_422 = arith.constant 0.000000e+00 : f32
    %broadcast_in_dim3A_423 = vector.broadcast %jit3A_422 : f32 to vector<8x1280xf32>
    %select_n3A_424 = arith.select %eq3A_421, %broadcast_in_dim3A_423, %select_n3A_418 : vector<8x1280xi1>, vector<8x1280xf32>
    %mul3A_425 = arith.mulf %select_n3A_424, %select_n3A_424 : vector<8x1280xf32>
    %add3A_426 = arith.constant 1.000000e+00 : f32
    %add3A_427 = vector.broadcast %add3A_426 : f32 to vector<8x1280xf32>
    %add3A_428 = arith.addf %add3A_427, %mul3A_425 : vector<8x1280xf32>
    %rsqrt3A_429 = math.rsqrt %add3A_428 : vector<8x1280xf32>
    %mul3A_430 = arith.mulf %select_n3A_424, %rsqrt3A_429 : vector<8x1280xf32>
    %mul3A_431 = arith.mulf %select_n3A_424, %sub3A_359 : vector<8x1280xf32>
    %sub3A_432 = arith.subf %sub3A_352, %mul3A_431 : vector<8x1280xf32>
    %mul3A_433 = arith.mulf %select_n3A_424, %sub3A_359 : vector<8x1280xf32>
    %add3A_434 = arith.addf %add3A_270, %mul3A_433 : vector<8x1280xf32>
    %broadcast_in_dim3A_435 = arith.constant 0.000000e+00 : f32
    %broadcast_in_dim3A_436 = vector.broadcast %broadcast_in_dim3A_435 : f32 to vector<8x1280xf32>
    %mul3A_437 = arith.mulf %rsqrt3A_429, %broadcast_in_dim3A_356 : vector<8x1280xf32>
    %mul3A_438 = arith.mulf %mul3A_430, %add3A_362 : vector<8x1280xf32>
    %sub3A_439 = arith.subf %mul3A_437, %mul3A_438 : vector<8x1280xf32>
    %mul3A_440 = arith.mulf %mul3A_430, %broadcast_in_dim3A_356 : vector<8x1280xf32>
    %mul3A_441 = arith.mulf %rsqrt3A_429, %add3A_362 : vector<8x1280xf32>
    %add3A_442 = arith.addf %mul3A_440, %mul3A_441 : vector<8x1280xf32>
    %mul3A_443 = arith.mulf %rsqrt3A_429, %sub3A_365 : vector<8x1280xf32>
    %mul3A_444 = arith.mulf %mul3A_430, %broadcast_in_dim3A_308 : vector<8x1280xf32>
    %sub3A_445 = arith.subf %mul3A_443, %mul3A_444 : vector<8x1280xf32>
    %mul3A_446 = arith.mulf %mul3A_430, %sub3A_365 : vector<8x1280xf32>
    %mul3A_447 = arith.mulf %rsqrt3A_429, %broadcast_in_dim3A_308 : vector<8x1280xf32>
    %add3A_448 = arith.addf %mul3A_446, %mul3A_447 : vector<8x1280xf32>
    %mul3A_449 = arith.mulf %rsqrt3A_429, %sub3A_371 : vector<8x1280xf32>
    %mul3A_450 = arith.mulf %mul3A_430, %broadcast_in_dim3A_308 : vector<8x1280xf32>
    %sub3A_451 = arith.subf %mul3A_449, %mul3A_450 : vector<8x1280xf32>
    %mul3A_452 = arith.mulf %mul3A_430, %sub3A_371 : vector<8x1280xf32>
    %mul3A_453 = arith.mulf %rsqrt3A_429, %broadcast_in_dim3A_308 : vector<8x1280xf32>
    %add3A_454 = arith.addf %mul3A_452, %mul3A_453 : vector<8x1280xf32>
    %mul3A_455 = arith.mulf %rsqrt3A_429, %sub3A_377 : vector<8x1280xf32>
    %mul3A_456 = arith.mulf %mul3A_430, %broadcast_in_dim3A_306 : vector<8x1280xf32>
    %sub3A_457 = arith.subf %mul3A_455, %mul3A_456 : vector<8x1280xf32>
    %mul3A_458 = arith.mulf %mul3A_430, %sub3A_377 : vector<8x1280xf32>
    %mul3A_459 = arith.mulf %rsqrt3A_429, %broadcast_in_dim3A_306 : vector<8x1280xf32>
    %add3A_460 = arith.addf %mul3A_458, %mul3A_459 : vector<8x1280xf32>
    %ne3A_461 = arith.constant 0.000000e+00 : f32
    %ne3A_462 = vector.broadcast %ne3A_461 : f32 to vector<8x1280xf32>
    %ne3A_463 = arith.cmpf one, %add3A_442, %ne3A_462 : vector<8x1280xf32>
    %jit3A_464 = arith.constant 1.000000e+00 : f32
    %broadcast_in_dim3A_465 = vector.broadcast %jit3A_464 : f32 to vector<8x1280xf32>
    %select_n3A_466 = arith.select %ne3A_463, %add3A_442, %broadcast_in_dim3A_465 : vector<8x1280xi1>, vector<8x1280xf32>
    %sub3A_467 = arith.subf %add3A_434, %add3A_354 : vector<8x1280xf32>
    %mul3A_468 = arith.constant 5.000000e-01 : f32
    %mul3A_469 = vector.broadcast %mul3A_468 : f32 to vector<8x1280xf32>
    %mul3A_470 = arith.mulf %sub3A_467, %mul3A_469 : vector<8x1280xf32>
    %div3A_471 = arith.divf %mul3A_470, %select_n3A_466 : vector<8x1280xf32>
    %sign3A_472 = tpu.bitcast %div3A_471 : vector<8x1280xf32> -> vector<8x1280xi32>
    %sign3A_473 = arith.constant -2147483648 : i32
    %sign3A_474 = vector.broadcast %sign3A_473 : i32 to vector<8x1280xi32>
    %sign3A_475 = arith.andi %sign3A_472, %sign3A_474 : vector<8x1280xi32>
    %sign3A_476 = arith.constant 1065353216 : i32
    %sign3A_477 = vector.broadcast %sign3A_476 : i32 to vector<8x1280xi32>
    %sign3A_478 = arith.ori %sign3A_477, %sign3A_475 : vector<8x1280xi32>
    %sign3A_479 = tpu.bitcast %sign3A_478 : vector<8x1280xi32> -> vector<8x1280xf32>
    %sign3A_480 = math.absf %div3A_471 : vector<8x1280xf32>
    %sign3A_481 = arith.constant 0.000000e+00 : f32
    %sign3A_482 = vector.broadcast %sign3A_481 : f32 to vector<8x1280xf32>
    %sign3A_483 = arith.cmpf ogt, %sign3A_480, %sign3A_482 : vector<8x1280xf32>
    %sign3A_484 = arith.select %sign3A_483, %sign3A_479, %div3A_471 : vector<8x1280xi1>, vector<8x1280xf32>
    %abs3A_485 = math.absf %div3A_471 : vector<8x1280xf32>
    %mul3A_486 = arith.mulf %div3A_471, %div3A_471 : vector<8x1280xf32>
    %add3A_487 = arith.constant 1.000000e+00 : f32
    %add3A_488 = vector.broadcast %add3A_487 : f32 to vector<8x1280xf32>
    %add3A_489 = arith.addf %add3A_488, %mul3A_486 : vector<8x1280xf32>
    %sqrt3A_490 = math.sqrt %add3A_489 : vector<8x1280xf32>
    %add3A_491 = arith.addf %abs3A_485, %sqrt3A_490 : vector<8x1280xf32>
    %div3A_492 = arith.divf %sign3A_484, %add3A_491 : vector<8x1280xf32>
    %eq3A_493 = arith.constant 0.000000e+00 : f32
    %eq3A_494 = vector.broadcast %eq3A_493 : f32 to vector<8x1280xf32>
    %eq3A_495 = arith.cmpf oeq, %div3A_471, %eq3A_494 : vector<8x1280xf32>
    %jit3A_496 = arith.constant 1.000000e+00 : f32
    %broadcast_in_dim3A_497 = vector.broadcast %jit3A_496 : f32 to vector<8x1280xf32>
    %select_n3A_498 = arith.select %eq3A_495, %broadcast_in_dim3A_497, %div3A_492 : vector<8x1280xi1>, vector<8x1280xf32>
    %eq3A_499 = arith.constant 0.000000e+00 : f32
    %eq3A_500 = vector.broadcast %eq3A_499 : f32 to vector<8x1280xf32>
    %eq3A_501 = arith.cmpf oeq, %add3A_442, %eq3A_500 : vector<8x1280xf32>
    %jit3A_502 = arith.constant 0.000000e+00 : f32
    %broadcast_in_dim3A_503 = vector.broadcast %jit3A_502 : f32 to vector<8x1280xf32>
    %select_n3A_504 = arith.select %eq3A_501, %broadcast_in_dim3A_503, %select_n3A_498 : vector<8x1280xi1>, vector<8x1280xf32>
    %mul3A_505 = arith.mulf %select_n3A_504, %select_n3A_504 : vector<8x1280xf32>
    %add3A_506 = arith.constant 1.000000e+00 : f32
    %add3A_507 = vector.broadcast %add3A_506 : f32 to vector<8x1280xf32>
    %add3A_508 = arith.addf %add3A_507, %mul3A_505 : vector<8x1280xf32>
    %rsqrt3A_509 = math.rsqrt %add3A_508 : vector<8x1280xf32>
    %mul3A_510 = arith.mulf %select_n3A_504, %rsqrt3A_509 : vector<8x1280xf32>
    %mul3A_511 = arith.mulf %select_n3A_504, %add3A_442 : vector<8x1280xf32>
    %sub3A_512 = arith.subf %add3A_354, %mul3A_511 : vector<8x1280xf32>
    %mul3A_513 = arith.mulf %select_n3A_504, %add3A_442 : vector<8x1280xf32>
    %add3A_514 = arith.addf %add3A_434, %mul3A_513 : vector<8x1280xf32>
    %broadcast_in_dim3A_515 = arith.constant 0.000000e+00 : f32
    %broadcast_in_dim3A_516 = vector.broadcast %broadcast_in_dim3A_515 : f32 to vector<8x1280xf32>
    %mul3A_517 = arith.mulf %rsqrt3A_509, %sub3A_439 : vector<8x1280xf32>
    %mul3A_518 = arith.mulf %mul3A_510, %broadcast_in_dim3A_436 : vector<8x1280xf32>
    %sub3A_519 = arith.subf %mul3A_517, %mul3A_518 : vector<8x1280xf32>
    %mul3A_520 = arith.mulf %mul3A_510, %sub3A_439 : vector<8x1280xf32>
    %mul3A_521 = arith.mulf %rsqrt3A_509, %broadcast_in_dim3A_436 : vector<8x1280xf32>
    %add3A_522 = arith.addf %mul3A_520, %mul3A_521 : vector<8x1280xf32>
    %mul3A_523 = arith.mulf %rsqrt3A_509, %add3A_368 : vector<8x1280xf32>
    %mul3A_524 = arith.mulf %mul3A_510, %add3A_448 : vector<8x1280xf32>
    %sub3A_525 = arith.subf %mul3A_523, %mul3A_524 : vector<8x1280xf32>
    %mul3A_526 = arith.mulf %mul3A_510, %add3A_368 : vector<8x1280xf32>
    %mul3A_527 = arith.mulf %rsqrt3A_509, %add3A_448 : vector<8x1280xf32>
    %add3A_528 = arith.addf %mul3A_526, %mul3A_527 : vector<8x1280xf32>
    %mul3A_529 = arith.mulf %rsqrt3A_509, %add3A_374 : vector<8x1280xf32>
    %mul3A_530 = arith.mulf %mul3A_510, %add3A_454 : vector<8x1280xf32>
    %sub3A_531 = arith.subf %mul3A_529, %mul3A_530 : vector<8x1280xf32>
    %mul3A_532 = arith.mulf %mul3A_510, %add3A_374 : vector<8x1280xf32>
    %mul3A_533 = arith.mulf %rsqrt3A_509, %add3A_454 : vector<8x1280xf32>
    %add3A_534 = arith.addf %mul3A_532, %mul3A_533 : vector<8x1280xf32>
    %mul3A_535 = arith.mulf %rsqrt3A_509, %add3A_380 : vector<8x1280xf32>
    %mul3A_536 = arith.mulf %mul3A_510, %add3A_460 : vector<8x1280xf32>
    %sub3A_537 = arith.subf %mul3A_535, %mul3A_536 : vector<8x1280xf32>
    %mul3A_538 = arith.mulf %mul3A_510, %add3A_380 : vector<8x1280xf32>
    %mul3A_539 = arith.mulf %rsqrt3A_509, %add3A_460 : vector<8x1280xf32>
    %add3A_540 = arith.addf %mul3A_538, %mul3A_539 : vector<8x1280xf32>
    %ne3A_541 = arith.constant 0.000000e+00 : f32
    %ne3A_542 = vector.broadcast %ne3A_541 : f32 to vector<8x1280xf32>
    %ne3A_543 = arith.cmpf one, %sub3A_519, %ne3A_542 : vector<8x1280xf32>
    %jit3A_544 = arith.constant 1.000000e+00 : f32
    %broadcast_in_dim3A_545 = vector.broadcast %jit3A_544 : f32 to vector<8x1280xf32>
    %select_n3A_546 = arith.select %ne3A_543, %sub3A_519, %broadcast_in_dim3A_545 : vector<8x1280xi1>, vector<8x1280xf32>
    %sub3A_547 = arith.subf %sub3A_512, %sub3A_432 : vector<8x1280xf32>
    %mul3A_548 = arith.constant 5.000000e-01 : f32
    %mul3A_549 = vector.broadcast %mul3A_548 : f32 to vector<8x1280xf32>
    %mul3A_550 = arith.mulf %sub3A_547, %mul3A_549 : vector<8x1280xf32>
    %div3A_551 = arith.divf %mul3A_550, %select_n3A_546 : vector<8x1280xf32>
    %sign3A_552 = tpu.bitcast %div3A_551 : vector<8x1280xf32> -> vector<8x1280xi32>
    %sign3A_553 = arith.constant -2147483648 : i32
    %sign3A_554 = vector.broadcast %sign3A_553 : i32 to vector<8x1280xi32>
    %sign3A_555 = arith.andi %sign3A_552, %sign3A_554 : vector<8x1280xi32>
    %sign3A_556 = arith.constant 1065353216 : i32
    %sign3A_557 = vector.broadcast %sign3A_556 : i32 to vector<8x1280xi32>
    %sign3A_558 = arith.ori %sign3A_557, %sign3A_555 : vector<8x1280xi32>
    %sign3A_559 = tpu.bitcast %sign3A_558 : vector<8x1280xi32> -> vector<8x1280xf32>
    %sign3A_560 = math.absf %div3A_551 : vector<8x1280xf32>
    %sign3A_561 = arith.constant 0.000000e+00 : f32
    %sign3A_562 = vector.broadcast %sign3A_561 : f32 to vector<8x1280xf32>
    %sign3A_563 = arith.cmpf ogt, %sign3A_560, %sign3A_562 : vector<8x1280xf32>
    %sign3A_564 = arith.select %sign3A_563, %sign3A_559, %div3A_551 : vector<8x1280xi1>, vector<8x1280xf32>
    %abs3A_565 = math.absf %div3A_551 : vector<8x1280xf32>
    %mul3A_566 = arith.mulf %div3A_551, %div3A_551 : vector<8x1280xf32>
    %add3A_567 = arith.constant 1.000000e+00 : f32
    %add3A_568 = vector.broadcast %add3A_567 : f32 to vector<8x1280xf32>
    %add3A_569 = arith.addf %add3A_568, %mul3A_566 : vector<8x1280xf32>
    %sqrt3A_570 = math.sqrt %add3A_569 : vector<8x1280xf32>
    %add3A_571 = arith.addf %abs3A_565, %sqrt3A_570 : vector<8x1280xf32>
    %div3A_572 = arith.divf %sign3A_564, %add3A_571 : vector<8x1280xf32>
    %eq3A_573 = arith.constant 0.000000e+00 : f32
    %eq3A_574 = vector.broadcast %eq3A_573 : f32 to vector<8x1280xf32>
    %eq3A_575 = arith.cmpf oeq, %div3A_551, %eq3A_574 : vector<8x1280xf32>
    %jit3A_576 = arith.constant 1.000000e+00 : f32
    %broadcast_in_dim3A_577 = vector.broadcast %jit3A_576 : f32 to vector<8x1280xf32>
    %select_n3A_578 = arith.select %eq3A_575, %broadcast_in_dim3A_577, %div3A_572 : vector<8x1280xi1>, vector<8x1280xf32>
    %eq3A_579 = arith.constant 0.000000e+00 : f32
    %eq3A_580 = vector.broadcast %eq3A_579 : f32 to vector<8x1280xf32>
    %eq3A_581 = arith.cmpf oeq, %sub3A_519, %eq3A_580 : vector<8x1280xf32>
    %jit3A_582 = arith.constant 0.000000e+00 : f32
    %broadcast_in_dim3A_583 = vector.broadcast %jit3A_582 : f32 to vector<8x1280xf32>
    %select_n3A_584 = arith.select %eq3A_581, %broadcast_in_dim3A_583, %select_n3A_578 : vector<8x1280xi1>, vector<8x1280xf32>
    %mul3A_585 = arith.mulf %select_n3A_584, %select_n3A_584 : vector<8x1280xf32>
    %add3A_586 = arith.constant 1.000000e+00 : f32
    %add3A_587 = vector.broadcast %add3A_586 : f32 to vector<8x1280xf32>
    %add3A_588 = arith.addf %add3A_587, %mul3A_585 : vector<8x1280xf32>
    %rsqrt3A_589 = math.rsqrt %add3A_588 : vector<8x1280xf32>
    %mul3A_590 = arith.mulf %select_n3A_584, %rsqrt3A_589 : vector<8x1280xf32>
    %mul3A_591 = arith.mulf %select_n3A_584, %sub3A_519 : vector<8x1280xf32>
    %sub3A_592 = arith.subf %sub3A_432, %mul3A_591 : vector<8x1280xf32>
    %mul3A_593 = arith.mulf %select_n3A_584, %sub3A_519 : vector<8x1280xf32>
    %add3A_594 = arith.addf %sub3A_512, %mul3A_593 : vector<8x1280xf32>
    %broadcast_in_dim3A_595 = arith.constant 0.000000e+00 : f32
    %broadcast_in_dim3A_596 = vector.broadcast %broadcast_in_dim3A_595 : f32 to vector<8x1280xf32>
    %mul3A_597 = arith.mulf %rsqrt3A_589, %add3A_522 : vector<8x1280xf32>
    %mul3A_598 = arith.mulf %mul3A_590, %broadcast_in_dim3A_516 : vector<8x1280xf32>
    %sub3A_599 = arith.subf %mul3A_597, %mul3A_598 : vector<8x1280xf32>
    %mul3A_600 = arith.mulf %mul3A_590, %add3A_522 : vector<8x1280xf32>
    %mul3A_601 = arith.mulf %rsqrt3A_589, %broadcast_in_dim3A_516 : vector<8x1280xf32>
    %add3A_602 = arith.addf %mul3A_600, %mul3A_601 : vector<8x1280xf32>
    %mul3A_603 = arith.mulf %rsqrt3A_589, %sub3A_445 : vector<8x1280xf32>
    %mul3A_604 = arith.mulf %mul3A_590, %sub3A_525 : vector<8x1280xf32>
    %sub3A_605 = arith.subf %mul3A_603, %mul3A_604 : vector<8x1280xf32>
    %mul3A_606 = arith.mulf %mul3A_590, %sub3A_445 : vector<8x1280xf32>
    %mul3A_607 = arith.mulf %rsqrt3A_589, %sub3A_525 : vector<8x1280xf32>
    %add3A_608 = arith.addf %mul3A_606, %mul3A_607 : vector<8x1280xf32>
    %mul3A_609 = arith.mulf %rsqrt3A_589, %sub3A_451 : vector<8x1280xf32>
    %mul3A_610 = arith.mulf %mul3A_590, %sub3A_531 : vector<8x1280xf32>
    %sub3A_611 = arith.subf %mul3A_609, %mul3A_610 : vector<8x1280xf32>
    %mul3A_612 = arith.mulf %mul3A_590, %sub3A_451 : vector<8x1280xf32>
    %mul3A_613 = arith.mulf %rsqrt3A_589, %sub3A_531 : vector<8x1280xf32>
    %add3A_614 = arith.addf %mul3A_612, %mul3A_613 : vector<8x1280xf32>
    %mul3A_615 = arith.mulf %rsqrt3A_589, %sub3A_457 : vector<8x1280xf32>
    %mul3A_616 = arith.mulf %mul3A_590, %sub3A_537 : vector<8x1280xf32>
    %sub3A_617 = arith.subf %mul3A_615, %mul3A_616 : vector<8x1280xf32>
    %mul3A_618 = arith.mulf %mul3A_590, %sub3A_457 : vector<8x1280xf32>
    %mul3A_619 = arith.mulf %rsqrt3A_589, %sub3A_537 : vector<8x1280xf32>
    %add3A_620 = arith.addf %mul3A_618, %mul3A_619 : vector<8x1280xf32>
    %ne3A_621 = arith.constant 0.000000e+00 : f32
    %ne3A_622 = vector.broadcast %ne3A_621 : f32 to vector<8x1280xf32>
    %ne3A_623 = arith.cmpf one, %sub3A_599, %ne3A_622 : vector<8x1280xf32>
    %jit3A_624 = arith.constant 1.000000e+00 : f32
    %broadcast_in_dim3A_625 = vector.broadcast %jit3A_624 : f32 to vector<8x1280xf32>
    %select_n3A_626 = arith.select %ne3A_623, %sub3A_599, %broadcast_in_dim3A_625 : vector<8x1280xi1>, vector<8x1280xf32>
    %sub3A_627 = arith.subf %add3A_514, %sub3A_592 : vector<8x1280xf32>
    %mul3A_628 = arith.constant 5.000000e-01 : f32
    %mul3A_629 = vector.broadcast %mul3A_628 : f32 to vector<8x1280xf32>
    %mul3A_630 = arith.mulf %sub3A_627, %mul3A_629 : vector<8x1280xf32>
    %div3A_631 = arith.divf %mul3A_630, %select_n3A_626 : vector<8x1280xf32>
    %sign3A_632 = tpu.bitcast %div3A_631 : vector<8x1280xf32> -> vector<8x1280xi32>
    %sign3A_633 = arith.constant -2147483648 : i32
    %sign3A_634 = vector.broadcast %sign3A_633 : i32 to vector<8x1280xi32>
    %sign3A_635 = arith.andi %sign3A_632, %sign3A_634 : vector<8x1280xi32>
    %sign3A_636 = arith.constant 1065353216 : i32
    %sign3A_637 = vector.broadcast %sign3A_636 : i32 to vector<8x1280xi32>
    %sign3A_638 = arith.ori %sign3A_637, %sign3A_635 : vector<8x1280xi32>
    %sign3A_639 = tpu.bitcast %sign3A_638 : vector<8x1280xi32> -> vector<8x1280xf32>
    %sign3A_640 = math.absf %div3A_631 : vector<8x1280xf32>
    %sign3A_641 = arith.constant 0.000000e+00 : f32
    %sign3A_642 = vector.broadcast %sign3A_641 : f32 to vector<8x1280xf32>
    %sign3A_643 = arith.cmpf ogt, %sign3A_640, %sign3A_642 : vector<8x1280xf32>
    %sign3A_644 = arith.select %sign3A_643, %sign3A_639, %div3A_631 : vector<8x1280xi1>, vector<8x1280xf32>
    %abs3A_645 = math.absf %div3A_631 : vector<8x1280xf32>
    %mul3A_646 = arith.mulf %div3A_631, %div3A_631 : vector<8x1280xf32>
    %add3A_647 = arith.constant 1.000000e+00 : f32
    %add3A_648 = vector.broadcast %add3A_647 : f32 to vector<8x1280xf32>
    %add3A_649 = arith.addf %add3A_648, %mul3A_646 : vector<8x1280xf32>
    %sqrt3A_650 = math.sqrt %add3A_649 : vector<8x1280xf32>
    %add3A_651 = arith.addf %abs3A_645, %sqrt3A_650 : vector<8x1280xf32>
    %div3A_652 = arith.divf %sign3A_644, %add3A_651 : vector<8x1280xf32>
    %eq3A_653 = arith.constant 0.000000e+00 : f32
    %eq3A_654 = vector.broadcast %eq3A_653 : f32 to vector<8x1280xf32>
    %eq3A_655 = arith.cmpf oeq, %div3A_631, %eq3A_654 : vector<8x1280xf32>
    %jit3A_656 = arith.constant 1.000000e+00 : f32
    %broadcast_in_dim3A_657 = vector.broadcast %jit3A_656 : f32 to vector<8x1280xf32>
    %select_n3A_658 = arith.select %eq3A_655, %broadcast_in_dim3A_657, %div3A_652 : vector<8x1280xi1>, vector<8x1280xf32>
    %eq3A_659 = arith.constant 0.000000e+00 : f32
    %eq3A_660 = vector.broadcast %eq3A_659 : f32 to vector<8x1280xf32>
    %eq3A_661 = arith.cmpf oeq, %sub3A_599, %eq3A_660 : vector<8x1280xf32>
    %jit3A_662 = arith.constant 0.000000e+00 : f32
    %broadcast_in_dim3A_663 = vector.broadcast %jit3A_662 : f32 to vector<8x1280xf32>
    %select_n3A_664 = arith.select %eq3A_661, %broadcast_in_dim3A_663, %select_n3A_658 : vector<8x1280xi1>, vector<8x1280xf32>
    %mul3A_665 = arith.mulf %select_n3A_664, %select_n3A_664 : vector<8x1280xf32>
    %add3A_666 = arith.constant 1.000000e+00 : f32
    %add3A_667 = vector.broadcast %add3A_666 : f32 to vector<8x1280xf32>
    %add3A_668 = arith.addf %add3A_667, %mul3A_665 : vector<8x1280xf32>
    %rsqrt3A_669 = math.rsqrt %add3A_668 : vector<8x1280xf32>
    %mul3A_670 = arith.mulf %select_n3A_664, %rsqrt3A_669 : vector<8x1280xf32>
    %mul3A_671 = arith.mulf %select_n3A_664, %sub3A_599 : vector<8x1280xf32>
    %sub3A_672 = arith.subf %sub3A_592, %mul3A_671 : vector<8x1280xf32>
    %mul3A_673 = arith.mulf %select_n3A_664, %sub3A_599 : vector<8x1280xf32>
    %add3A_674 = arith.addf %add3A_514, %mul3A_673 : vector<8x1280xf32>
    %broadcast_in_dim3A_675 = arith.constant 0.000000e+00 : f32
    %broadcast_in_dim3A_676 = vector.broadcast %broadcast_in_dim3A_675 : f32 to vector<8x1280xf32>
    %mul3A_677 = arith.mulf %rsqrt3A_669, %broadcast_in_dim3A_596 : vector<8x1280xf32>
    %mul3A_678 = arith.mulf %mul3A_670, %add3A_602 : vector<8x1280xf32>
    %sub3A_679 = arith.subf %mul3A_677, %mul3A_678 : vector<8x1280xf32>
    %mul3A_680 = arith.mulf %mul3A_670, %broadcast_in_dim3A_596 : vector<8x1280xf32>
    %mul3A_681 = arith.mulf %rsqrt3A_669, %add3A_602 : vector<8x1280xf32>
    %add3A_682 = arith.addf %mul3A_680, %mul3A_681 : vector<8x1280xf32>
    %mul3A_683 = arith.mulf %rsqrt3A_669, %sub3A_605 : vector<8x1280xf32>
    %mul3A_684 = arith.mulf %mul3A_670, %add3A_528 : vector<8x1280xf32>
    %sub3A_685 = arith.subf %mul3A_683, %mul3A_684 : vector<8x1280xf32>
    %mul3A_686 = arith.mulf %mul3A_670, %sub3A_605 : vector<8x1280xf32>
    %mul3A_687 = arith.mulf %rsqrt3A_669, %add3A_528 : vector<8x1280xf32>
    %add3A_688 = arith.addf %mul3A_686, %mul3A_687 : vector<8x1280xf32>
    %mul3A_689 = arith.mulf %rsqrt3A_669, %sub3A_611 : vector<8x1280xf32>
    %mul3A_690 = arith.mulf %mul3A_670, %add3A_534 : vector<8x1280xf32>
    %sub3A_691 = arith.subf %mul3A_689, %mul3A_690 : vector<8x1280xf32>
    %mul3A_692 = arith.mulf %mul3A_670, %sub3A_611 : vector<8x1280xf32>
    %mul3A_693 = arith.mulf %rsqrt3A_669, %add3A_534 : vector<8x1280xf32>
    %add3A_694 = arith.addf %mul3A_692, %mul3A_693 : vector<8x1280xf32>
    %mul3A_695 = arith.mulf %rsqrt3A_669, %sub3A_617 : vector<8x1280xf32>
    %mul3A_696 = arith.mulf %mul3A_670, %add3A_540 : vector<8x1280xf32>
    %sub3A_697 = arith.subf %mul3A_695, %mul3A_696 : vector<8x1280xf32>
    %mul3A_698 = arith.mulf %mul3A_670, %sub3A_617 : vector<8x1280xf32>
    %mul3A_699 = arith.mulf %rsqrt3A_669, %add3A_540 : vector<8x1280xf32>
    %add3A_700 = arith.addf %mul3A_698, %mul3A_699 : vector<8x1280xf32>
    %ne3A_701 = arith.constant 0.000000e+00 : f32
    %ne3A_702 = vector.broadcast %ne3A_701 : f32 to vector<8x1280xf32>
    %ne3A_703 = arith.cmpf one, %add3A_682, %ne3A_702 : vector<8x1280xf32>
    %jit3A_704 = arith.constant 1.000000e+00 : f32
    %broadcast_in_dim3A_705 = vector.broadcast %jit3A_704 : f32 to vector<8x1280xf32>
    %select_n3A_706 = arith.select %ne3A_703, %add3A_682, %broadcast_in_dim3A_705 : vector<8x1280xi1>, vector<8x1280xf32>
    %sub3A_707 = arith.subf %add3A_674, %add3A_594 : vector<8x1280xf32>
    %mul3A_708 = arith.constant 5.000000e-01 : f32
    %mul3A_709 = vector.broadcast %mul3A_708 : f32 to vector<8x1280xf32>
    %mul3A_710 = arith.mulf %sub3A_707, %mul3A_709 : vector<8x1280xf32>
    %div3A_711 = arith.divf %mul3A_710, %select_n3A_706 : vector<8x1280xf32>
    %sign3A_712 = tpu.bitcast %div3A_711 : vector<8x1280xf32> -> vector<8x1280xi32>
    %sign3A_713 = arith.constant -2147483648 : i32
    %sign3A_714 = vector.broadcast %sign3A_713 : i32 to vector<8x1280xi32>
    %sign3A_715 = arith.andi %sign3A_712, %sign3A_714 : vector<8x1280xi32>
    %sign3A_716 = arith.constant 1065353216 : i32
    %sign3A_717 = vector.broadcast %sign3A_716 : i32 to vector<8x1280xi32>
    %sign3A_718 = arith.ori %sign3A_717, %sign3A_715 : vector<8x1280xi32>
    %sign3A_719 = tpu.bitcast %sign3A_718 : vector<8x1280xi32> -> vector<8x1280xf32>
    %sign3A_720 = math.absf %div3A_711 : vector<8x1280xf32>
    %sign3A_721 = arith.constant 0.000000e+00 : f32
    %sign3A_722 = vector.broadcast %sign3A_721 : f32 to vector<8x1280xf32>
    %sign3A_723 = arith.cmpf ogt, %sign3A_720, %sign3A_722 : vector<8x1280xf32>
    %sign3A_724 = arith.select %sign3A_723, %sign3A_719, %div3A_711 : vector<8x1280xi1>, vector<8x1280xf32>
    %abs3A_725 = math.absf %div3A_711 : vector<8x1280xf32>
    %mul3A_726 = arith.mulf %div3A_711, %div3A_711 : vector<8x1280xf32>
    %add3A_727 = arith.constant 1.000000e+00 : f32
    %add3A_728 = vector.broadcast %add3A_727 : f32 to vector<8x1280xf32>
    %add3A_729 = arith.addf %add3A_728, %mul3A_726 : vector<8x1280xf32>
    %sqrt3A_730 = math.sqrt %add3A_729 : vector<8x1280xf32>
    %add3A_731 = arith.addf %abs3A_725, %sqrt3A_730 : vector<8x1280xf32>
    %div3A_732 = arith.divf %sign3A_724, %add3A_731 : vector<8x1280xf32>
    %eq3A_733 = arith.constant 0.000000e+00 : f32
    %eq3A_734 = vector.broadcast %eq3A_733 : f32 to vector<8x1280xf32>
    %eq3A_735 = arith.cmpf oeq, %div3A_711, %eq3A_734 : vector<8x1280xf32>
    %jit3A_736 = arith.constant 1.000000e+00 : f32
    %broadcast_in_dim3A_737 = vector.broadcast %jit3A_736 : f32 to vector<8x1280xf32>
    %select_n3A_738 = arith.select %eq3A_735, %broadcast_in_dim3A_737, %div3A_732 : vector<8x1280xi1>, vector<8x1280xf32>
    %eq3A_739 = arith.constant 0.000000e+00 : f32
    %eq3A_740 = vector.broadcast %eq3A_739 : f32 to vector<8x1280xf32>
    %eq3A_741 = arith.cmpf oeq, %add3A_682, %eq3A_740 : vector<8x1280xf32>
    %jit3A_742 = arith.constant 0.000000e+00 : f32
    %broadcast_in_dim3A_743 = vector.broadcast %jit3A_742 : f32 to vector<8x1280xf32>
    %select_n3A_744 = arith.select %eq3A_741, %broadcast_in_dim3A_743, %select_n3A_738 : vector<8x1280xi1>, vector<8x1280xf32>
    %mul3A_745 = arith.mulf %select_n3A_744, %select_n3A_744 : vector<8x1280xf32>
    %add3A_746 = arith.constant 1.000000e+00 : f32
    %add3A_747 = vector.broadcast %add3A_746 : f32 to vector<8x1280xf32>
    %add3A_748 = arith.addf %add3A_747, %mul3A_745 : vector<8x1280xf32>
    %rsqrt3A_749 = math.rsqrt %add3A_748 : vector<8x1280xf32>
    %mul3A_750 = arith.mulf %select_n3A_744, %rsqrt3A_749 : vector<8x1280xf32>
    %mul3A_751 = arith.mulf %select_n3A_744, %add3A_682 : vector<8x1280xf32>
    %sub3A_752 = arith.subf %add3A_594, %mul3A_751 : vector<8x1280xf32>
    %mul3A_753 = arith.mulf %select_n3A_744, %add3A_682 : vector<8x1280xf32>
    %add3A_754 = arith.addf %add3A_674, %mul3A_753 : vector<8x1280xf32>
    %broadcast_in_dim3A_755 = arith.constant 0.000000e+00 : f32
    %broadcast_in_dim3A_756 = vector.broadcast %broadcast_in_dim3A_755 : f32 to vector<8x1280xf32>
    %mul3A_757 = arith.mulf %rsqrt3A_749, %sub3A_679 : vector<8x1280xf32>
    %mul3A_758 = arith.mulf %mul3A_750, %broadcast_in_dim3A_676 : vector<8x1280xf32>
    %sub3A_759 = arith.subf %mul3A_757, %mul3A_758 : vector<8x1280xf32>
    %mul3A_760 = arith.mulf %mul3A_750, %sub3A_679 : vector<8x1280xf32>
    %mul3A_761 = arith.mulf %rsqrt3A_749, %broadcast_in_dim3A_676 : vector<8x1280xf32>
    %add3A_762 = arith.addf %mul3A_760, %mul3A_761 : vector<8x1280xf32>
    %mul3A_763 = arith.mulf %rsqrt3A_749, %add3A_608 : vector<8x1280xf32>
    %mul3A_764 = arith.mulf %mul3A_750, %add3A_688 : vector<8x1280xf32>
    %sub3A_765 = arith.subf %mul3A_763, %mul3A_764 : vector<8x1280xf32>
    %mul3A_766 = arith.mulf %mul3A_750, %add3A_608 : vector<8x1280xf32>
    %mul3A_767 = arith.mulf %rsqrt3A_749, %add3A_688 : vector<8x1280xf32>
    %add3A_768 = arith.addf %mul3A_766, %mul3A_767 : vector<8x1280xf32>
    %mul3A_769 = arith.mulf %rsqrt3A_749, %add3A_614 : vector<8x1280xf32>
    %mul3A_770 = arith.mulf %mul3A_750, %add3A_694 : vector<8x1280xf32>
    %sub3A_771 = arith.subf %mul3A_769, %mul3A_770 : vector<8x1280xf32>
    %mul3A_772 = arith.mulf %mul3A_750, %add3A_614 : vector<8x1280xf32>
    %mul3A_773 = arith.mulf %rsqrt3A_749, %add3A_694 : vector<8x1280xf32>
    %add3A_774 = arith.addf %mul3A_772, %mul3A_773 : vector<8x1280xf32>
    %mul3A_775 = arith.mulf %rsqrt3A_749, %add3A_620 : vector<8x1280xf32>
    %mul3A_776 = arith.mulf %mul3A_750, %add3A_700 : vector<8x1280xf32>
    %sub3A_777 = arith.subf %mul3A_775, %mul3A_776 : vector<8x1280xf32>
    %mul3A_778 = arith.mulf %mul3A_750, %add3A_620 : vector<8x1280xf32>
    %mul3A_779 = arith.mulf %rsqrt3A_749, %add3A_700 : vector<8x1280xf32>
    %add3A_780 = arith.addf %mul3A_778, %mul3A_779 : vector<8x1280xf32>
    %ne3A_781 = arith.constant 0.000000e+00 : f32
    %ne3A_782 = vector.broadcast %ne3A_781 : f32 to vector<8x1280xf32>
    %ne3A_783 = arith.cmpf one, %sub3A_759, %ne3A_782 : vector<8x1280xf32>
    %jit3A_784 = arith.constant 1.000000e+00 : f32
    %broadcast_in_dim3A_785 = vector.broadcast %jit3A_784 : f32 to vector<8x1280xf32>
    %select_n3A_786 = arith.select %ne3A_783, %sub3A_759, %broadcast_in_dim3A_785 : vector<8x1280xi1>, vector<8x1280xf32>
    %sub3A_787 = arith.subf %sub3A_752, %sub3A_672 : vector<8x1280xf32>
    %mul3A_788 = arith.constant 5.000000e-01 : f32
    %mul3A_789 = vector.broadcast %mul3A_788 : f32 to vector<8x1280xf32>
    %mul3A_790 = arith.mulf %sub3A_787, %mul3A_789 : vector<8x1280xf32>
    %div3A_791 = arith.divf %mul3A_790, %select_n3A_786 : vector<8x1280xf32>
    %sign3A_792 = tpu.bitcast %div3A_791 : vector<8x1280xf32> -> vector<8x1280xi32>
    %sign3A_793 = arith.constant -2147483648 : i32
    %sign3A_794 = vector.broadcast %sign3A_793 : i32 to vector<8x1280xi32>
    %sign3A_795 = arith.andi %sign3A_792, %sign3A_794 : vector<8x1280xi32>
    %sign3A_796 = arith.constant 1065353216 : i32
    %sign3A_797 = vector.broadcast %sign3A_796 : i32 to vector<8x1280xi32>
    %sign3A_798 = arith.ori %sign3A_797, %sign3A_795 : vector<8x1280xi32>
    %sign3A_799 = tpu.bitcast %sign3A_798 : vector<8x1280xi32> -> vector<8x1280xf32>
    %sign3A_800 = math.absf %div3A_791 : vector<8x1280xf32>
    %sign3A_801 = arith.constant 0.000000e+00 : f32
    %sign3A_802 = vector.broadcast %sign3A_801 : f32 to vector<8x1280xf32>
    %sign3A_803 = arith.cmpf ogt, %sign3A_800, %sign3A_802 : vector<8x1280xf32>
    %sign3A_804 = arith.select %sign3A_803, %sign3A_799, %div3A_791 : vector<8x1280xi1>, vector<8x1280xf32>
    %abs3A_805 = math.absf %div3A_791 : vector<8x1280xf32>
    %mul3A_806 = arith.mulf %div3A_791, %div3A_791 : vector<8x1280xf32>
    %add3A_807 = arith.constant 1.000000e+00 : f32
    %add3A_808 = vector.broadcast %add3A_807 : f32 to vector<8x1280xf32>
    %add3A_809 = arith.addf %add3A_808, %mul3A_806 : vector<8x1280xf32>
    %sqrt3A_810 = math.sqrt %add3A_809 : vector<8x1280xf32>
    %add3A_811 = arith.addf %abs3A_805, %sqrt3A_810 : vector<8x1280xf32>
    %div3A_812 = arith.divf %sign3A_804, %add3A_811 : vector<8x1280xf32>
    %eq3A_813 = arith.constant 0.000000e+00 : f32
    %eq3A_814 = vector.broadcast %eq3A_813 : f32 to vector<8x1280xf32>
    %eq3A_815 = arith.cmpf oeq, %div3A_791, %eq3A_814 : vector<8x1280xf32>
    %jit3A_816 = arith.constant 1.000000e+00 : f32
    %broadcast_in_dim3A_817 = vector.broadcast %jit3A_816 : f32 to vector<8x1280xf32>
    %select_n3A_818 = arith.select %eq3A_815, %broadcast_in_dim3A_817, %div3A_812 : vector<8x1280xi1>, vector<8x1280xf32>
    %eq3A_819 = arith.constant 0.000000e+00 : f32
    %eq3A_820 = vector.broadcast %eq3A_819 : f32 to vector<8x1280xf32>
    %eq3A_821 = arith.cmpf oeq, %sub3A_759, %eq3A_820 : vector<8x1280xf32>
    %jit3A_822 = arith.constant 0.000000e+00 : f32
    %broadcast_in_dim3A_823 = vector.broadcast %jit3A_822 : f32 to vector<8x1280xf32>
    %select_n3A_824 = arith.select %eq3A_821, %broadcast_in_dim3A_823, %select_n3A_818 : vector<8x1280xi1>, vector<8x1280xf32>
    %mul3A_825 = arith.mulf %select_n3A_824, %select_n3A_824 : vector<8x1280xf32>
    %add3A_826 = arith.constant 1.000000e+00 : f32
    %add3A_827 = vector.broadcast %add3A_826 : f32 to vector<8x1280xf32>
    %add3A_828 = arith.addf %add3A_827, %mul3A_825 : vector<8x1280xf32>
    %rsqrt3A_829 = math.rsqrt %add3A_828 : vector<8x1280xf32>
    %mul3A_830 = arith.mulf %select_n3A_824, %rsqrt3A_829 : vector<8x1280xf32>
    %mul3A_831 = arith.mulf %select_n3A_824, %sub3A_759 : vector<8x1280xf32>
    %sub3A_832 = arith.subf %sub3A_672, %mul3A_831 : vector<8x1280xf32>
    %mul3A_833 = arith.mulf %select_n3A_824, %sub3A_759 : vector<8x1280xf32>
    %add3A_834 = arith.addf %sub3A_752, %mul3A_833 : vector<8x1280xf32>
    %broadcast_in_dim3A_835 = arith.constant 0.000000e+00 : f32
    %broadcast_in_dim3A_836 = vector.broadcast %broadcast_in_dim3A_835 : f32 to vector<8x1280xf32>
    %mul3A_837 = arith.mulf %rsqrt3A_829, %add3A_762 : vector<8x1280xf32>
    %mul3A_838 = arith.mulf %mul3A_830, %broadcast_in_dim3A_756 : vector<8x1280xf32>
    %sub3A_839 = arith.subf %mul3A_837, %mul3A_838 : vector<8x1280xf32>
    %mul3A_840 = arith.mulf %mul3A_830, %add3A_762 : vector<8x1280xf32>
    %mul3A_841 = arith.mulf %rsqrt3A_829, %broadcast_in_dim3A_756 : vector<8x1280xf32>
    %add3A_842 = arith.addf %mul3A_840, %mul3A_841 : vector<8x1280xf32>
    %mul3A_843 = arith.mulf %rsqrt3A_829, %sub3A_685 : vector<8x1280xf32>
    %mul3A_844 = arith.mulf %mul3A_830, %sub3A_765 : vector<8x1280xf32>
    %sub3A_845 = arith.subf %mul3A_843, %mul3A_844 : vector<8x1280xf32>
    %mul3A_846 = arith.mulf %mul3A_830, %sub3A_685 : vector<8x1280xf32>
    %mul3A_847 = arith.mulf %rsqrt3A_829, %sub3A_765 : vector<8x1280xf32>
    %add3A_848 = arith.addf %mul3A_846, %mul3A_847 : vector<8x1280xf32>
    %mul3A_849 = arith.mulf %rsqrt3A_829, %sub3A_691 : vector<8x1280xf32>
    %mul3A_850 = arith.mulf %mul3A_830, %sub3A_771 : vector<8x1280xf32>
    %sub3A_851 = arith.subf %mul3A_849, %mul3A_850 : vector<8x1280xf32>
    %mul3A_852 = arith.mulf %mul3A_830, %sub3A_691 : vector<8x1280xf32>
    %mul3A_853 = arith.mulf %rsqrt3A_829, %sub3A_771 : vector<8x1280xf32>
    %add3A_854 = arith.addf %mul3A_852, %mul3A_853 : vector<8x1280xf32>
    %mul3A_855 = arith.mulf %rsqrt3A_829, %sub3A_697 : vector<8x1280xf32>
    %mul3A_856 = arith.mulf %mul3A_830, %sub3A_777 : vector<8x1280xf32>
    %sub3A_857 = arith.subf %mul3A_855, %mul3A_856 : vector<8x1280xf32>
    %mul3A_858 = arith.mulf %mul3A_830, %sub3A_697 : vector<8x1280xf32>
    %mul3A_859 = arith.mulf %rsqrt3A_829, %sub3A_777 : vector<8x1280xf32>
    %add3A_860 = arith.addf %mul3A_858, %mul3A_859 : vector<8x1280xf32>
    %ne3A_861 = arith.constant 0.000000e+00 : f32
    %ne3A_862 = vector.broadcast %ne3A_861 : f32 to vector<8x1280xf32>
    %ne3A_863 = arith.cmpf one, %sub3A_839, %ne3A_862 : vector<8x1280xf32>
    %jit3A_864 = arith.constant 1.000000e+00 : f32
    %broadcast_in_dim3A_865 = vector.broadcast %jit3A_864 : f32 to vector<8x1280xf32>
    %select_n3A_866 = arith.select %ne3A_863, %sub3A_839, %broadcast_in_dim3A_865 : vector<8x1280xi1>, vector<8x1280xf32>
    %sub3A_867 = arith.subf %add3A_754, %sub3A_832 : vector<8x1280xf32>
    %mul3A_868 = arith.constant 5.000000e-01 : f32
    %mul3A_869 = vector.broadcast %mul3A_868 : f32 to vector<8x1280xf32>
    %mul3A_870 = arith.mulf %sub3A_867, %mul3A_869 : vector<8x1280xf32>
    %div3A_871 = arith.divf %mul3A_870, %select_n3A_866 : vector<8x1280xf32>
    %sign3A_872 = tpu.bitcast %div3A_871 : vector<8x1280xf32> -> vector<8x1280xi32>
    %sign3A_873 = arith.constant -2147483648 : i32
    %sign3A_874 = vector.broadcast %sign3A_873 : i32 to vector<8x1280xi32>
    %sign3A_875 = arith.andi %sign3A_872, %sign3A_874 : vector<8x1280xi32>
    %sign3A_876 = arith.constant 1065353216 : i32
    %sign3A_877 = vector.broadcast %sign3A_876 : i32 to vector<8x1280xi32>
    %sign3A_878 = arith.ori %sign3A_877, %sign3A_875 : vector<8x1280xi32>
    %sign3A_879 = tpu.bitcast %sign3A_878 : vector<8x1280xi32> -> vector<8x1280xf32>
    %sign3A_880 = math.absf %div3A_871 : vector<8x1280xf32>
    %sign3A_881 = arith.constant 0.000000e+00 : f32
    %sign3A_882 = vector.broadcast %sign3A_881 : f32 to vector<8x1280xf32>
    %sign3A_883 = arith.cmpf ogt, %sign3A_880, %sign3A_882 : vector<8x1280xf32>
    %sign3A_884 = arith.select %sign3A_883, %sign3A_879, %div3A_871 : vector<8x1280xi1>, vector<8x1280xf32>
    %abs3A_885 = math.absf %div3A_871 : vector<8x1280xf32>
    %mul3A_886 = arith.mulf %div3A_871, %div3A_871 : vector<8x1280xf32>
    %add3A_887 = arith.constant 1.000000e+00 : f32
    %add3A_888 = vector.broadcast %add3A_887 : f32 to vector<8x1280xf32>
    %add3A_889 = arith.addf %add3A_888, %mul3A_886 : vector<8x1280xf32>
    %sqrt3A_890 = math.sqrt %add3A_889 : vector<8x1280xf32>
    %add3A_891 = arith.addf %abs3A_885, %sqrt3A_890 : vector<8x1280xf32>
    %div3A_892 = arith.divf %sign3A_884, %add3A_891 : vector<8x1280xf32>
    %eq3A_893 = arith.constant 0.000000e+00 : f32
    %eq3A_894 = vector.broadcast %eq3A_893 : f32 to vector<8x1280xf32>
    %eq3A_895 = arith.cmpf oeq, %div3A_871, %eq3A_894 : vector<8x1280xf32>
    %jit3A_896 = arith.constant 1.000000e+00 : f32
    %broadcast_in_dim3A_897 = vector.broadcast %jit3A_896 : f32 to vector<8x1280xf32>
    %select_n3A_898 = arith.select %eq3A_895, %broadcast_in_dim3A_897, %div3A_892 : vector<8x1280xi1>, vector<8x1280xf32>
    %eq3A_899 = arith.constant 0.000000e+00 : f32
    %eq3A_900 = vector.broadcast %eq3A_899 : f32 to vector<8x1280xf32>
    %eq3A_901 = arith.cmpf oeq, %sub3A_839, %eq3A_900 : vector<8x1280xf32>
    %jit3A_902 = arith.constant 0.000000e+00 : f32
    %broadcast_in_dim3A_903 = vector.broadcast %jit3A_902 : f32 to vector<8x1280xf32>
    %select_n3A_904 = arith.select %eq3A_901, %broadcast_in_dim3A_903, %select_n3A_898 : vector<8x1280xi1>, vector<8x1280xf32>
    %mul3A_905 = arith.mulf %select_n3A_904, %select_n3A_904 : vector<8x1280xf32>
    %add3A_906 = arith.constant 1.000000e+00 : f32
    %add3A_907 = vector.broadcast %add3A_906 : f32 to vector<8x1280xf32>
    %add3A_908 = arith.addf %add3A_907, %mul3A_905 : vector<8x1280xf32>
    %rsqrt3A_909 = math.rsqrt %add3A_908 : vector<8x1280xf32>
    %mul3A_910 = arith.mulf %select_n3A_904, %rsqrt3A_909 : vector<8x1280xf32>
    %mul3A_911 = arith.mulf %select_n3A_904, %sub3A_839 : vector<8x1280xf32>
    %sub3A_912 = arith.subf %sub3A_832, %mul3A_911 : vector<8x1280xf32>
    %mul3A_913 = arith.mulf %select_n3A_904, %sub3A_839 : vector<8x1280xf32>
    %add3A_914 = arith.addf %add3A_754, %mul3A_913 : vector<8x1280xf32>
    %broadcast_in_dim3A_915 = arith.constant 0.000000e+00 : f32
    %broadcast_in_dim3A_916 = vector.broadcast %broadcast_in_dim3A_915 : f32 to vector<8x1280xf32>
    %mul3A_917 = arith.mulf %rsqrt3A_909, %broadcast_in_dim3A_836 : vector<8x1280xf32>
    %mul3A_918 = arith.mulf %mul3A_910, %add3A_842 : vector<8x1280xf32>
    %sub3A_919 = arith.subf %mul3A_917, %mul3A_918 : vector<8x1280xf32>
    %mul3A_920 = arith.mulf %mul3A_910, %broadcast_in_dim3A_836 : vector<8x1280xf32>
    %mul3A_921 = arith.mulf %rsqrt3A_909, %add3A_842 : vector<8x1280xf32>
    %add3A_922 = arith.addf %mul3A_920, %mul3A_921 : vector<8x1280xf32>
    %mul3A_923 = arith.mulf %rsqrt3A_909, %sub3A_845 : vector<8x1280xf32>
    %mul3A_924 = arith.mulf %mul3A_910, %add3A_768 : vector<8x1280xf32>
    %sub3A_925 = arith.subf %mul3A_923, %mul3A_924 : vector<8x1280xf32>
    %mul3A_926 = arith.mulf %mul3A_910, %sub3A_845 : vector<8x1280xf32>
    %mul3A_927 = arith.mulf %rsqrt3A_909, %add3A_768 : vector<8x1280xf32>
    %add3A_928 = arith.addf %mul3A_926, %mul3A_927 : vector<8x1280xf32>
    %mul3A_929 = arith.mulf %rsqrt3A_909, %sub3A_851 : vector<8x1280xf32>
    %mul3A_930 = arith.mulf %mul3A_910, %add3A_774 : vector<8x1280xf32>
    %sub3A_931 = arith.subf %mul3A_929, %mul3A_930 : vector<8x1280xf32>
    %mul3A_932 = arith.mulf %mul3A_910, %sub3A_851 : vector<8x1280xf32>
    %mul3A_933 = arith.mulf %rsqrt3A_909, %add3A_774 : vector<8x1280xf32>
    %add3A_934 = arith.addf %mul3A_932, %mul3A_933 : vector<8x1280xf32>
    %mul3A_935 = arith.mulf %rsqrt3A_909, %sub3A_857 : vector<8x1280xf32>
    %mul3A_936 = arith.mulf %mul3A_910, %add3A_780 : vector<8x1280xf32>
    %sub3A_937 = arith.subf %mul3A_935, %mul3A_936 : vector<8x1280xf32>
    %mul3A_938 = arith.mulf %mul3A_910, %sub3A_857 : vector<8x1280xf32>
    %mul3A_939 = arith.mulf %rsqrt3A_909, %add3A_780 : vector<8x1280xf32>
    %add3A_940 = arith.addf %mul3A_938, %mul3A_939 : vector<8x1280xf32>
    %ne3A_941 = arith.constant 0.000000e+00 : f32
    %ne3A_942 = vector.broadcast %ne3A_941 : f32 to vector<8x1280xf32>
    %ne3A_943 = arith.cmpf one, %add3A_922, %ne3A_942 : vector<8x1280xf32>
    %jit3A_944 = arith.constant 1.000000e+00 : f32
    %broadcast_in_dim3A_945 = vector.broadcast %jit3A_944 : f32 to vector<8x1280xf32>
    %select_n3A_946 = arith.select %ne3A_943, %add3A_922, %broadcast_in_dim3A_945 : vector<8x1280xi1>, vector<8x1280xf32>
    %sub3A_947 = arith.subf %add3A_914, %add3A_834 : vector<8x1280xf32>
    %mul3A_948 = arith.constant 5.000000e-01 : f32
    %mul3A_949 = vector.broadcast %mul3A_948 : f32 to vector<8x1280xf32>
    %mul3A_950 = arith.mulf %sub3A_947, %mul3A_949 : vector<8x1280xf32>
    %div3A_951 = arith.divf %mul3A_950, %select_n3A_946 : vector<8x1280xf32>
    %sign3A_952 = tpu.bitcast %div3A_951 : vector<8x1280xf32> -> vector<8x1280xi32>
    %sign3A_953 = arith.constant -2147483648 : i32
    %sign3A_954 = vector.broadcast %sign3A_953 : i32 to vector<8x1280xi32>
    %sign3A_955 = arith.andi %sign3A_952, %sign3A_954 : vector<8x1280xi32>
    %sign3A_956 = arith.constant 1065353216 : i32
    %sign3A_957 = vector.broadcast %sign3A_956 : i32 to vector<8x1280xi32>
    %sign3A_958 = arith.ori %sign3A_957, %sign3A_955 : vector<8x1280xi32>
    %sign3A_959 = tpu.bitcast %sign3A_958 : vector<8x1280xi32> -> vector<8x1280xf32>
    %sign3A_960 = math.absf %div3A_951 : vector<8x1280xf32>
    %sign3A_961 = arith.constant 0.000000e+00 : f32
    %sign3A_962 = vector.broadcast %sign3A_961 : f32 to vector<8x1280xf32>
    %sign3A_963 = arith.cmpf ogt, %sign3A_960, %sign3A_962 : vector<8x1280xf32>
    %sign3A_964 = arith.select %sign3A_963, %sign3A_959, %div3A_951 : vector<8x1280xi1>, vector<8x1280xf32>
    %abs3A_965 = math.absf %div3A_951 : vector<8x1280xf32>
    %mul3A_966 = arith.mulf %div3A_951, %div3A_951 : vector<8x1280xf32>
    %add3A_967 = arith.constant 1.000000e+00 : f32
    %add3A_968 = vector.broadcast %add3A_967 : f32 to vector<8x1280xf32>
    %add3A_969 = arith.addf %add3A_968, %mul3A_966 : vector<8x1280xf32>
    %sqrt3A_970 = math.sqrt %add3A_969 : vector<8x1280xf32>
    %add3A_971 = arith.addf %abs3A_965, %sqrt3A_970 : vector<8x1280xf32>
    %div3A_972 = arith.divf %sign3A_964, %add3A_971 : vector<8x1280xf32>
    %eq3A_973 = arith.constant 0.000000e+00 : f32
    %eq3A_974 = vector.broadcast %eq3A_973 : f32 to vector<8x1280xf32>
    %eq3A_975 = arith.cmpf oeq, %div3A_951, %eq3A_974 : vector<8x1280xf32>
    %jit3A_976 = arith.constant 1.000000e+00 : f32
    %broadcast_in_dim3A_977 = vector.broadcast %jit3A_976 : f32 to vector<8x1280xf32>
    %select_n3A_978 = arith.select %eq3A_975, %broadcast_in_dim3A_977, %div3A_972 : vector<8x1280xi1>, vector<8x1280xf32>
    %eq3A_979 = arith.constant 0.000000e+00 : f32
    %eq3A_980 = vector.broadcast %eq3A_979 : f32 to vector<8x1280xf32>
    %eq3A_981 = arith.cmpf oeq, %add3A_922, %eq3A_980 : vector<8x1280xf32>
    %jit3A_982 = arith.constant 0.000000e+00 : f32
    %broadcast_in_dim3A_983 = vector.broadcast %jit3A_982 : f32 to vector<8x1280xf32>
    %select_n3A_984 = arith.select %eq3A_981, %broadcast_in_dim3A_983, %select_n3A_978 : vector<8x1280xi1>, vector<8x1280xf32>
    %mul3A_985 = arith.mulf %select_n3A_984, %select_n3A_984 : vector<8x1280xf32>
    %add3A_986 = arith.constant 1.000000e+00 : f32
    %add3A_987 = vector.broadcast %add3A_986 : f32 to vector<8x1280xf32>
    %add3A_988 = arith.addf %add3A_987, %mul3A_985 : vector<8x1280xf32>
    %rsqrt3A_989 = math.rsqrt %add3A_988 : vector<8x1280xf32>
    %mul3A_990 = arith.mulf %select_n3A_984, %rsqrt3A_989 : vector<8x1280xf32>
    %mul3A_991 = arith.mulf %select_n3A_984, %add3A_922 : vector<8x1280xf32>
    %sub3A_992 = arith.subf %add3A_834, %mul3A_991 : vector<8x1280xf32>
    %mul3A_993 = arith.mulf %select_n3A_984, %add3A_922 : vector<8x1280xf32>
    %add3A_994 = arith.addf %add3A_914, %mul3A_993 : vector<8x1280xf32>
    %broadcast_in_dim3A_995 = arith.constant 0.000000e+00 : f32
    %broadcast_in_dim3A_996 = vector.broadcast %broadcast_in_dim3A_995 : f32 to vector<8x1280xf32>
    %mul3A_997 = arith.mulf %rsqrt3A_989, %sub3A_919 : vector<8x1280xf32>
    %mul3A_998 = arith.mulf %mul3A_990, %broadcast_in_dim3A_916 : vector<8x1280xf32>
    %sub3A_999 = arith.subf %mul3A_997, %mul3A_998 : vector<8x1280xf32>
    %mul3A_1000 = arith.mulf %mul3A_990, %sub3A_919 : vector<8x1280xf32>
    %mul3A_1001 = arith.mulf %rsqrt3A_989, %broadcast_in_dim3A_916 : vector<8x1280xf32>
    %add3A_1002 = arith.addf %mul3A_1000, %mul3A_1001 : vector<8x1280xf32>
    %mul3A_1003 = arith.mulf %rsqrt3A_989, %add3A_848 : vector<8x1280xf32>
    %mul3A_1004 = arith.mulf %mul3A_990, %add3A_928 : vector<8x1280xf32>
    %sub3A_1005 = arith.subf %mul3A_1003, %mul3A_1004 : vector<8x1280xf32>
    %mul3A_1006 = arith.mulf %mul3A_990, %add3A_848 : vector<8x1280xf32>
    %mul3A_1007 = arith.mulf %rsqrt3A_989, %add3A_928 : vector<8x1280xf32>
    %add3A_1008 = arith.addf %mul3A_1006, %mul3A_1007 : vector<8x1280xf32>
    %mul3A_1009 = arith.mulf %rsqrt3A_989, %add3A_854 : vector<8x1280xf32>
    %mul3A_1010 = arith.mulf %mul3A_990, %add3A_934 : vector<8x1280xf32>
    %sub3A_1011 = arith.subf %mul3A_1009, %mul3A_1010 : vector<8x1280xf32>
    %mul3A_1012 = arith.mulf %mul3A_990, %add3A_854 : vector<8x1280xf32>
    %mul3A_1013 = arith.mulf %rsqrt3A_989, %add3A_934 : vector<8x1280xf32>
    %add3A_1014 = arith.addf %mul3A_1012, %mul3A_1013 : vector<8x1280xf32>
    %mul3A_1015 = arith.mulf %rsqrt3A_989, %add3A_860 : vector<8x1280xf32>
    %mul3A_1016 = arith.mulf %mul3A_990, %add3A_940 : vector<8x1280xf32>
    %sub3A_1017 = arith.subf %mul3A_1015, %mul3A_1016 : vector<8x1280xf32>
    %mul3A_1018 = arith.mulf %mul3A_990, %add3A_860 : vector<8x1280xf32>
    %mul3A_1019 = arith.mulf %rsqrt3A_989, %add3A_940 : vector<8x1280xf32>
    %add3A_1020 = arith.addf %mul3A_1018, %mul3A_1019 : vector<8x1280xf32>
    %ne3A_1021 = arith.constant 0.000000e+00 : f32
    %ne3A_1022 = vector.broadcast %ne3A_1021 : f32 to vector<8x1280xf32>
    %ne3A_1023 = arith.cmpf one, %sub3A_999, %ne3A_1022 : vector<8x1280xf32>
    %jit3A_1024 = arith.constant 1.000000e+00 : f32
    %broadcast_in_dim3A_1025 = vector.broadcast %jit3A_1024 : f32 to vector<8x1280xf32>
    %select_n3A_1026 = arith.select %ne3A_1023, %sub3A_999, %broadcast_in_dim3A_1025 : vector<8x1280xi1>, vector<8x1280xf32>
    %sub3A_1027 = arith.subf %sub3A_992, %sub3A_912 : vector<8x1280xf32>
    %mul3A_1028 = arith.constant 5.000000e-01 : f32
    %mul3A_1029 = vector.broadcast %mul3A_1028 : f32 to vector<8x1280xf32>
    %mul3A_1030 = arith.mulf %sub3A_1027, %mul3A_1029 : vector<8x1280xf32>
    %div3A_1031 = arith.divf %mul3A_1030, %select_n3A_1026 : vector<8x1280xf32>
    %sign3A_1032 = tpu.bitcast %div3A_1031 : vector<8x1280xf32> -> vector<8x1280xi32>
    %sign3A_1033 = arith.constant -2147483648 : i32
    %sign3A_1034 = vector.broadcast %sign3A_1033 : i32 to vector<8x1280xi32>
    %sign3A_1035 = arith.andi %sign3A_1032, %sign3A_1034 : vector<8x1280xi32>
    %sign3A_1036 = arith.constant 1065353216 : i32
    %sign3A_1037 = vector.broadcast %sign3A_1036 : i32 to vector<8x1280xi32>
    %sign3A_1038 = arith.ori %sign3A_1037, %sign3A_1035 : vector<8x1280xi32>
    %sign3A_1039 = tpu.bitcast %sign3A_1038 : vector<8x1280xi32> -> vector<8x1280xf32>
    %sign3A_1040 = math.absf %div3A_1031 : vector<8x1280xf32>
    %sign3A_1041 = arith.constant 0.000000e+00 : f32
    %sign3A_1042 = vector.broadcast %sign3A_1041 : f32 to vector<8x1280xf32>
    %sign3A_1043 = arith.cmpf ogt, %sign3A_1040, %sign3A_1042 : vector<8x1280xf32>
    %sign3A_1044 = arith.select %sign3A_1043, %sign3A_1039, %div3A_1031 : vector<8x1280xi1>, vector<8x1280xf32>
    %abs3A_1045 = math.absf %div3A_1031 : vector<8x1280xf32>
    %mul3A_1046 = arith.mulf %div3A_1031, %div3A_1031 : vector<8x1280xf32>
    %add3A_1047 = arith.constant 1.000000e+00 : f32
    %add3A_1048 = vector.broadcast %add3A_1047 : f32 to vector<8x1280xf32>
    %add3A_1049 = arith.addf %add3A_1048, %mul3A_1046 : vector<8x1280xf32>
    %sqrt3A_1050 = math.sqrt %add3A_1049 : vector<8x1280xf32>
    %add3A_1051 = arith.addf %abs3A_1045, %sqrt3A_1050 : vector<8x1280xf32>
    %div3A_1052 = arith.divf %sign3A_1044, %add3A_1051 : vector<8x1280xf32>
    %eq3A_1053 = arith.constant 0.000000e+00 : f32
    %eq3A_1054 = vector.broadcast %eq3A_1053 : f32 to vector<8x1280xf32>
    %eq3A_1055 = arith.cmpf oeq, %div3A_1031, %eq3A_1054 : vector<8x1280xf32>
    %jit3A_1056 = arith.constant 1.000000e+00 : f32
    %broadcast_in_dim3A_1057 = vector.broadcast %jit3A_1056 : f32 to vector<8x1280xf32>
    %select_n3A_1058 = arith.select %eq3A_1055, %broadcast_in_dim3A_1057, %div3A_1052 : vector<8x1280xi1>, vector<8x1280xf32>
    %eq3A_1059 = arith.constant 0.000000e+00 : f32
    %eq3A_1060 = vector.broadcast %eq3A_1059 : f32 to vector<8x1280xf32>
    %eq3A_1061 = arith.cmpf oeq, %sub3A_999, %eq3A_1060 : vector<8x1280xf32>
    %jit3A_1062 = arith.constant 0.000000e+00 : f32
    %broadcast_in_dim3A_1063 = vector.broadcast %jit3A_1062 : f32 to vector<8x1280xf32>
    %select_n3A_1064 = arith.select %eq3A_1061, %broadcast_in_dim3A_1063, %select_n3A_1058 : vector<8x1280xi1>, vector<8x1280xf32>
    %mul3A_1065 = arith.mulf %select_n3A_1064, %select_n3A_1064 : vector<8x1280xf32>
    %add3A_1066 = arith.constant 1.000000e+00 : f32
    %add3A_1067 = vector.broadcast %add3A_1066 : f32 to vector<8x1280xf32>
    %add3A_1068 = arith.addf %add3A_1067, %mul3A_1065 : vector<8x1280xf32>
    %rsqrt3A_1069 = math.rsqrt %add3A_1068 : vector<8x1280xf32>
    %mul3A_1070 = arith.mulf %select_n3A_1064, %rsqrt3A_1069 : vector<8x1280xf32>
    %mul3A_1071 = arith.mulf %select_n3A_1064, %sub3A_999 : vector<8x1280xf32>
    %sub3A_1072 = arith.subf %sub3A_912, %mul3A_1071 : vector<8x1280xf32>
    %mul3A_1073 = arith.mulf %select_n3A_1064, %sub3A_999 : vector<8x1280xf32>
    %add3A_1074 = arith.addf %sub3A_992, %mul3A_1073 : vector<8x1280xf32>
    %broadcast_in_dim3A_1075 = arith.constant 0.000000e+00 : f32
    %broadcast_in_dim3A_1076 = vector.broadcast %broadcast_in_dim3A_1075 : f32 to vector<8x1280xf32>
    %mul3A_1077 = arith.mulf %rsqrt3A_1069, %add3A_1002 : vector<8x1280xf32>
    %mul3A_1078 = arith.mulf %mul3A_1070, %broadcast_in_dim3A_996 : vector<8x1280xf32>
    %sub3A_1079 = arith.subf %mul3A_1077, %mul3A_1078 : vector<8x1280xf32>
    %mul3A_1080 = arith.mulf %mul3A_1070, %add3A_1002 : vector<8x1280xf32>
    %mul3A_1081 = arith.mulf %rsqrt3A_1069, %broadcast_in_dim3A_996 : vector<8x1280xf32>
    %add3A_1082 = arith.addf %mul3A_1080, %mul3A_1081 : vector<8x1280xf32>
    %mul3A_1083 = arith.mulf %rsqrt3A_1069, %sub3A_925 : vector<8x1280xf32>
    %mul3A_1084 = arith.mulf %mul3A_1070, %sub3A_1005 : vector<8x1280xf32>
    %sub3A_1085 = arith.subf %mul3A_1083, %mul3A_1084 : vector<8x1280xf32>
    %mul3A_1086 = arith.mulf %mul3A_1070, %sub3A_925 : vector<8x1280xf32>
    %mul3A_1087 = arith.mulf %rsqrt3A_1069, %sub3A_1005 : vector<8x1280xf32>
    %add3A_1088 = arith.addf %mul3A_1086, %mul3A_1087 : vector<8x1280xf32>
    %mul3A_1089 = arith.mulf %rsqrt3A_1069, %sub3A_931 : vector<8x1280xf32>
    %mul3A_1090 = arith.mulf %mul3A_1070, %sub3A_1011 : vector<8x1280xf32>
    %sub3A_1091 = arith.subf %mul3A_1089, %mul3A_1090 : vector<8x1280xf32>
    %mul3A_1092 = arith.mulf %mul3A_1070, %sub3A_931 : vector<8x1280xf32>
    %mul3A_1093 = arith.mulf %rsqrt3A_1069, %sub3A_1011 : vector<8x1280xf32>
    %add3A_1094 = arith.addf %mul3A_1092, %mul3A_1093 : vector<8x1280xf32>
    %mul3A_1095 = arith.mulf %rsqrt3A_1069, %sub3A_937 : vector<8x1280xf32>
    %mul3A_1096 = arith.mulf %mul3A_1070, %sub3A_1017 : vector<8x1280xf32>
    %sub3A_1097 = arith.subf %mul3A_1095, %mul3A_1096 : vector<8x1280xf32>
    %mul3A_1098 = arith.mulf %mul3A_1070, %sub3A_937 : vector<8x1280xf32>
    %mul3A_1099 = arith.mulf %rsqrt3A_1069, %sub3A_1017 : vector<8x1280xf32>
    %add3A_1100 = arith.addf %mul3A_1098, %mul3A_1099 : vector<8x1280xf32>
    %ne3A_1101 = arith.constant 0.000000e+00 : f32
    %ne3A_1102 = vector.broadcast %ne3A_1101 : f32 to vector<8x1280xf32>
    %ne3A_1103 = arith.cmpf one, %sub3A_1079, %ne3A_1102 : vector<8x1280xf32>
    %jit3A_1104 = arith.constant 1.000000e+00 : f32
    %broadcast_in_dim3A_1105 = vector.broadcast %jit3A_1104 : f32 to vector<8x1280xf32>
    %select_n3A_1106 = arith.select %ne3A_1103, %sub3A_1079, %broadcast_in_dim3A_1105 : vector<8x1280xi1>, vector<8x1280xf32>
    %sub3A_1107 = arith.subf %add3A_994, %sub3A_1072 : vector<8x1280xf32>
    %mul3A_1108 = arith.constant 5.000000e-01 : f32
    %mul3A_1109 = vector.broadcast %mul3A_1108 : f32 to vector<8x1280xf32>
    %mul3A_1110 = arith.mulf %sub3A_1107, %mul3A_1109 : vector<8x1280xf32>
    %div3A_1111 = arith.divf %mul3A_1110, %select_n3A_1106 : vector<8x1280xf32>
    %sign3A_1112 = tpu.bitcast %div3A_1111 : vector<8x1280xf32> -> vector<8x1280xi32>
    %sign3A_1113 = arith.constant -2147483648 : i32
    %sign3A_1114 = vector.broadcast %sign3A_1113 : i32 to vector<8x1280xi32>
    %sign3A_1115 = arith.andi %sign3A_1112, %sign3A_1114 : vector<8x1280xi32>
    %sign3A_1116 = arith.constant 1065353216 : i32
    %sign3A_1117 = vector.broadcast %sign3A_1116 : i32 to vector<8x1280xi32>
    %sign3A_1118 = arith.ori %sign3A_1117, %sign3A_1115 : vector<8x1280xi32>
    %sign3A_1119 = tpu.bitcast %sign3A_1118 : vector<8x1280xi32> -> vector<8x1280xf32>
    %sign3A_1120 = math.absf %div3A_1111 : vector<8x1280xf32>
    %sign3A_1121 = arith.constant 0.000000e+00 : f32
    %sign3A_1122 = vector.broadcast %sign3A_1121 : f32 to vector<8x1280xf32>
    %sign3A_1123 = arith.cmpf ogt, %sign3A_1120, %sign3A_1122 : vector<8x1280xf32>
    %sign3A_1124 = arith.select %sign3A_1123, %sign3A_1119, %div3A_1111 : vector<8x1280xi1>, vector<8x1280xf32>
    %abs3A_1125 = math.absf %div3A_1111 : vector<8x1280xf32>
    %mul3A_1126 = arith.mulf %div3A_1111, %div3A_1111 : vector<8x1280xf32>
    %add3A_1127 = arith.constant 1.000000e+00 : f32
    %add3A_1128 = vector.broadcast %add3A_1127 : f32 to vector<8x1280xf32>
    %add3A_1129 = arith.addf %add3A_1128, %mul3A_1126 : vector<8x1280xf32>
    %sqrt3A_1130 = math.sqrt %add3A_1129 : vector<8x1280xf32>
    %add3A_1131 = arith.addf %abs3A_1125, %sqrt3A_1130 : vector<8x1280xf32>
    %div3A_1132 = arith.divf %sign3A_1124, %add3A_1131 : vector<8x1280xf32>
    %eq3A_1133 = arith.constant 0.000000e+00 : f32
    %eq3A_1134 = vector.broadcast %eq3A_1133 : f32 to vector<8x1280xf32>
    %eq3A_1135 = arith.cmpf oeq, %div3A_1111, %eq3A_1134 : vector<8x1280xf32>
    %jit3A_1136 = arith.constant 1.000000e+00 : f32
    %broadcast_in_dim3A_1137 = vector.broadcast %jit3A_1136 : f32 to vector<8x1280xf32>
    %select_n3A_1138 = arith.select %eq3A_1135, %broadcast_in_dim3A_1137, %div3A_1132 : vector<8x1280xi1>, vector<8x1280xf32>
    %eq3A_1139 = arith.constant 0.000000e+00 : f32
    %eq3A_1140 = vector.broadcast %eq3A_1139 : f32 to vector<8x1280xf32>
    %eq3A_1141 = arith.cmpf oeq, %sub3A_1079, %eq3A_1140 : vector<8x1280xf32>
    %jit3A_1142 = arith.constant 0.000000e+00 : f32
    %broadcast_in_dim3A_1143 = vector.broadcast %jit3A_1142 : f32 to vector<8x1280xf32>
    %select_n3A_1144 = arith.select %eq3A_1141, %broadcast_in_dim3A_1143, %select_n3A_1138 : vector<8x1280xi1>, vector<8x1280xf32>
    %mul3A_1145 = arith.mulf %select_n3A_1144, %select_n3A_1144 : vector<8x1280xf32>
    %add3A_1146 = arith.constant 1.000000e+00 : f32
    %add3A_1147 = vector.broadcast %add3A_1146 : f32 to vector<8x1280xf32>
    %add3A_1148 = arith.addf %add3A_1147, %mul3A_1145 : vector<8x1280xf32>
    %rsqrt3A_1149 = math.rsqrt %add3A_1148 : vector<8x1280xf32>
    %mul3A_1150 = arith.mulf %select_n3A_1144, %rsqrt3A_1149 : vector<8x1280xf32>
    %mul3A_1151 = arith.mulf %select_n3A_1144, %sub3A_1079 : vector<8x1280xf32>
    %sub3A_1152 = arith.subf %sub3A_1072, %mul3A_1151 : vector<8x1280xf32>
    %mul3A_1153 = arith.mulf %select_n3A_1144, %sub3A_1079 : vector<8x1280xf32>
    %add3A_1154 = arith.addf %add3A_994, %mul3A_1153 : vector<8x1280xf32>
    %broadcast_in_dim3A_1155 = arith.constant 0.000000e+00 : f32
    %broadcast_in_dim3A_1156 = vector.broadcast %broadcast_in_dim3A_1155 : f32 to vector<8x1280xf32>
    %mul3A_1157 = arith.mulf %rsqrt3A_1149, %broadcast_in_dim3A_1076 : vector<8x1280xf32>
    %mul3A_1158 = arith.mulf %mul3A_1150, %add3A_1082 : vector<8x1280xf32>
    %sub3A_1159 = arith.subf %mul3A_1157, %mul3A_1158 : vector<8x1280xf32>
    %mul3A_1160 = arith.mulf %mul3A_1150, %broadcast_in_dim3A_1076 : vector<8x1280xf32>
    %mul3A_1161 = arith.mulf %rsqrt3A_1149, %add3A_1082 : vector<8x1280xf32>
    %add3A_1162 = arith.addf %mul3A_1160, %mul3A_1161 : vector<8x1280xf32>
    %mul3A_1163 = arith.mulf %rsqrt3A_1149, %sub3A_1085 : vector<8x1280xf32>
    %mul3A_1164 = arith.mulf %mul3A_1150, %add3A_1008 : vector<8x1280xf32>
    %sub3A_1165 = arith.subf %mul3A_1163, %mul3A_1164 : vector<8x1280xf32>
    %mul3A_1166 = arith.mulf %mul3A_1150, %sub3A_1085 : vector<8x1280xf32>
    %mul3A_1167 = arith.mulf %rsqrt3A_1149, %add3A_1008 : vector<8x1280xf32>
    %add3A_1168 = arith.addf %mul3A_1166, %mul3A_1167 : vector<8x1280xf32>
    %mul3A_1169 = arith.mulf %rsqrt3A_1149, %sub3A_1091 : vector<8x1280xf32>
    %mul3A_1170 = arith.mulf %mul3A_1150, %add3A_1014 : vector<8x1280xf32>
    %sub3A_1171 = arith.subf %mul3A_1169, %mul3A_1170 : vector<8x1280xf32>
    %mul3A_1172 = arith.mulf %mul3A_1150, %sub3A_1091 : vector<8x1280xf32>
    %mul3A_1173 = arith.mulf %rsqrt3A_1149, %add3A_1014 : vector<8x1280xf32>
    %add3A_1174 = arith.addf %mul3A_1172, %mul3A_1173 : vector<8x1280xf32>
    %mul3A_1175 = arith.mulf %rsqrt3A_1149, %sub3A_1097 : vector<8x1280xf32>
    %mul3A_1176 = arith.mulf %mul3A_1150, %add3A_1020 : vector<8x1280xf32>
    %sub3A_1177 = arith.subf %mul3A_1175, %mul3A_1176 : vector<8x1280xf32>
    %mul3A_1178 = arith.mulf %mul3A_1150, %sub3A_1097 : vector<8x1280xf32>
    %mul3A_1179 = arith.mulf %rsqrt3A_1149, %add3A_1020 : vector<8x1280xf32>
    %add3A_1180 = arith.addf %mul3A_1178, %mul3A_1179 : vector<8x1280xf32>
    %ne3A_1181 = arith.constant 0.000000e+00 : f32
    %ne3A_1182 = vector.broadcast %ne3A_1181 : f32 to vector<8x1280xf32>
    %ne3A_1183 = arith.cmpf one, %add3A_1162, %ne3A_1182 : vector<8x1280xf32>
    %jit3A_1184 = arith.constant 1.000000e+00 : f32
    %broadcast_in_dim3A_1185 = vector.broadcast %jit3A_1184 : f32 to vector<8x1280xf32>
    %select_n3A_1186 = arith.select %ne3A_1183, %add3A_1162, %broadcast_in_dim3A_1185 : vector<8x1280xi1>, vector<8x1280xf32>
    %sub3A_1187 = arith.subf %add3A_1154, %add3A_1074 : vector<8x1280xf32>
    %mul3A_1188 = arith.constant 5.000000e-01 : f32
    %mul3A_1189 = vector.broadcast %mul3A_1188 : f32 to vector<8x1280xf32>
    %mul3A_1190 = arith.mulf %sub3A_1187, %mul3A_1189 : vector<8x1280xf32>
    %div3A_1191 = arith.divf %mul3A_1190, %select_n3A_1186 : vector<8x1280xf32>
    %sign3A_1192 = tpu.bitcast %div3A_1191 : vector<8x1280xf32> -> vector<8x1280xi32>
    %sign3A_1193 = arith.constant -2147483648 : i32
    %sign3A_1194 = vector.broadcast %sign3A_1193 : i32 to vector<8x1280xi32>
    %sign3A_1195 = arith.andi %sign3A_1192, %sign3A_1194 : vector<8x1280xi32>
    %sign3A_1196 = arith.constant 1065353216 : i32
    %sign3A_1197 = vector.broadcast %sign3A_1196 : i32 to vector<8x1280xi32>
    %sign3A_1198 = arith.ori %sign3A_1197, %sign3A_1195 : vector<8x1280xi32>
    %sign3A_1199 = tpu.bitcast %sign3A_1198 : vector<8x1280xi32> -> vector<8x1280xf32>
    %sign3A_1200 = math.absf %div3A_1191 : vector<8x1280xf32>
    %sign3A_1201 = arith.constant 0.000000e+00 : f32
    %sign3A_1202 = vector.broadcast %sign3A_1201 : f32 to vector<8x1280xf32>
    %sign3A_1203 = arith.cmpf ogt, %sign3A_1200, %sign3A_1202 : vector<8x1280xf32>
    %sign3A_1204 = arith.select %sign3A_1203, %sign3A_1199, %div3A_1191 : vector<8x1280xi1>, vector<8x1280xf32>
    %abs3A_1205 = math.absf %div3A_1191 : vector<8x1280xf32>
    %mul3A_1206 = arith.mulf %div3A_1191, %div3A_1191 : vector<8x1280xf32>
    %add3A_1207 = arith.constant 1.000000e+00 : f32
    %add3A_1208 = vector.broadcast %add3A_1207 : f32 to vector<8x1280xf32>
    %add3A_1209 = arith.addf %add3A_1208, %mul3A_1206 : vector<8x1280xf32>
    %sqrt3A_1210 = math.sqrt %add3A_1209 : vector<8x1280xf32>
    %add3A_1211 = arith.addf %abs3A_1205, %sqrt3A_1210 : vector<8x1280xf32>
    %div3A_1212 = arith.divf %sign3A_1204, %add3A_1211 : vector<8x1280xf32>
    %eq3A_1213 = arith.constant 0.000000e+00 : f32
    %eq3A_1214 = vector.broadcast %eq3A_1213 : f32 to vector<8x1280xf32>
    %eq3A_1215 = arith.cmpf oeq, %div3A_1191, %eq3A_1214 : vector<8x1280xf32>
    %jit3A_1216 = arith.constant 1.000000e+00 : f32
    %broadcast_in_dim3A_1217 = vector.broadcast %jit3A_1216 : f32 to vector<8x1280xf32>
    %select_n3A_1218 = arith.select %eq3A_1215, %broadcast_in_dim3A_1217, %div3A_1212 : vector<8x1280xi1>, vector<8x1280xf32>
    %eq3A_1219 = arith.constant 0.000000e+00 : f32
    %eq3A_1220 = vector.broadcast %eq3A_1219 : f32 to vector<8x1280xf32>
    %eq3A_1221 = arith.cmpf oeq, %add3A_1162, %eq3A_1220 : vector<8x1280xf32>
    %jit3A_1222 = arith.constant 0.000000e+00 : f32
    %broadcast_in_dim3A_1223 = vector.broadcast %jit3A_1222 : f32 to vector<8x1280xf32>
    %select_n3A_1224 = arith.select %eq3A_1221, %broadcast_in_dim3A_1223, %select_n3A_1218 : vector<8x1280xi1>, vector<8x1280xf32>
    %mul3A_1225 = arith.mulf %select_n3A_1224, %select_n3A_1224 : vector<8x1280xf32>
    %add3A_1226 = arith.constant 1.000000e+00 : f32
    %add3A_1227 = vector.broadcast %add3A_1226 : f32 to vector<8x1280xf32>
    %add3A_1228 = arith.addf %add3A_1227, %mul3A_1225 : vector<8x1280xf32>
    %rsqrt3A_1229 = math.rsqrt %add3A_1228 : vector<8x1280xf32>
    %mul3A_1230 = arith.mulf %select_n3A_1224, %rsqrt3A_1229 : vector<8x1280xf32>
    %mul3A_1231 = arith.mulf %select_n3A_1224, %add3A_1162 : vector<8x1280xf32>
    %sub3A_1232 = arith.subf %add3A_1074, %mul3A_1231 : vector<8x1280xf32>
    %mul3A_1233 = arith.mulf %select_n3A_1224, %add3A_1162 : vector<8x1280xf32>
    %add3A_1234 = arith.addf %add3A_1154, %mul3A_1233 : vector<8x1280xf32>
    %broadcast_in_dim3A_1235 = arith.constant 0.000000e+00 : f32
    %broadcast_in_dim3A_1236 = vector.broadcast %broadcast_in_dim3A_1235 : f32 to vector<8x1280xf32>
    %mul3A_1237 = arith.mulf %rsqrt3A_1229, %sub3A_1159 : vector<8x1280xf32>
    %mul3A_1238 = arith.mulf %mul3A_1230, %broadcast_in_dim3A_1156 : vector<8x1280xf32>
    %sub3A_1239 = arith.subf %mul3A_1237, %mul3A_1238 : vector<8x1280xf32>
    %mul3A_1240 = arith.mulf %mul3A_1230, %sub3A_1159 : vector<8x1280xf32>
    %mul3A_1241 = arith.mulf %rsqrt3A_1229, %broadcast_in_dim3A_1156 : vector<8x1280xf32>
    %add3A_1242 = arith.addf %mul3A_1240, %mul3A_1241 : vector<8x1280xf32>
    %mul3A_1243 = arith.mulf %rsqrt3A_1229, %add3A_1088 : vector<8x1280xf32>
    %mul3A_1244 = arith.mulf %mul3A_1230, %add3A_1168 : vector<8x1280xf32>
    %sub3A_1245 = arith.subf %mul3A_1243, %mul3A_1244 : vector<8x1280xf32>
    %mul3A_1246 = arith.mulf %mul3A_1230, %add3A_1088 : vector<8x1280xf32>
    %mul3A_1247 = arith.mulf %rsqrt3A_1229, %add3A_1168 : vector<8x1280xf32>
    %add3A_1248 = arith.addf %mul3A_1246, %mul3A_1247 : vector<8x1280xf32>
    %mul3A_1249 = arith.mulf %rsqrt3A_1229, %add3A_1094 : vector<8x1280xf32>
    %mul3A_1250 = arith.mulf %mul3A_1230, %add3A_1174 : vector<8x1280xf32>
    %sub3A_1251 = arith.subf %mul3A_1249, %mul3A_1250 : vector<8x1280xf32>
    %mul3A_1252 = arith.mulf %mul3A_1230, %add3A_1094 : vector<8x1280xf32>
    %mul3A_1253 = arith.mulf %rsqrt3A_1229, %add3A_1174 : vector<8x1280xf32>
    %add3A_1254 = arith.addf %mul3A_1252, %mul3A_1253 : vector<8x1280xf32>
    %mul3A_1255 = arith.mulf %rsqrt3A_1229, %add3A_1100 : vector<8x1280xf32>
    %mul3A_1256 = arith.mulf %mul3A_1230, %add3A_1180 : vector<8x1280xf32>
    %sub3A_1257 = arith.subf %mul3A_1255, %mul3A_1256 : vector<8x1280xf32>
    %mul3A_1258 = arith.mulf %mul3A_1230, %add3A_1100 : vector<8x1280xf32>
    %mul3A_1259 = arith.mulf %rsqrt3A_1229, %add3A_1180 : vector<8x1280xf32>
    %add3A_1260 = arith.addf %mul3A_1258, %mul3A_1259 : vector<8x1280xf32>
    %ne3A_1261 = arith.constant 0.000000e+00 : f32
    %ne3A_1262 = vector.broadcast %ne3A_1261 : f32 to vector<8x1280xf32>
    %ne3A_1263 = arith.cmpf one, %sub3A_1239, %ne3A_1262 : vector<8x1280xf32>
    %jit3A_1264 = arith.constant 1.000000e+00 : f32
    %broadcast_in_dim3A_1265 = vector.broadcast %jit3A_1264 : f32 to vector<8x1280xf32>
    %select_n3A_1266 = arith.select %ne3A_1263, %sub3A_1239, %broadcast_in_dim3A_1265 : vector<8x1280xi1>, vector<8x1280xf32>
    %sub3A_1267 = arith.subf %sub3A_1232, %sub3A_1152 : vector<8x1280xf32>
    %mul3A_1268 = arith.constant 5.000000e-01 : f32
    %mul3A_1269 = vector.broadcast %mul3A_1268 : f32 to vector<8x1280xf32>
    %mul3A_1270 = arith.mulf %sub3A_1267, %mul3A_1269 : vector<8x1280xf32>
    %div3A_1271 = arith.divf %mul3A_1270, %select_n3A_1266 : vector<8x1280xf32>
    %sign3A_1272 = tpu.bitcast %div3A_1271 : vector<8x1280xf32> -> vector<8x1280xi32>
    %sign3A_1273 = arith.constant -2147483648 : i32
    %sign3A_1274 = vector.broadcast %sign3A_1273 : i32 to vector<8x1280xi32>
    %sign3A_1275 = arith.andi %sign3A_1272, %sign3A_1274 : vector<8x1280xi32>
    %sign3A_1276 = arith.constant 1065353216 : i32
    %sign3A_1277 = vector.broadcast %sign3A_1276 : i32 to vector<8x1280xi32>
    %sign3A_1278 = arith.ori %sign3A_1277, %sign3A_1275 : vector<8x1280xi32>
    %sign3A_1279 = tpu.bitcast %sign3A_1278 : vector<8x1280xi32> -> vector<8x1280xf32>
    %sign3A_1280 = math.absf %div3A_1271 : vector<8x1280xf32>
    %sign3A_1281 = arith.constant 0.000000e+00 : f32
    %sign3A_1282 = vector.broadcast %sign3A_1281 : f32 to vector<8x1280xf32>
    %sign3A_1283 = arith.cmpf ogt, %sign3A_1280, %sign3A_1282 : vector<8x1280xf32>
    %sign3A_1284 = arith.select %sign3A_1283, %sign3A_1279, %div3A_1271 : vector<8x1280xi1>, vector<8x1280xf32>
    %abs3A_1285 = math.absf %div3A_1271 : vector<8x1280xf32>
    %mul3A_1286 = arith.mulf %div3A_1271, %div3A_1271 : vector<8x1280xf32>
    %add3A_1287 = arith.constant 1.000000e+00 : f32
    %add3A_1288 = vector.broadcast %add3A_1287 : f32 to vector<8x1280xf32>
    %add3A_1289 = arith.addf %add3A_1288, %mul3A_1286 : vector<8x1280xf32>
    %sqrt3A_1290 = math.sqrt %add3A_1289 : vector<8x1280xf32>
    %add3A_1291 = arith.addf %abs3A_1285, %sqrt3A_1290 : vector<8x1280xf32>
    %div3A_1292 = arith.divf %sign3A_1284, %add3A_1291 : vector<8x1280xf32>
    %eq3A_1293 = arith.constant 0.000000e+00 : f32
    %eq3A_1294 = vector.broadcast %eq3A_1293 : f32 to vector<8x1280xf32>
    %eq3A_1295 = arith.cmpf oeq, %div3A_1271, %eq3A_1294 : vector<8x1280xf32>
    %jit3A_1296 = arith.constant 1.000000e+00 : f32
    %broadcast_in_dim3A_1297 = vector.broadcast %jit3A_1296 : f32 to vector<8x1280xf32>
    %select_n3A_1298 = arith.select %eq3A_1295, %broadcast_in_dim3A_1297, %div3A_1292 : vector<8x1280xi1>, vector<8x1280xf32>
    %eq3A_1299 = arith.constant 0.000000e+00 : f32
    %eq3A_1300 = vector.broadcast %eq3A_1299 : f32 to vector<8x1280xf32>
    %eq3A_1301 = arith.cmpf oeq, %sub3A_1239, %eq3A_1300 : vector<8x1280xf32>
    %jit3A_1302 = arith.constant 0.000000e+00 : f32
    %broadcast_in_dim3A_1303 = vector.broadcast %jit3A_1302 : f32 to vector<8x1280xf32>
    %select_n3A_1304 = arith.select %eq3A_1301, %broadcast_in_dim3A_1303, %select_n3A_1298 : vector<8x1280xi1>, vector<8x1280xf32>
    %mul3A_1305 = arith.mulf %select_n3A_1304, %select_n3A_1304 : vector<8x1280xf32>
    %add3A_1306 = arith.constant 1.000000e+00 : f32
    %add3A_1307 = vector.broadcast %add3A_1306 : f32 to vector<8x1280xf32>
    %add3A_1308 = arith.addf %add3A_1307, %mul3A_1305 : vector<8x1280xf32>
    %rsqrt3A_1309 = math.rsqrt %add3A_1308 : vector<8x1280xf32>
    %mul3A_1310 = arith.mulf %select_n3A_1304, %rsqrt3A_1309 : vector<8x1280xf32>
    %mul3A_1311 = arith.mulf %select_n3A_1304, %sub3A_1239 : vector<8x1280xf32>
    %sub3A_1312 = arith.subf %sub3A_1152, %mul3A_1311 : vector<8x1280xf32>
    %mul3A_1313 = arith.mulf %select_n3A_1304, %sub3A_1239 : vector<8x1280xf32>
    %add3A_1314 = arith.addf %sub3A_1232, %mul3A_1313 : vector<8x1280xf32>
    %broadcast_in_dim3A_1315 = arith.constant 0.000000e+00 : f32
    %broadcast_in_dim3A_1316 = vector.broadcast %broadcast_in_dim3A_1315 : f32 to vector<8x1280xf32>
    %mul3A_1317 = arith.mulf %rsqrt3A_1309, %add3A_1242 : vector<8x1280xf32>
    %mul3A_1318 = arith.mulf %mul3A_1310, %broadcast_in_dim3A_1236 : vector<8x1280xf32>
    %sub3A_1319 = arith.subf %mul3A_1317, %mul3A_1318 : vector<8x1280xf32>
    %mul3A_1320 = arith.mulf %mul3A_1310, %add3A_1242 : vector<8x1280xf32>
    %mul3A_1321 = arith.mulf %rsqrt3A_1309, %broadcast_in_dim3A_1236 : vector<8x1280xf32>
    %add3A_1322 = arith.addf %mul3A_1320, %mul3A_1321 : vector<8x1280xf32>
    %mul3A_1323 = arith.mulf %rsqrt3A_1309, %sub3A_1165 : vector<8x1280xf32>
    %mul3A_1324 = arith.mulf %mul3A_1310, %sub3A_1245 : vector<8x1280xf32>
    %sub3A_1325 = arith.subf %mul3A_1323, %mul3A_1324 : vector<8x1280xf32>
    %mul3A_1326 = arith.mulf %mul3A_1310, %sub3A_1165 : vector<8x1280xf32>
    %mul3A_1327 = arith.mulf %rsqrt3A_1309, %sub3A_1245 : vector<8x1280xf32>
    %add3A_1328 = arith.addf %mul3A_1326, %mul3A_1327 : vector<8x1280xf32>
    %mul3A_1329 = arith.mulf %rsqrt3A_1309, %sub3A_1171 : vector<8x1280xf32>
    %mul3A_1330 = arith.mulf %mul3A_1310, %sub3A_1251 : vector<8x1280xf32>
    %sub3A_1331 = arith.subf %mul3A_1329, %mul3A_1330 : vector<8x1280xf32>
    %mul3A_1332 = arith.mulf %mul3A_1310, %sub3A_1171 : vector<8x1280xf32>
    %mul3A_1333 = arith.mulf %rsqrt3A_1309, %sub3A_1251 : vector<8x1280xf32>
    %add3A_1334 = arith.addf %mul3A_1332, %mul3A_1333 : vector<8x1280xf32>
    %mul3A_1335 = arith.mulf %rsqrt3A_1309, %sub3A_1177 : vector<8x1280xf32>
    %mul3A_1336 = arith.mulf %mul3A_1310, %sub3A_1257 : vector<8x1280xf32>
    %sub3A_1337 = arith.subf %mul3A_1335, %mul3A_1336 : vector<8x1280xf32>
    %mul3A_1338 = arith.mulf %mul3A_1310, %sub3A_1177 : vector<8x1280xf32>
    %mul3A_1339 = arith.mulf %rsqrt3A_1309, %sub3A_1257 : vector<8x1280xf32>
    %add3A_1340 = arith.addf %mul3A_1338, %mul3A_1339 : vector<8x1280xf32>
    %ne3A_1341 = arith.constant 0.000000e+00 : f32
    %ne3A_1342 = vector.broadcast %ne3A_1341 : f32 to vector<8x1280xf32>
    %ne3A_1343 = arith.cmpf one, %sub3A_1319, %ne3A_1342 : vector<8x1280xf32>
    %jit3A_1344 = arith.constant 1.000000e+00 : f32
    %broadcast_in_dim3A_1345 = vector.broadcast %jit3A_1344 : f32 to vector<8x1280xf32>
    %select_n3A_1346 = arith.select %ne3A_1343, %sub3A_1319, %broadcast_in_dim3A_1345 : vector<8x1280xi1>, vector<8x1280xf32>
    %sub3A_1347 = arith.subf %add3A_1234, %sub3A_1312 : vector<8x1280xf32>
    %mul3A_1348 = arith.constant 5.000000e-01 : f32
    %mul3A_1349 = vector.broadcast %mul3A_1348 : f32 to vector<8x1280xf32>
    %mul3A_1350 = arith.mulf %sub3A_1347, %mul3A_1349 : vector<8x1280xf32>
    %div3A_1351 = arith.divf %mul3A_1350, %select_n3A_1346 : vector<8x1280xf32>
    %sign3A_1352 = tpu.bitcast %div3A_1351 : vector<8x1280xf32> -> vector<8x1280xi32>
    %sign3A_1353 = arith.constant -2147483648 : i32
    %sign3A_1354 = vector.broadcast %sign3A_1353 : i32 to vector<8x1280xi32>
    %sign3A_1355 = arith.andi %sign3A_1352, %sign3A_1354 : vector<8x1280xi32>
    %sign3A_1356 = arith.constant 1065353216 : i32
    %sign3A_1357 = vector.broadcast %sign3A_1356 : i32 to vector<8x1280xi32>
    %sign3A_1358 = arith.ori %sign3A_1357, %sign3A_1355 : vector<8x1280xi32>
    %sign3A_1359 = tpu.bitcast %sign3A_1358 : vector<8x1280xi32> -> vector<8x1280xf32>
    %sign3A_1360 = math.absf %div3A_1351 : vector<8x1280xf32>
    %sign3A_1361 = arith.constant 0.000000e+00 : f32
    %sign3A_1362 = vector.broadcast %sign3A_1361 : f32 to vector<8x1280xf32>
    %sign3A_1363 = arith.cmpf ogt, %sign3A_1360, %sign3A_1362 : vector<8x1280xf32>
    %sign3A_1364 = arith.select %sign3A_1363, %sign3A_1359, %div3A_1351 : vector<8x1280xi1>, vector<8x1280xf32>
    %abs3A_1365 = math.absf %div3A_1351 : vector<8x1280xf32>
    %mul3A_1366 = arith.mulf %div3A_1351, %div3A_1351 : vector<8x1280xf32>
    %add3A_1367 = arith.constant 1.000000e+00 : f32
    %add3A_1368 = vector.broadcast %add3A_1367 : f32 to vector<8x1280xf32>
    %add3A_1369 = arith.addf %add3A_1368, %mul3A_1366 : vector<8x1280xf32>
    %sqrt3A_1370 = math.sqrt %add3A_1369 : vector<8x1280xf32>
    %add3A_1371 = arith.addf %abs3A_1365, %sqrt3A_1370 : vector<8x1280xf32>
    %div3A_1372 = arith.divf %sign3A_1364, %add3A_1371 : vector<8x1280xf32>
    %eq3A_1373 = arith.constant 0.000000e+00 : f32
    %eq3A_1374 = vector.broadcast %eq3A_1373 : f32 to vector<8x1280xf32>
    %eq3A_1375 = arith.cmpf oeq, %div3A_1351, %eq3A_1374 : vector<8x1280xf32>
    %jit3A_1376 = arith.constant 1.000000e+00 : f32
    %broadcast_in_dim3A_1377 = vector.broadcast %jit3A_1376 : f32 to vector<8x1280xf32>
    %select_n3A_1378 = arith.select %eq3A_1375, %broadcast_in_dim3A_1377, %div3A_1372 : vector<8x1280xi1>, vector<8x1280xf32>
    %eq3A_1379 = arith.constant 0.000000e+00 : f32
    %eq3A_1380 = vector.broadcast %eq3A_1379 : f32 to vector<8x1280xf32>
    %eq3A_1381 = arith.cmpf oeq, %sub3A_1319, %eq3A_1380 : vector<8x1280xf32>
    %jit3A_1382 = arith.constant 0.000000e+00 : f32
    %broadcast_in_dim3A_1383 = vector.broadcast %jit3A_1382 : f32 to vector<8x1280xf32>
    %select_n3A_1384 = arith.select %eq3A_1381, %broadcast_in_dim3A_1383, %select_n3A_1378 : vector<8x1280xi1>, vector<8x1280xf32>
    %mul3A_1385 = arith.mulf %select_n3A_1384, %select_n3A_1384 : vector<8x1280xf32>
    %add3A_1386 = arith.constant 1.000000e+00 : f32
    %add3A_1387 = vector.broadcast %add3A_1386 : f32 to vector<8x1280xf32>
    %add3A_1388 = arith.addf %add3A_1387, %mul3A_1385 : vector<8x1280xf32>
    %rsqrt3A_1389 = math.rsqrt %add3A_1388 : vector<8x1280xf32>
    %mul3A_1390 = arith.mulf %select_n3A_1384, %rsqrt3A_1389 : vector<8x1280xf32>
    %mul3A_1391 = arith.mulf %select_n3A_1384, %sub3A_1319 : vector<8x1280xf32>
    %sub3A_1392 = arith.subf %sub3A_1312, %mul3A_1391 : vector<8x1280xf32>
    %mul3A_1393 = arith.mulf %select_n3A_1384, %sub3A_1319 : vector<8x1280xf32>
    %add3A_1394 = arith.addf %add3A_1234, %mul3A_1393 : vector<8x1280xf32>
    %broadcast_in_dim3A_1395 = arith.constant 0.000000e+00 : f32
    %broadcast_in_dim3A_1396 = vector.broadcast %broadcast_in_dim3A_1395 : f32 to vector<8x1280xf32>
    %mul3A_1397 = arith.mulf %rsqrt3A_1389, %broadcast_in_dim3A_1316 : vector<8x1280xf32>
    %mul3A_1398 = arith.mulf %mul3A_1390, %add3A_1322 : vector<8x1280xf32>
    %sub3A_1399 = arith.subf %mul3A_1397, %mul3A_1398 : vector<8x1280xf32>
    %mul3A_1400 = arith.mulf %mul3A_1390, %broadcast_in_dim3A_1316 : vector<8x1280xf32>
    %mul3A_1401 = arith.mulf %rsqrt3A_1389, %add3A_1322 : vector<8x1280xf32>
    %add3A_1402 = arith.addf %mul3A_1400, %mul3A_1401 : vector<8x1280xf32>
    %mul3A_1403 = arith.mulf %rsqrt3A_1389, %sub3A_1325 : vector<8x1280xf32>
    %mul3A_1404 = arith.mulf %mul3A_1390, %add3A_1248 : vector<8x1280xf32>
    %sub3A_1405 = arith.subf %mul3A_1403, %mul3A_1404 : vector<8x1280xf32>
    %mul3A_1406 = arith.mulf %mul3A_1390, %sub3A_1325 : vector<8x1280xf32>
    %mul3A_1407 = arith.mulf %rsqrt3A_1389, %add3A_1248 : vector<8x1280xf32>
    %add3A_1408 = arith.addf %mul3A_1406, %mul3A_1407 : vector<8x1280xf32>
    %mul3A_1409 = arith.mulf %rsqrt3A_1389, %sub3A_1331 : vector<8x1280xf32>
    %mul3A_1410 = arith.mulf %mul3A_1390, %add3A_1254 : vector<8x1280xf32>
    %sub3A_1411 = arith.subf %mul3A_1409, %mul3A_1410 : vector<8x1280xf32>
    %mul3A_1412 = arith.mulf %mul3A_1390, %sub3A_1331 : vector<8x1280xf32>
    %mul3A_1413 = arith.mulf %rsqrt3A_1389, %add3A_1254 : vector<8x1280xf32>
    %add3A_1414 = arith.addf %mul3A_1412, %mul3A_1413 : vector<8x1280xf32>
    %mul3A_1415 = arith.mulf %rsqrt3A_1389, %sub3A_1337 : vector<8x1280xf32>
    %mul3A_1416 = arith.mulf %mul3A_1390, %add3A_1260 : vector<8x1280xf32>
    %sub3A_1417 = arith.subf %mul3A_1415, %mul3A_1416 : vector<8x1280xf32>
    %mul3A_1418 = arith.mulf %mul3A_1390, %sub3A_1337 : vector<8x1280xf32>
    %mul3A_1419 = arith.mulf %rsqrt3A_1389, %add3A_1260 : vector<8x1280xf32>
    %add3A_1420 = arith.addf %mul3A_1418, %mul3A_1419 : vector<8x1280xf32>
    %ne3A_1421 = arith.constant 0.000000e+00 : f32
    %ne3A_1422 = vector.broadcast %ne3A_1421 : f32 to vector<8x1280xf32>
    %ne3A_1423 = arith.cmpf one, %add3A_1402, %ne3A_1422 : vector<8x1280xf32>
    %jit3A_1424 = arith.constant 1.000000e+00 : f32
    %broadcast_in_dim3A_1425 = vector.broadcast %jit3A_1424 : f32 to vector<8x1280xf32>
    %select_n3A_1426 = arith.select %ne3A_1423, %add3A_1402, %broadcast_in_dim3A_1425 : vector<8x1280xi1>, vector<8x1280xf32>
    %sub3A_1427 = arith.subf %add3A_1394, %add3A_1314 : vector<8x1280xf32>
    %mul3A_1428 = arith.constant 5.000000e-01 : f32
    %mul3A_1429 = vector.broadcast %mul3A_1428 : f32 to vector<8x1280xf32>
    %mul3A_1430 = arith.mulf %sub3A_1427, %mul3A_1429 : vector<8x1280xf32>
    %div3A_1431 = arith.divf %mul3A_1430, %select_n3A_1426 : vector<8x1280xf32>
    %sign3A_1432 = tpu.bitcast %div3A_1431 : vector<8x1280xf32> -> vector<8x1280xi32>
    %sign3A_1433 = arith.constant -2147483648 : i32
    %sign3A_1434 = vector.broadcast %sign3A_1433 : i32 to vector<8x1280xi32>
    %sign3A_1435 = arith.andi %sign3A_1432, %sign3A_1434 : vector<8x1280xi32>
    %sign3A_1436 = arith.constant 1065353216 : i32
    %sign3A_1437 = vector.broadcast %sign3A_1436 : i32 to vector<8x1280xi32>
    %sign3A_1438 = arith.ori %sign3A_1437, %sign3A_1435 : vector<8x1280xi32>
    %sign3A_1439 = tpu.bitcast %sign3A_1438 : vector<8x1280xi32> -> vector<8x1280xf32>
    %sign3A_1440 = math.absf %div3A_1431 : vector<8x1280xf32>
    %sign3A_1441 = arith.constant 0.000000e+00 : f32
    %sign3A_1442 = vector.broadcast %sign3A_1441 : f32 to vector<8x1280xf32>
    %sign3A_1443 = arith.cmpf ogt, %sign3A_1440, %sign3A_1442 : vector<8x1280xf32>
    %sign3A_1444 = arith.select %sign3A_1443, %sign3A_1439, %div3A_1431 : vector<8x1280xi1>, vector<8x1280xf32>
    %abs3A_1445 = math.absf %div3A_1431 : vector<8x1280xf32>
    %mul3A_1446 = arith.mulf %div3A_1431, %div3A_1431 : vector<8x1280xf32>
    %add3A_1447 = arith.constant 1.000000e+00 : f32
    %add3A_1448 = vector.broadcast %add3A_1447 : f32 to vector<8x1280xf32>
    %add3A_1449 = arith.addf %add3A_1448, %mul3A_1446 : vector<8x1280xf32>
    %sqrt3A_1450 = math.sqrt %add3A_1449 : vector<8x1280xf32>
    %add3A_1451 = arith.addf %abs3A_1445, %sqrt3A_1450 : vector<8x1280xf32>
    %div3A_1452 = arith.divf %sign3A_1444, %add3A_1451 : vector<8x1280xf32>
    %eq3A_1453 = arith.constant 0.000000e+00 : f32
    %eq3A_1454 = vector.broadcast %eq3A_1453 : f32 to vector<8x1280xf32>
    %eq3A_1455 = arith.cmpf oeq, %div3A_1431, %eq3A_1454 : vector<8x1280xf32>
    %jit3A_1456 = arith.constant 1.000000e+00 : f32
    %broadcast_in_dim3A_1457 = vector.broadcast %jit3A_1456 : f32 to vector<8x1280xf32>
    %select_n3A_1458 = arith.select %eq3A_1455, %broadcast_in_dim3A_1457, %div3A_1452 : vector<8x1280xi1>, vector<8x1280xf32>
    %eq3A_1459 = arith.constant 0.000000e+00 : f32
    %eq3A_1460 = vector.broadcast %eq3A_1459 : f32 to vector<8x1280xf32>
    %eq3A_1461 = arith.cmpf oeq, %add3A_1402, %eq3A_1460 : vector<8x1280xf32>
    %jit3A_1462 = arith.constant 0.000000e+00 : f32
    %broadcast_in_dim3A_1463 = vector.broadcast %jit3A_1462 : f32 to vector<8x1280xf32>
    %select_n3A_1464 = arith.select %eq3A_1461, %broadcast_in_dim3A_1463, %select_n3A_1458 : vector<8x1280xi1>, vector<8x1280xf32>
    %mul3A_1465 = arith.mulf %select_n3A_1464, %select_n3A_1464 : vector<8x1280xf32>
    %add3A_1466 = arith.constant 1.000000e+00 : f32
    %add3A_1467 = vector.broadcast %add3A_1466 : f32 to vector<8x1280xf32>
    %add3A_1468 = arith.addf %add3A_1467, %mul3A_1465 : vector<8x1280xf32>
    %rsqrt3A_1469 = math.rsqrt %add3A_1468 : vector<8x1280xf32>
    %mul3A_1470 = arith.mulf %select_n3A_1464, %rsqrt3A_1469 : vector<8x1280xf32>
    %mul3A_1471 = arith.mulf %select_n3A_1464, %add3A_1402 : vector<8x1280xf32>
    %sub3A_1472 = arith.subf %add3A_1314, %mul3A_1471 : vector<8x1280xf32>
    %mul3A_1473 = arith.mulf %select_n3A_1464, %add3A_1402 : vector<8x1280xf32>
    %add3A_1474 = arith.addf %add3A_1394, %mul3A_1473 : vector<8x1280xf32>
    %broadcast_in_dim3A_1475 = arith.constant 0.000000e+00 : f32
    %broadcast_in_dim3A_1476 = vector.broadcast %broadcast_in_dim3A_1475 : f32 to vector<8x1280xf32>
    %mul3A_1477 = arith.mulf %rsqrt3A_1469, %sub3A_1399 : vector<8x1280xf32>
    %mul3A_1478 = arith.mulf %mul3A_1470, %broadcast_in_dim3A_1396 : vector<8x1280xf32>
    %sub3A_1479 = arith.subf %mul3A_1477, %mul3A_1478 : vector<8x1280xf32>
    %mul3A_1480 = arith.mulf %mul3A_1470, %sub3A_1399 : vector<8x1280xf32>
    %mul3A_1481 = arith.mulf %rsqrt3A_1469, %broadcast_in_dim3A_1396 : vector<8x1280xf32>
    %add3A_1482 = arith.addf %mul3A_1480, %mul3A_1481 : vector<8x1280xf32>
    %mul3A_1483 = arith.mulf %rsqrt3A_1469, %add3A_1328 : vector<8x1280xf32>
    %mul3A_1484 = arith.mulf %mul3A_1470, %add3A_1408 : vector<8x1280xf32>
    %sub3A_1485 = arith.subf %mul3A_1483, %mul3A_1484 : vector<8x1280xf32>
    %mul3A_1486 = arith.mulf %mul3A_1470, %add3A_1328 : vector<8x1280xf32>
    %mul3A_1487 = arith.mulf %rsqrt3A_1469, %add3A_1408 : vector<8x1280xf32>
    %add3A_1488 = arith.addf %mul3A_1486, %mul3A_1487 : vector<8x1280xf32>
    %mul3A_1489 = arith.mulf %rsqrt3A_1469, %add3A_1334 : vector<8x1280xf32>
    %mul3A_1490 = arith.mulf %mul3A_1470, %add3A_1414 : vector<8x1280xf32>
    %sub3A_1491 = arith.subf %mul3A_1489, %mul3A_1490 : vector<8x1280xf32>
    %mul3A_1492 = arith.mulf %mul3A_1470, %add3A_1334 : vector<8x1280xf32>
    %mul3A_1493 = arith.mulf %rsqrt3A_1469, %add3A_1414 : vector<8x1280xf32>
    %add3A_1494 = arith.addf %mul3A_1492, %mul3A_1493 : vector<8x1280xf32>
    %mul3A_1495 = arith.mulf %rsqrt3A_1469, %add3A_1340 : vector<8x1280xf32>
    %mul3A_1496 = arith.mulf %mul3A_1470, %add3A_1420 : vector<8x1280xf32>
    %sub3A_1497 = arith.subf %mul3A_1495, %mul3A_1496 : vector<8x1280xf32>
    %mul3A_1498 = arith.mulf %mul3A_1470, %add3A_1340 : vector<8x1280xf32>
    %mul3A_1499 = arith.mulf %rsqrt3A_1469, %add3A_1420 : vector<8x1280xf32>
    %add3A_1500 = arith.addf %mul3A_1498, %mul3A_1499 : vector<8x1280xf32>
    %ne3A_1501 = arith.constant 0.000000e+00 : f32
    %ne3A_1502 = vector.broadcast %ne3A_1501 : f32 to vector<8x1280xf32>
    %ne3A_1503 = arith.cmpf one, %sub3A_1479, %ne3A_1502 : vector<8x1280xf32>
    %jit3A_1504 = arith.constant 1.000000e+00 : f32
    %broadcast_in_dim3A_1505 = vector.broadcast %jit3A_1504 : f32 to vector<8x1280xf32>
    %select_n3A_1506 = arith.select %ne3A_1503, %sub3A_1479, %broadcast_in_dim3A_1505 : vector<8x1280xi1>, vector<8x1280xf32>
    %sub3A_1507 = arith.subf %sub3A_1472, %sub3A_1392 : vector<8x1280xf32>
    %mul3A_1508 = arith.constant 5.000000e-01 : f32
    %mul3A_1509 = vector.broadcast %mul3A_1508 : f32 to vector<8x1280xf32>
    %mul3A_1510 = arith.mulf %sub3A_1507, %mul3A_1509 : vector<8x1280xf32>
    %div3A_1511 = arith.divf %mul3A_1510, %select_n3A_1506 : vector<8x1280xf32>
    %sign3A_1512 = tpu.bitcast %div3A_1511 : vector<8x1280xf32> -> vector<8x1280xi32>
    %sign3A_1513 = arith.constant -2147483648 : i32
    %sign3A_1514 = vector.broadcast %sign3A_1513 : i32 to vector<8x1280xi32>
    %sign3A_1515 = arith.andi %sign3A_1512, %sign3A_1514 : vector<8x1280xi32>
    %sign3A_1516 = arith.constant 1065353216 : i32
    %sign3A_1517 = vector.broadcast %sign3A_1516 : i32 to vector<8x1280xi32>
    %sign3A_1518 = arith.ori %sign3A_1517, %sign3A_1515 : vector<8x1280xi32>
    %sign3A_1519 = tpu.bitcast %sign3A_1518 : vector<8x1280xi32> -> vector<8x1280xf32>
    %sign3A_1520 = math.absf %div3A_1511 : vector<8x1280xf32>
    %sign3A_1521 = arith.constant 0.000000e+00 : f32
    %sign3A_1522 = vector.broadcast %sign3A_1521 : f32 to vector<8x1280xf32>
    %sign3A_1523 = arith.cmpf ogt, %sign3A_1520, %sign3A_1522 : vector<8x1280xf32>
    %sign3A_1524 = arith.select %sign3A_1523, %sign3A_1519, %div3A_1511 : vector<8x1280xi1>, vector<8x1280xf32>
    %abs3A_1525 = math.absf %div3A_1511 : vector<8x1280xf32>
    %mul3A_1526 = arith.mulf %div3A_1511, %div3A_1511 : vector<8x1280xf32>
    %add3A_1527 = arith.constant 1.000000e+00 : f32
    %add3A_1528 = vector.broadcast %add3A_1527 : f32 to vector<8x1280xf32>
    %add3A_1529 = arith.addf %add3A_1528, %mul3A_1526 : vector<8x1280xf32>
    %sqrt3A_1530 = math.sqrt %add3A_1529 : vector<8x1280xf32>
    %add3A_1531 = arith.addf %abs3A_1525, %sqrt3A_1530 : vector<8x1280xf32>
    %div3A_1532 = arith.divf %sign3A_1524, %add3A_1531 : vector<8x1280xf32>
    %eq3A_1533 = arith.constant 0.000000e+00 : f32
    %eq3A_1534 = vector.broadcast %eq3A_1533 : f32 to vector<8x1280xf32>
    %eq3A_1535 = arith.cmpf oeq, %div3A_1511, %eq3A_1534 : vector<8x1280xf32>
    %jit3A_1536 = arith.constant 1.000000e+00 : f32
    %broadcast_in_dim3A_1537 = vector.broadcast %jit3A_1536 : f32 to vector<8x1280xf32>
    %select_n3A_1538 = arith.select %eq3A_1535, %broadcast_in_dim3A_1537, %div3A_1532 : vector<8x1280xi1>, vector<8x1280xf32>
    %eq3A_1539 = arith.constant 0.000000e+00 : f32
    %eq3A_1540 = vector.broadcast %eq3A_1539 : f32 to vector<8x1280xf32>
    %eq3A_1541 = arith.cmpf oeq, %sub3A_1479, %eq3A_1540 : vector<8x1280xf32>
    %jit3A_1542 = arith.constant 0.000000e+00 : f32
    %broadcast_in_dim3A_1543 = vector.broadcast %jit3A_1542 : f32 to vector<8x1280xf32>
    %select_n3A_1544 = arith.select %eq3A_1541, %broadcast_in_dim3A_1543, %select_n3A_1538 : vector<8x1280xi1>, vector<8x1280xf32>
    %mul3A_1545 = arith.mulf %select_n3A_1544, %select_n3A_1544 : vector<8x1280xf32>
    %add3A_1546 = arith.constant 1.000000e+00 : f32
    %add3A_1547 = vector.broadcast %add3A_1546 : f32 to vector<8x1280xf32>
    %add3A_1548 = arith.addf %add3A_1547, %mul3A_1545 : vector<8x1280xf32>
    %rsqrt3A_1549 = math.rsqrt %add3A_1548 : vector<8x1280xf32>
    %mul3A_1550 = arith.mulf %select_n3A_1544, %rsqrt3A_1549 : vector<8x1280xf32>
    %mul3A_1551 = arith.mulf %select_n3A_1544, %sub3A_1479 : vector<8x1280xf32>
    %sub3A_1552 = arith.subf %sub3A_1392, %mul3A_1551 : vector<8x1280xf32>
    %mul3A_1553 = arith.mulf %select_n3A_1544, %sub3A_1479 : vector<8x1280xf32>
    %add3A_1554 = arith.addf %sub3A_1472, %mul3A_1553 : vector<8x1280xf32>
    %broadcast_in_dim3A_1555 = arith.constant 0.000000e+00 : f32
    %broadcast_in_dim3A_1556 = vector.broadcast %broadcast_in_dim3A_1555 : f32 to vector<8x1280xf32>
    %mul3A_1557 = arith.mulf %rsqrt3A_1549, %add3A_1482 : vector<8x1280xf32>
    %mul3A_1558 = arith.mulf %mul3A_1550, %broadcast_in_dim3A_1476 : vector<8x1280xf32>
    %sub3A_1559 = arith.subf %mul3A_1557, %mul3A_1558 : vector<8x1280xf32>
    %mul3A_1560 = arith.mulf %mul3A_1550, %add3A_1482 : vector<8x1280xf32>
    %mul3A_1561 = arith.mulf %rsqrt3A_1549, %broadcast_in_dim3A_1476 : vector<8x1280xf32>
    %add3A_1562 = arith.addf %mul3A_1560, %mul3A_1561 : vector<8x1280xf32>
    %mul3A_1563 = arith.mulf %rsqrt3A_1549, %sub3A_1405 : vector<8x1280xf32>
    %mul3A_1564 = arith.mulf %mul3A_1550, %sub3A_1485 : vector<8x1280xf32>
    %sub3A_1565 = arith.subf %mul3A_1563, %mul3A_1564 : vector<8x1280xf32>
    %mul3A_1566 = arith.mulf %mul3A_1550, %sub3A_1405 : vector<8x1280xf32>
    %mul3A_1567 = arith.mulf %rsqrt3A_1549, %sub3A_1485 : vector<8x1280xf32>
    %add3A_1568 = arith.addf %mul3A_1566, %mul3A_1567 : vector<8x1280xf32>
    %mul3A_1569 = arith.mulf %rsqrt3A_1549, %sub3A_1411 : vector<8x1280xf32>
    %mul3A_1570 = arith.mulf %mul3A_1550, %sub3A_1491 : vector<8x1280xf32>
    %sub3A_1571 = arith.subf %mul3A_1569, %mul3A_1570 : vector<8x1280xf32>
    %mul3A_1572 = arith.mulf %mul3A_1550, %sub3A_1411 : vector<8x1280xf32>
    %mul3A_1573 = arith.mulf %rsqrt3A_1549, %sub3A_1491 : vector<8x1280xf32>
    %add3A_1574 = arith.addf %mul3A_1572, %mul3A_1573 : vector<8x1280xf32>
    %mul3A_1575 = arith.mulf %rsqrt3A_1549, %sub3A_1417 : vector<8x1280xf32>
    %mul3A_1576 = arith.mulf %mul3A_1550, %sub3A_1497 : vector<8x1280xf32>
    %sub3A_1577 = arith.subf %mul3A_1575, %mul3A_1576 : vector<8x1280xf32>
    %mul3A_1578 = arith.mulf %mul3A_1550, %sub3A_1417 : vector<8x1280xf32>
    %mul3A_1579 = arith.mulf %rsqrt3A_1549, %sub3A_1497 : vector<8x1280xf32>
    %add3A_1580 = arith.addf %mul3A_1578, %mul3A_1579 : vector<8x1280xf32>
    %ne3A_1581 = arith.constant 0.000000e+00 : f32
    %ne3A_1582 = vector.broadcast %ne3A_1581 : f32 to vector<8x1280xf32>
    %ne3A_1583 = arith.cmpf one, %sub3A_1559, %ne3A_1582 : vector<8x1280xf32>
    %jit3A_1584 = arith.constant 1.000000e+00 : f32
    %broadcast_in_dim3A_1585 = vector.broadcast %jit3A_1584 : f32 to vector<8x1280xf32>
    %select_n3A_1586 = arith.select %ne3A_1583, %sub3A_1559, %broadcast_in_dim3A_1585 : vector<8x1280xi1>, vector<8x1280xf32>
    %sub3A_1587 = arith.subf %add3A_1474, %sub3A_1552 : vector<8x1280xf32>
    %mul3A_1588 = arith.constant 5.000000e-01 : f32
    %mul3A_1589 = vector.broadcast %mul3A_1588 : f32 to vector<8x1280xf32>
    %mul3A_1590 = arith.mulf %sub3A_1587, %mul3A_1589 : vector<8x1280xf32>
    %div3A_1591 = arith.divf %mul3A_1590, %select_n3A_1586 : vector<8x1280xf32>
    %sign3A_1592 = tpu.bitcast %div3A_1591 : vector<8x1280xf32> -> vector<8x1280xi32>
    %sign3A_1593 = arith.constant -2147483648 : i32
    %sign3A_1594 = vector.broadcast %sign3A_1593 : i32 to vector<8x1280xi32>
    %sign3A_1595 = arith.andi %sign3A_1592, %sign3A_1594 : vector<8x1280xi32>
    %sign3A_1596 = arith.constant 1065353216 : i32
    %sign3A_1597 = vector.broadcast %sign3A_1596 : i32 to vector<8x1280xi32>
    %sign3A_1598 = arith.ori %sign3A_1597, %sign3A_1595 : vector<8x1280xi32>
    %sign3A_1599 = tpu.bitcast %sign3A_1598 : vector<8x1280xi32> -> vector<8x1280xf32>
    %sign3A_1600 = math.absf %div3A_1591 : vector<8x1280xf32>
    %sign3A_1601 = arith.constant 0.000000e+00 : f32
    %sign3A_1602 = vector.broadcast %sign3A_1601 : f32 to vector<8x1280xf32>
    %sign3A_1603 = arith.cmpf ogt, %sign3A_1600, %sign3A_1602 : vector<8x1280xf32>
    %sign3A_1604 = arith.select %sign3A_1603, %sign3A_1599, %div3A_1591 : vector<8x1280xi1>, vector<8x1280xf32>
    %abs3A_1605 = math.absf %div3A_1591 : vector<8x1280xf32>
    %mul3A_1606 = arith.mulf %div3A_1591, %div3A_1591 : vector<8x1280xf32>
    %add3A_1607 = arith.constant 1.000000e+00 : f32
    %add3A_1608 = vector.broadcast %add3A_1607 : f32 to vector<8x1280xf32>
    %add3A_1609 = arith.addf %add3A_1608, %mul3A_1606 : vector<8x1280xf32>
    %sqrt3A_1610 = math.sqrt %add3A_1609 : vector<8x1280xf32>
    %add3A_1611 = arith.addf %abs3A_1605, %sqrt3A_1610 : vector<8x1280xf32>
    %div3A_1612 = arith.divf %sign3A_1604, %add3A_1611 : vector<8x1280xf32>
    %eq3A_1613 = arith.constant 0.000000e+00 : f32
    %eq3A_1614 = vector.broadcast %eq3A_1613 : f32 to vector<8x1280xf32>
    %eq3A_1615 = arith.cmpf oeq, %div3A_1591, %eq3A_1614 : vector<8x1280xf32>
    %jit3A_1616 = arith.constant 1.000000e+00 : f32
    %broadcast_in_dim3A_1617 = vector.broadcast %jit3A_1616 : f32 to vector<8x1280xf32>
    %select_n3A_1618 = arith.select %eq3A_1615, %broadcast_in_dim3A_1617, %div3A_1612 : vector<8x1280xi1>, vector<8x1280xf32>
    %eq3A_1619 = arith.constant 0.000000e+00 : f32
    %eq3A_1620 = vector.broadcast %eq3A_1619 : f32 to vector<8x1280xf32>
    %eq3A_1621 = arith.cmpf oeq, %sub3A_1559, %eq3A_1620 : vector<8x1280xf32>
    %jit3A_1622 = arith.constant 0.000000e+00 : f32
    %broadcast_in_dim3A_1623 = vector.broadcast %jit3A_1622 : f32 to vector<8x1280xf32>
    %select_n3A_1624 = arith.select %eq3A_1621, %broadcast_in_dim3A_1623, %select_n3A_1618 : vector<8x1280xi1>, vector<8x1280xf32>
    %mul3A_1625 = arith.mulf %select_n3A_1624, %select_n3A_1624 : vector<8x1280xf32>
    %add3A_1626 = arith.constant 1.000000e+00 : f32
    %add3A_1627 = vector.broadcast %add3A_1626 : f32 to vector<8x1280xf32>
    %add3A_1628 = arith.addf %add3A_1627, %mul3A_1625 : vector<8x1280xf32>
    %rsqrt3A_1629 = math.rsqrt %add3A_1628 : vector<8x1280xf32>
    %mul3A_1630 = arith.mulf %select_n3A_1624, %rsqrt3A_1629 : vector<8x1280xf32>
    %mul3A_1631 = arith.mulf %select_n3A_1624, %sub3A_1559 : vector<8x1280xf32>
    %sub3A_1632 = arith.subf %sub3A_1552, %mul3A_1631 : vector<8x1280xf32>
    %mul3A_1633 = arith.mulf %select_n3A_1624, %sub3A_1559 : vector<8x1280xf32>
    %add3A_1634 = arith.addf %add3A_1474, %mul3A_1633 : vector<8x1280xf32>
    %broadcast_in_dim3A_1635 = arith.constant 0.000000e+00 : f32
    %broadcast_in_dim3A_1636 = vector.broadcast %broadcast_in_dim3A_1635 : f32 to vector<8x1280xf32>
    %mul3A_1637 = arith.mulf %rsqrt3A_1629, %broadcast_in_dim3A_1556 : vector<8x1280xf32>
    %mul3A_1638 = arith.mulf %mul3A_1630, %add3A_1562 : vector<8x1280xf32>
    %sub3A_1639 = arith.subf %mul3A_1637, %mul3A_1638 : vector<8x1280xf32>
    %mul3A_1640 = arith.mulf %mul3A_1630, %broadcast_in_dim3A_1556 : vector<8x1280xf32>
    %mul3A_1641 = arith.mulf %rsqrt3A_1629, %add3A_1562 : vector<8x1280xf32>
    %add3A_1642 = arith.addf %mul3A_1640, %mul3A_1641 : vector<8x1280xf32>
    %mul3A_1643 = arith.mulf %rsqrt3A_1629, %sub3A_1565 : vector<8x1280xf32>
    %mul3A_1644 = arith.mulf %mul3A_1630, %add3A_1488 : vector<8x1280xf32>
    %sub3A_1645 = arith.subf %mul3A_1643, %mul3A_1644 : vector<8x1280xf32>
    %mul3A_1646 = arith.mulf %mul3A_1630, %sub3A_1565 : vector<8x1280xf32>
    %mul3A_1647 = arith.mulf %rsqrt3A_1629, %add3A_1488 : vector<8x1280xf32>
    %add3A_1648 = arith.addf %mul3A_1646, %mul3A_1647 : vector<8x1280xf32>
    %mul3A_1649 = arith.mulf %rsqrt3A_1629, %sub3A_1571 : vector<8x1280xf32>
    %mul3A_1650 = arith.mulf %mul3A_1630, %add3A_1494 : vector<8x1280xf32>
    %sub3A_1651 = arith.subf %mul3A_1649, %mul3A_1650 : vector<8x1280xf32>
    %mul3A_1652 = arith.mulf %mul3A_1630, %sub3A_1571 : vector<8x1280xf32>
    %mul3A_1653 = arith.mulf %rsqrt3A_1629, %add3A_1494 : vector<8x1280xf32>
    %add3A_1654 = arith.addf %mul3A_1652, %mul3A_1653 : vector<8x1280xf32>
    %mul3A_1655 = arith.mulf %rsqrt3A_1629, %sub3A_1577 : vector<8x1280xf32>
    %mul3A_1656 = arith.mulf %mul3A_1630, %add3A_1500 : vector<8x1280xf32>
    %sub3A_1657 = arith.subf %mul3A_1655, %mul3A_1656 : vector<8x1280xf32>
    %mul3A_1658 = arith.mulf %mul3A_1630, %sub3A_1577 : vector<8x1280xf32>
    %mul3A_1659 = arith.mulf %rsqrt3A_1629, %add3A_1500 : vector<8x1280xf32>
    %add3A_1660 = arith.addf %mul3A_1658, %mul3A_1659 : vector<8x1280xf32>
    %ne3A_1661 = arith.constant 0.000000e+00 : f32
    %ne3A_1662 = vector.broadcast %ne3A_1661 : f32 to vector<8x1280xf32>
    %ne3A_1663 = arith.cmpf one, %add3A_1642, %ne3A_1662 : vector<8x1280xf32>
    %jit3A_1664 = arith.constant 1.000000e+00 : f32
    %broadcast_in_dim3A_1665 = vector.broadcast %jit3A_1664 : f32 to vector<8x1280xf32>
    %select_n3A_1666 = arith.select %ne3A_1663, %add3A_1642, %broadcast_in_dim3A_1665 : vector<8x1280xi1>, vector<8x1280xf32>
    %sub3A_1667 = arith.subf %add3A_1634, %add3A_1554 : vector<8x1280xf32>
    %mul3A_1668 = arith.constant 5.000000e-01 : f32
    %mul3A_1669 = vector.broadcast %mul3A_1668 : f32 to vector<8x1280xf32>
    %mul3A_1670 = arith.mulf %sub3A_1667, %mul3A_1669 : vector<8x1280xf32>
    %div3A_1671 = arith.divf %mul3A_1670, %select_n3A_1666 : vector<8x1280xf32>
    %sign3A_1672 = tpu.bitcast %div3A_1671 : vector<8x1280xf32> -> vector<8x1280xi32>
    %sign3A_1673 = arith.constant -2147483648 : i32
    %sign3A_1674 = vector.broadcast %sign3A_1673 : i32 to vector<8x1280xi32>
    %sign3A_1675 = arith.andi %sign3A_1672, %sign3A_1674 : vector<8x1280xi32>
    %sign3A_1676 = arith.constant 1065353216 : i32
    %sign3A_1677 = vector.broadcast %sign3A_1676 : i32 to vector<8x1280xi32>
    %sign3A_1678 = arith.ori %sign3A_1677, %sign3A_1675 : vector<8x1280xi32>
    %sign3A_1679 = tpu.bitcast %sign3A_1678 : vector<8x1280xi32> -> vector<8x1280xf32>
    %sign3A_1680 = math.absf %div3A_1671 : vector<8x1280xf32>
    %sign3A_1681 = arith.constant 0.000000e+00 : f32
    %sign3A_1682 = vector.broadcast %sign3A_1681 : f32 to vector<8x1280xf32>
    %sign3A_1683 = arith.cmpf ogt, %sign3A_1680, %sign3A_1682 : vector<8x1280xf32>
    %sign3A_1684 = arith.select %sign3A_1683, %sign3A_1679, %div3A_1671 : vector<8x1280xi1>, vector<8x1280xf32>
    %abs3A_1685 = math.absf %div3A_1671 : vector<8x1280xf32>
    %mul3A_1686 = arith.mulf %div3A_1671, %div3A_1671 : vector<8x1280xf32>
    %add3A_1687 = arith.constant 1.000000e+00 : f32
    %add3A_1688 = vector.broadcast %add3A_1687 : f32 to vector<8x1280xf32>
    %add3A_1689 = arith.addf %add3A_1688, %mul3A_1686 : vector<8x1280xf32>
    %sqrt3A_1690 = math.sqrt %add3A_1689 : vector<8x1280xf32>
    %add3A_1691 = arith.addf %abs3A_1685, %sqrt3A_1690 : vector<8x1280xf32>
    %div3A_1692 = arith.divf %sign3A_1684, %add3A_1691 : vector<8x1280xf32>
    %eq3A_1693 = arith.constant 0.000000e+00 : f32
    %eq3A_1694 = vector.broadcast %eq3A_1693 : f32 to vector<8x1280xf32>
    %eq3A_1695 = arith.cmpf oeq, %div3A_1671, %eq3A_1694 : vector<8x1280xf32>
    %jit3A_1696 = arith.constant 1.000000e+00 : f32
    %broadcast_in_dim3A_1697 = vector.broadcast %jit3A_1696 : f32 to vector<8x1280xf32>
    %select_n3A_1698 = arith.select %eq3A_1695, %broadcast_in_dim3A_1697, %div3A_1692 : vector<8x1280xi1>, vector<8x1280xf32>
    %eq3A_1699 = arith.constant 0.000000e+00 : f32
    %eq3A_1700 = vector.broadcast %eq3A_1699 : f32 to vector<8x1280xf32>
    %eq3A_1701 = arith.cmpf oeq, %add3A_1642, %eq3A_1700 : vector<8x1280xf32>
    %jit3A_1702 = arith.constant 0.000000e+00 : f32
    %broadcast_in_dim3A_1703 = vector.broadcast %jit3A_1702 : f32 to vector<8x1280xf32>
    %select_n3A_1704 = arith.select %eq3A_1701, %broadcast_in_dim3A_1703, %select_n3A_1698 : vector<8x1280xi1>, vector<8x1280xf32>
    %mul3A_1705 = arith.mulf %select_n3A_1704, %select_n3A_1704 : vector<8x1280xf32>
    %add3A_1706 = arith.constant 1.000000e+00 : f32
    %add3A_1707 = vector.broadcast %add3A_1706 : f32 to vector<8x1280xf32>
    %add3A_1708 = arith.addf %add3A_1707, %mul3A_1705 : vector<8x1280xf32>
    %rsqrt3A_1709 = math.rsqrt %add3A_1708 : vector<8x1280xf32>
    %mul3A_1710 = arith.mulf %select_n3A_1704, %rsqrt3A_1709 : vector<8x1280xf32>
    %mul3A_1711 = arith.mulf %select_n3A_1704, %add3A_1642 : vector<8x1280xf32>
    %sub3A_1712 = arith.subf %add3A_1554, %mul3A_1711 : vector<8x1280xf32>
    %mul3A_1713 = arith.mulf %select_n3A_1704, %add3A_1642 : vector<8x1280xf32>
    %add3A_1714 = arith.addf %add3A_1634, %mul3A_1713 : vector<8x1280xf32>
    %broadcast_in_dim3A_1715 = arith.constant 0.000000e+00 : f32
    %broadcast_in_dim3A_1716 = vector.broadcast %broadcast_in_dim3A_1715 : f32 to vector<8x1280xf32>
    %mul3A_1717 = arith.mulf %rsqrt3A_1709, %sub3A_1639 : vector<8x1280xf32>
    %mul3A_1718 = arith.mulf %mul3A_1710, %broadcast_in_dim3A_1636 : vector<8x1280xf32>
    %sub3A_1719 = arith.subf %mul3A_1717, %mul3A_1718 : vector<8x1280xf32>
    %mul3A_1720 = arith.mulf %mul3A_1710, %sub3A_1639 : vector<8x1280xf32>
    %mul3A_1721 = arith.mulf %rsqrt3A_1709, %broadcast_in_dim3A_1636 : vector<8x1280xf32>
    %add3A_1722 = arith.addf %mul3A_1720, %mul3A_1721 : vector<8x1280xf32>
    %mul3A_1723 = arith.mulf %rsqrt3A_1709, %add3A_1568 : vector<8x1280xf32>
    %mul3A_1724 = arith.mulf %mul3A_1710, %add3A_1648 : vector<8x1280xf32>
    %sub3A_1725 = arith.subf %mul3A_1723, %mul3A_1724 : vector<8x1280xf32>
    %mul3A_1726 = arith.mulf %mul3A_1710, %add3A_1568 : vector<8x1280xf32>
    %mul3A_1727 = arith.mulf %rsqrt3A_1709, %add3A_1648 : vector<8x1280xf32>
    %add3A_1728 = arith.addf %mul3A_1726, %mul3A_1727 : vector<8x1280xf32>
    %mul3A_1729 = arith.mulf %rsqrt3A_1709, %add3A_1574 : vector<8x1280xf32>
    %mul3A_1730 = arith.mulf %mul3A_1710, %add3A_1654 : vector<8x1280xf32>
    %sub3A_1731 = arith.subf %mul3A_1729, %mul3A_1730 : vector<8x1280xf32>
    %mul3A_1732 = arith.mulf %mul3A_1710, %add3A_1574 : vector<8x1280xf32>
    %mul3A_1733 = arith.mulf %rsqrt3A_1709, %add3A_1654 : vector<8x1280xf32>
    %add3A_1734 = arith.addf %mul3A_1732, %mul3A_1733 : vector<8x1280xf32>
    %mul3A_1735 = arith.mulf %rsqrt3A_1709, %add3A_1580 : vector<8x1280xf32>
    %mul3A_1736 = arith.mulf %mul3A_1710, %add3A_1660 : vector<8x1280xf32>
    %sub3A_1737 = arith.subf %mul3A_1735, %mul3A_1736 : vector<8x1280xf32>
    %mul3A_1738 = arith.mulf %mul3A_1710, %add3A_1580 : vector<8x1280xf32>
    %mul3A_1739 = arith.mulf %rsqrt3A_1709, %add3A_1660 : vector<8x1280xf32>
    %add3A_1740 = arith.addf %mul3A_1738, %mul3A_1739 : vector<8x1280xf32>
    %ne3A_1741 = arith.constant 0.000000e+00 : f32
    %ne3A_1742 = vector.broadcast %ne3A_1741 : f32 to vector<8x1280xf32>
    %ne3A_1743 = arith.cmpf one, %sub3A_1719, %ne3A_1742 : vector<8x1280xf32>
    %jit3A_1744 = arith.constant 1.000000e+00 : f32
    %broadcast_in_dim3A_1745 = vector.broadcast %jit3A_1744 : f32 to vector<8x1280xf32>
    %select_n3A_1746 = arith.select %ne3A_1743, %sub3A_1719, %broadcast_in_dim3A_1745 : vector<8x1280xi1>, vector<8x1280xf32>
    %sub3A_1747 = arith.subf %sub3A_1712, %sub3A_1632 : vector<8x1280xf32>
    %mul3A_1748 = arith.constant 5.000000e-01 : f32
    %mul3A_1749 = vector.broadcast %mul3A_1748 : f32 to vector<8x1280xf32>
    %mul3A_1750 = arith.mulf %sub3A_1747, %mul3A_1749 : vector<8x1280xf32>
    %div3A_1751 = arith.divf %mul3A_1750, %select_n3A_1746 : vector<8x1280xf32>
    %sign3A_1752 = tpu.bitcast %div3A_1751 : vector<8x1280xf32> -> vector<8x1280xi32>
    %sign3A_1753 = arith.constant -2147483648 : i32
    %sign3A_1754 = vector.broadcast %sign3A_1753 : i32 to vector<8x1280xi32>
    %sign3A_1755 = arith.andi %sign3A_1752, %sign3A_1754 : vector<8x1280xi32>
    %sign3A_1756 = arith.constant 1065353216 : i32
    %sign3A_1757 = vector.broadcast %sign3A_1756 : i32 to vector<8x1280xi32>
    %sign3A_1758 = arith.ori %sign3A_1757, %sign3A_1755 : vector<8x1280xi32>
    %sign3A_1759 = tpu.bitcast %sign3A_1758 : vector<8x1280xi32> -> vector<8x1280xf32>
    %sign3A_1760 = math.absf %div3A_1751 : vector<8x1280xf32>
    %sign3A_1761 = arith.constant 0.000000e+00 : f32
    %sign3A_1762 = vector.broadcast %sign3A_1761 : f32 to vector<8x1280xf32>
    %sign3A_1763 = arith.cmpf ogt, %sign3A_1760, %sign3A_1762 : vector<8x1280xf32>
    %sign3A_1764 = arith.select %sign3A_1763, %sign3A_1759, %div3A_1751 : vector<8x1280xi1>, vector<8x1280xf32>
    %abs3A_1765 = math.absf %div3A_1751 : vector<8x1280xf32>
    %mul3A_1766 = arith.mulf %div3A_1751, %div3A_1751 : vector<8x1280xf32>
    %add3A_1767 = arith.constant 1.000000e+00 : f32
    %add3A_1768 = vector.broadcast %add3A_1767 : f32 to vector<8x1280xf32>
    %add3A_1769 = arith.addf %add3A_1768, %mul3A_1766 : vector<8x1280xf32>
    %sqrt3A_1770 = math.sqrt %add3A_1769 : vector<8x1280xf32>
    %add3A_1771 = arith.addf %abs3A_1765, %sqrt3A_1770 : vector<8x1280xf32>
    %div3A_1772 = arith.divf %sign3A_1764, %add3A_1771 : vector<8x1280xf32>
    %eq3A_1773 = arith.constant 0.000000e+00 : f32
    %eq3A_1774 = vector.broadcast %eq3A_1773 : f32 to vector<8x1280xf32>
    %eq3A_1775 = arith.cmpf oeq, %div3A_1751, %eq3A_1774 : vector<8x1280xf32>
    %jit3A_1776 = arith.constant 1.000000e+00 : f32
    %broadcast_in_dim3A_1777 = vector.broadcast %jit3A_1776 : f32 to vector<8x1280xf32>
    %select_n3A_1778 = arith.select %eq3A_1775, %broadcast_in_dim3A_1777, %div3A_1772 : vector<8x1280xi1>, vector<8x1280xf32>
    %eq3A_1779 = arith.constant 0.000000e+00 : f32
    %eq3A_1780 = vector.broadcast %eq3A_1779 : f32 to vector<8x1280xf32>
    %eq3A_1781 = arith.cmpf oeq, %sub3A_1719, %eq3A_1780 : vector<8x1280xf32>
    %jit3A_1782 = arith.constant 0.000000e+00 : f32
    %broadcast_in_dim3A_1783 = vector.broadcast %jit3A_1782 : f32 to vector<8x1280xf32>
    %select_n3A_1784 = arith.select %eq3A_1781, %broadcast_in_dim3A_1783, %select_n3A_1778 : vector<8x1280xi1>, vector<8x1280xf32>
    %mul3A_1785 = arith.mulf %select_n3A_1784, %select_n3A_1784 : vector<8x1280xf32>
    %add3A_1786 = arith.constant 1.000000e+00 : f32
    %add3A_1787 = vector.broadcast %add3A_1786 : f32 to vector<8x1280xf32>
    %add3A_1788 = arith.addf %add3A_1787, %mul3A_1785 : vector<8x1280xf32>
    %rsqrt3A_1789 = math.rsqrt %add3A_1788 : vector<8x1280xf32>
    %mul3A_1790 = arith.mulf %select_n3A_1784, %rsqrt3A_1789 : vector<8x1280xf32>
    %mul3A_1791 = arith.mulf %select_n3A_1784, %sub3A_1719 : vector<8x1280xf32>
    %sub3A_1792 = arith.subf %sub3A_1632, %mul3A_1791 : vector<8x1280xf32>
    %mul3A_1793 = arith.mulf %select_n3A_1784, %sub3A_1719 : vector<8x1280xf32>
    %add3A_1794 = arith.addf %sub3A_1712, %mul3A_1793 : vector<8x1280xf32>
    %broadcast_in_dim3A_1795 = arith.constant 0.000000e+00 : f32
    %broadcast_in_dim3A_1796 = vector.broadcast %broadcast_in_dim3A_1795 : f32 to vector<8x1280xf32>
    %mul3A_1797 = arith.mulf %rsqrt3A_1789, %add3A_1722 : vector<8x1280xf32>
    %mul3A_1798 = arith.mulf %mul3A_1790, %broadcast_in_dim3A_1716 : vector<8x1280xf32>
    %sub3A_1799 = arith.subf %mul3A_1797, %mul3A_1798 : vector<8x1280xf32>
    %mul3A_1800 = arith.mulf %mul3A_1790, %add3A_1722 : vector<8x1280xf32>
    %mul3A_1801 = arith.mulf %rsqrt3A_1789, %broadcast_in_dim3A_1716 : vector<8x1280xf32>
    %add3A_1802 = arith.addf %mul3A_1800, %mul3A_1801 : vector<8x1280xf32>
    %mul3A_1803 = arith.mulf %rsqrt3A_1789, %sub3A_1645 : vector<8x1280xf32>
    %mul3A_1804 = arith.mulf %mul3A_1790, %sub3A_1725 : vector<8x1280xf32>
    %sub3A_1805 = arith.subf %mul3A_1803, %mul3A_1804 : vector<8x1280xf32>
    %mul3A_1806 = arith.mulf %mul3A_1790, %sub3A_1645 : vector<8x1280xf32>
    %mul3A_1807 = arith.mulf %rsqrt3A_1789, %sub3A_1725 : vector<8x1280xf32>
    %add3A_1808 = arith.addf %mul3A_1806, %mul3A_1807 : vector<8x1280xf32>
    %mul3A_1809 = arith.mulf %rsqrt3A_1789, %sub3A_1651 : vector<8x1280xf32>
    %mul3A_1810 = arith.mulf %mul3A_1790, %sub3A_1731 : vector<8x1280xf32>
    %sub3A_1811 = arith.subf %mul3A_1809, %mul3A_1810 : vector<8x1280xf32>
    %mul3A_1812 = arith.mulf %mul3A_1790, %sub3A_1651 : vector<8x1280xf32>
    %mul3A_1813 = arith.mulf %rsqrt3A_1789, %sub3A_1731 : vector<8x1280xf32>
    %add3A_1814 = arith.addf %mul3A_1812, %mul3A_1813 : vector<8x1280xf32>
    %mul3A_1815 = arith.mulf %rsqrt3A_1789, %sub3A_1657 : vector<8x1280xf32>
    %mul3A_1816 = arith.mulf %mul3A_1790, %sub3A_1737 : vector<8x1280xf32>
    %sub3A_1817 = arith.subf %mul3A_1815, %mul3A_1816 : vector<8x1280xf32>
    %mul3A_1818 = arith.mulf %mul3A_1790, %sub3A_1657 : vector<8x1280xf32>
    %mul3A_1819 = arith.mulf %rsqrt3A_1789, %sub3A_1737 : vector<8x1280xf32>
    %add3A_1820 = arith.addf %mul3A_1818, %mul3A_1819 : vector<8x1280xf32>
    %ne3A_1821 = arith.constant 0.000000e+00 : f32
    %ne3A_1822 = vector.broadcast %ne3A_1821 : f32 to vector<8x1280xf32>
    %ne3A_1823 = arith.cmpf one, %sub3A_1799, %ne3A_1822 : vector<8x1280xf32>
    %jit3A_1824 = arith.constant 1.000000e+00 : f32
    %broadcast_in_dim3A_1825 = vector.broadcast %jit3A_1824 : f32 to vector<8x1280xf32>
    %select_n3A_1826 = arith.select %ne3A_1823, %sub3A_1799, %broadcast_in_dim3A_1825 : vector<8x1280xi1>, vector<8x1280xf32>
    %sub3A_1827 = arith.subf %add3A_1714, %sub3A_1792 : vector<8x1280xf32>
    %mul3A_1828 = arith.constant 5.000000e-01 : f32
    %mul3A_1829 = vector.broadcast %mul3A_1828 : f32 to vector<8x1280xf32>
    %mul3A_1830 = arith.mulf %sub3A_1827, %mul3A_1829 : vector<8x1280xf32>
    %div3A_1831 = arith.divf %mul3A_1830, %select_n3A_1826 : vector<8x1280xf32>
    %sign3A_1832 = tpu.bitcast %div3A_1831 : vector<8x1280xf32> -> vector<8x1280xi32>
    %sign3A_1833 = arith.constant -2147483648 : i32
    %sign3A_1834 = vector.broadcast %sign3A_1833 : i32 to vector<8x1280xi32>
    %sign3A_1835 = arith.andi %sign3A_1832, %sign3A_1834 : vector<8x1280xi32>
    %sign3A_1836 = arith.constant 1065353216 : i32
    %sign3A_1837 = vector.broadcast %sign3A_1836 : i32 to vector<8x1280xi32>
    %sign3A_1838 = arith.ori %sign3A_1837, %sign3A_1835 : vector<8x1280xi32>
    %sign3A_1839 = tpu.bitcast %sign3A_1838 : vector<8x1280xi32> -> vector<8x1280xf32>
    %sign3A_1840 = math.absf %div3A_1831 : vector<8x1280xf32>
    %sign3A_1841 = arith.constant 0.000000e+00 : f32
    %sign3A_1842 = vector.broadcast %sign3A_1841 : f32 to vector<8x1280xf32>
    %sign3A_1843 = arith.cmpf ogt, %sign3A_1840, %sign3A_1842 : vector<8x1280xf32>
    %sign3A_1844 = arith.select %sign3A_1843, %sign3A_1839, %div3A_1831 : vector<8x1280xi1>, vector<8x1280xf32>
    %abs3A_1845 = math.absf %div3A_1831 : vector<8x1280xf32>
    %mul3A_1846 = arith.mulf %div3A_1831, %div3A_1831 : vector<8x1280xf32>
    %add3A_1847 = arith.constant 1.000000e+00 : f32
    %add3A_1848 = vector.broadcast %add3A_1847 : f32 to vector<8x1280xf32>
    %add3A_1849 = arith.addf %add3A_1848, %mul3A_1846 : vector<8x1280xf32>
    %sqrt3A_1850 = math.sqrt %add3A_1849 : vector<8x1280xf32>
    %add3A_1851 = arith.addf %abs3A_1845, %sqrt3A_1850 : vector<8x1280xf32>
    %div3A_1852 = arith.divf %sign3A_1844, %add3A_1851 : vector<8x1280xf32>
    %eq3A_1853 = arith.constant 0.000000e+00 : f32
    %eq3A_1854 = vector.broadcast %eq3A_1853 : f32 to vector<8x1280xf32>
    %eq3A_1855 = arith.cmpf oeq, %div3A_1831, %eq3A_1854 : vector<8x1280xf32>
    %jit3A_1856 = arith.constant 1.000000e+00 : f32
    %broadcast_in_dim3A_1857 = vector.broadcast %jit3A_1856 : f32 to vector<8x1280xf32>
    %select_n3A_1858 = arith.select %eq3A_1855, %broadcast_in_dim3A_1857, %div3A_1852 : vector<8x1280xi1>, vector<8x1280xf32>
    %eq3A_1859 = arith.constant 0.000000e+00 : f32
    %eq3A_1860 = vector.broadcast %eq3A_1859 : f32 to vector<8x1280xf32>
    %eq3A_1861 = arith.cmpf oeq, %sub3A_1799, %eq3A_1860 : vector<8x1280xf32>
    %jit3A_1862 = arith.constant 0.000000e+00 : f32
    %broadcast_in_dim3A_1863 = vector.broadcast %jit3A_1862 : f32 to vector<8x1280xf32>
    %select_n3A_1864 = arith.select %eq3A_1861, %broadcast_in_dim3A_1863, %select_n3A_1858 : vector<8x1280xi1>, vector<8x1280xf32>
    %mul3A_1865 = arith.mulf %select_n3A_1864, %select_n3A_1864 : vector<8x1280xf32>
    %add3A_1866 = arith.constant 1.000000e+00 : f32
    %add3A_1867 = vector.broadcast %add3A_1866 : f32 to vector<8x1280xf32>
    %add3A_1868 = arith.addf %add3A_1867, %mul3A_1865 : vector<8x1280xf32>
    %rsqrt3A_1869 = math.rsqrt %add3A_1868 : vector<8x1280xf32>
    %mul3A_1870 = arith.mulf %select_n3A_1864, %rsqrt3A_1869 : vector<8x1280xf32>
    %mul3A_1871 = arith.mulf %select_n3A_1864, %sub3A_1799 : vector<8x1280xf32>
    %sub3A_1872 = arith.subf %sub3A_1792, %mul3A_1871 : vector<8x1280xf32>
    %mul3A_1873 = arith.mulf %select_n3A_1864, %sub3A_1799 : vector<8x1280xf32>
    %add3A_1874 = arith.addf %add3A_1714, %mul3A_1873 : vector<8x1280xf32>
    %broadcast_in_dim3A_1875 = arith.constant 0.000000e+00 : f32
    %broadcast_in_dim3A_1876 = vector.broadcast %broadcast_in_dim3A_1875 : f32 to vector<8x1280xf32>
    %mul3A_1877 = arith.mulf %rsqrt3A_1869, %broadcast_in_dim3A_1796 : vector<8x1280xf32>
    %mul3A_1878 = arith.mulf %mul3A_1870, %add3A_1802 : vector<8x1280xf32>
    %sub3A_1879 = arith.subf %mul3A_1877, %mul3A_1878 : vector<8x1280xf32>
    %mul3A_1880 = arith.mulf %mul3A_1870, %broadcast_in_dim3A_1796 : vector<8x1280xf32>
    %mul3A_1881 = arith.mulf %rsqrt3A_1869, %add3A_1802 : vector<8x1280xf32>
    %add3A_1882 = arith.addf %mul3A_1880, %mul3A_1881 : vector<8x1280xf32>
    %mul3A_1883 = arith.mulf %rsqrt3A_1869, %sub3A_1805 : vector<8x1280xf32>
    %mul3A_1884 = arith.mulf %mul3A_1870, %add3A_1728 : vector<8x1280xf32>
    %sub3A_1885 = arith.subf %mul3A_1883, %mul3A_1884 : vector<8x1280xf32>
    %mul3A_1886 = arith.mulf %mul3A_1870, %sub3A_1805 : vector<8x1280xf32>
    %mul3A_1887 = arith.mulf %rsqrt3A_1869, %add3A_1728 : vector<8x1280xf32>
    %add3A_1888 = arith.addf %mul3A_1886, %mul3A_1887 : vector<8x1280xf32>
    %mul3A_1889 = arith.mulf %rsqrt3A_1869, %sub3A_1811 : vector<8x1280xf32>
    %mul3A_1890 = arith.mulf %mul3A_1870, %add3A_1734 : vector<8x1280xf32>
    %sub3A_1891 = arith.subf %mul3A_1889, %mul3A_1890 : vector<8x1280xf32>
    %mul3A_1892 = arith.mulf %mul3A_1870, %sub3A_1811 : vector<8x1280xf32>
    %mul3A_1893 = arith.mulf %rsqrt3A_1869, %add3A_1734 : vector<8x1280xf32>
    %add3A_1894 = arith.addf %mul3A_1892, %mul3A_1893 : vector<8x1280xf32>
    %mul3A_1895 = arith.mulf %rsqrt3A_1869, %sub3A_1817 : vector<8x1280xf32>
    %mul3A_1896 = arith.mulf %mul3A_1870, %add3A_1740 : vector<8x1280xf32>
    %sub3A_1897 = arith.subf %mul3A_1895, %mul3A_1896 : vector<8x1280xf32>
    %mul3A_1898 = arith.mulf %mul3A_1870, %sub3A_1817 : vector<8x1280xf32>
    %mul3A_1899 = arith.mulf %rsqrt3A_1869, %add3A_1740 : vector<8x1280xf32>
    %add3A_1900 = arith.addf %mul3A_1898, %mul3A_1899 : vector<8x1280xf32>
    %ne3A_1901 = arith.constant 0.000000e+00 : f32
    %ne3A_1902 = vector.broadcast %ne3A_1901 : f32 to vector<8x1280xf32>
    %ne3A_1903 = arith.cmpf one, %add3A_1882, %ne3A_1902 : vector<8x1280xf32>
    %jit3A_1904 = arith.constant 1.000000e+00 : f32
    %broadcast_in_dim3A_1905 = vector.broadcast %jit3A_1904 : f32 to vector<8x1280xf32>
    %select_n3A_1906 = arith.select %ne3A_1903, %add3A_1882, %broadcast_in_dim3A_1905 : vector<8x1280xi1>, vector<8x1280xf32>
    %sub3A_1907 = arith.subf %add3A_1874, %add3A_1794 : vector<8x1280xf32>
    %mul3A_1908 = arith.constant 5.000000e-01 : f32
    %mul3A_1909 = vector.broadcast %mul3A_1908 : f32 to vector<8x1280xf32>
    %mul3A_1910 = arith.mulf %sub3A_1907, %mul3A_1909 : vector<8x1280xf32>
    %div3A_1911 = arith.divf %mul3A_1910, %select_n3A_1906 : vector<8x1280xf32>
    %sign3A_1912 = tpu.bitcast %div3A_1911 : vector<8x1280xf32> -> vector<8x1280xi32>
    %sign3A_1913 = arith.constant -2147483648 : i32
    %sign3A_1914 = vector.broadcast %sign3A_1913 : i32 to vector<8x1280xi32>
    %sign3A_1915 = arith.andi %sign3A_1912, %sign3A_1914 : vector<8x1280xi32>
    %sign3A_1916 = arith.constant 1065353216 : i32
    %sign3A_1917 = vector.broadcast %sign3A_1916 : i32 to vector<8x1280xi32>
    %sign3A_1918 = arith.ori %sign3A_1917, %sign3A_1915 : vector<8x1280xi32>
    %sign3A_1919 = tpu.bitcast %sign3A_1918 : vector<8x1280xi32> -> vector<8x1280xf32>
    %sign3A_1920 = math.absf %div3A_1911 : vector<8x1280xf32>
    %sign3A_1921 = arith.constant 0.000000e+00 : f32
    %sign3A_1922 = vector.broadcast %sign3A_1921 : f32 to vector<8x1280xf32>
    %sign3A_1923 = arith.cmpf ogt, %sign3A_1920, %sign3A_1922 : vector<8x1280xf32>
    %sign3A_1924 = arith.select %sign3A_1923, %sign3A_1919, %div3A_1911 : vector<8x1280xi1>, vector<8x1280xf32>
    %abs3A_1925 = math.absf %div3A_1911 : vector<8x1280xf32>
    %mul3A_1926 = arith.mulf %div3A_1911, %div3A_1911 : vector<8x1280xf32>
    %add3A_1927 = arith.constant 1.000000e+00 : f32
    %add3A_1928 = vector.broadcast %add3A_1927 : f32 to vector<8x1280xf32>
    %add3A_1929 = arith.addf %add3A_1928, %mul3A_1926 : vector<8x1280xf32>
    %sqrt3A_1930 = math.sqrt %add3A_1929 : vector<8x1280xf32>
    %add3A_1931 = arith.addf %abs3A_1925, %sqrt3A_1930 : vector<8x1280xf32>
    %div3A_1932 = arith.divf %sign3A_1924, %add3A_1931 : vector<8x1280xf32>
    %eq3A_1933 = arith.constant 0.000000e+00 : f32
    %eq3A_1934 = vector.broadcast %eq3A_1933 : f32 to vector<8x1280xf32>
    %eq3A_1935 = arith.cmpf oeq, %div3A_1911, %eq3A_1934 : vector<8x1280xf32>
    %jit3A_1936 = arith.constant 1.000000e+00 : f32
    %broadcast_in_dim3A_1937 = vector.broadcast %jit3A_1936 : f32 to vector<8x1280xf32>
    %select_n3A_1938 = arith.select %eq3A_1935, %broadcast_in_dim3A_1937, %div3A_1932 : vector<8x1280xi1>, vector<8x1280xf32>
    %eq3A_1939 = arith.constant 0.000000e+00 : f32
    %eq3A_1940 = vector.broadcast %eq3A_1939 : f32 to vector<8x1280xf32>
    %eq3A_1941 = arith.cmpf oeq, %add3A_1882, %eq3A_1940 : vector<8x1280xf32>
    %jit3A_1942 = arith.constant 0.000000e+00 : f32
    %broadcast_in_dim3A_1943 = vector.broadcast %jit3A_1942 : f32 to vector<8x1280xf32>
    %select_n3A_1944 = arith.select %eq3A_1941, %broadcast_in_dim3A_1943, %select_n3A_1938 : vector<8x1280xi1>, vector<8x1280xf32>
    %mul3A_1945 = arith.mulf %select_n3A_1944, %select_n3A_1944 : vector<8x1280xf32>
    %add3A_1946 = arith.constant 1.000000e+00 : f32
    %add3A_1947 = vector.broadcast %add3A_1946 : f32 to vector<8x1280xf32>
    %add3A_1948 = arith.addf %add3A_1947, %mul3A_1945 : vector<8x1280xf32>
    %rsqrt3A_1949 = math.rsqrt %add3A_1948 : vector<8x1280xf32>
    %mul3A_1950 = arith.mulf %select_n3A_1944, %rsqrt3A_1949 : vector<8x1280xf32>
    %mul3A_1951 = arith.mulf %select_n3A_1944, %add3A_1882 : vector<8x1280xf32>
    %sub3A_1952 = arith.subf %add3A_1794, %mul3A_1951 : vector<8x1280xf32>
    %mul3A_1953 = arith.mulf %select_n3A_1944, %add3A_1882 : vector<8x1280xf32>
    %add3A_1954 = arith.addf %add3A_1874, %mul3A_1953 : vector<8x1280xf32>
    %broadcast_in_dim3A_1955 = arith.constant 0.000000e+00 : f32
    %broadcast_in_dim3A_1956 = vector.broadcast %broadcast_in_dim3A_1955 : f32 to vector<8x1280xf32>
    %mul3A_1957 = arith.mulf %rsqrt3A_1949, %sub3A_1879 : vector<8x1280xf32>
    %mul3A_1958 = arith.mulf %mul3A_1950, %broadcast_in_dim3A_1876 : vector<8x1280xf32>
    %sub3A_1959 = arith.subf %mul3A_1957, %mul3A_1958 : vector<8x1280xf32>
    %mul3A_1960 = arith.mulf %mul3A_1950, %sub3A_1879 : vector<8x1280xf32>
    %mul3A_1961 = arith.mulf %rsqrt3A_1949, %broadcast_in_dim3A_1876 : vector<8x1280xf32>
    %add3A_1962 = arith.addf %mul3A_1960, %mul3A_1961 : vector<8x1280xf32>
    %mul3A_1963 = arith.mulf %rsqrt3A_1949, %add3A_1808 : vector<8x1280xf32>
    %mul3A_1964 = arith.mulf %mul3A_1950, %add3A_1888 : vector<8x1280xf32>
    %sub3A_1965 = arith.subf %mul3A_1963, %mul3A_1964 : vector<8x1280xf32>
    %mul3A_1966 = arith.mulf %mul3A_1950, %add3A_1808 : vector<8x1280xf32>
    %mul3A_1967 = arith.mulf %rsqrt3A_1949, %add3A_1888 : vector<8x1280xf32>
    %add3A_1968 = arith.addf %mul3A_1966, %mul3A_1967 : vector<8x1280xf32>
    %mul3A_1969 = arith.mulf %rsqrt3A_1949, %add3A_1814 : vector<8x1280xf32>
    %mul3A_1970 = arith.mulf %mul3A_1950, %add3A_1894 : vector<8x1280xf32>
    %sub3A_1971 = arith.subf %mul3A_1969, %mul3A_1970 : vector<8x1280xf32>
    %mul3A_1972 = arith.mulf %mul3A_1950, %add3A_1814 : vector<8x1280xf32>
    %mul3A_1973 = arith.mulf %rsqrt3A_1949, %add3A_1894 : vector<8x1280xf32>
    %add3A_1974 = arith.addf %mul3A_1972, %mul3A_1973 : vector<8x1280xf32>
    %mul3A_1975 = arith.mulf %rsqrt3A_1949, %add3A_1820 : vector<8x1280xf32>
    %mul3A_1976 = arith.mulf %mul3A_1950, %add3A_1900 : vector<8x1280xf32>
    %sub3A_1977 = arith.subf %mul3A_1975, %mul3A_1976 : vector<8x1280xf32>
    %mul3A_1978 = arith.mulf %mul3A_1950, %add3A_1820 : vector<8x1280xf32>
    %mul3A_1979 = arith.mulf %rsqrt3A_1949, %add3A_1900 : vector<8x1280xf32>
    %add3A_1980 = arith.addf %mul3A_1978, %mul3A_1979 : vector<8x1280xf32>
    %ne3A_1981 = arith.constant 0.000000e+00 : f32
    %ne3A_1982 = vector.broadcast %ne3A_1981 : f32 to vector<8x1280xf32>
    %ne3A_1983 = arith.cmpf one, %sub3A_1959, %ne3A_1982 : vector<8x1280xf32>
    %jit3A_1984 = arith.constant 1.000000e+00 : f32
    %broadcast_in_dim3A_1985 = vector.broadcast %jit3A_1984 : f32 to vector<8x1280xf32>
    %select_n3A_1986 = arith.select %ne3A_1983, %sub3A_1959, %broadcast_in_dim3A_1985 : vector<8x1280xi1>, vector<8x1280xf32>
    %sub3A_1987 = arith.subf %sub3A_1952, %sub3A_1872 : vector<8x1280xf32>
    %mul3A_1988 = arith.constant 5.000000e-01 : f32
    %mul3A_1989 = vector.broadcast %mul3A_1988 : f32 to vector<8x1280xf32>
    %mul3A_1990 = arith.mulf %sub3A_1987, %mul3A_1989 : vector<8x1280xf32>
    %div3A_1991 = arith.divf %mul3A_1990, %select_n3A_1986 : vector<8x1280xf32>
    %sign3A_1992 = tpu.bitcast %div3A_1991 : vector<8x1280xf32> -> vector<8x1280xi32>
    %sign3A_1993 = arith.constant -2147483648 : i32
    %sign3A_1994 = vector.broadcast %sign3A_1993 : i32 to vector<8x1280xi32>
    %sign3A_1995 = arith.andi %sign3A_1992, %sign3A_1994 : vector<8x1280xi32>
    %sign3A_1996 = arith.constant 1065353216 : i32
    %sign3A_1997 = vector.broadcast %sign3A_1996 : i32 to vector<8x1280xi32>
    %sign3A_1998 = arith.ori %sign3A_1997, %sign3A_1995 : vector<8x1280xi32>
    %sign3A_1999 = tpu.bitcast %sign3A_1998 : vector<8x1280xi32> -> vector<8x1280xf32>
    %sign3A_2000 = math.absf %div3A_1991 : vector<8x1280xf32>
    %sign3A_2001 = arith.constant 0.000000e+00 : f32
    %sign3A_2002 = vector.broadcast %sign3A_2001 : f32 to vector<8x1280xf32>
    %sign3A_2003 = arith.cmpf ogt, %sign3A_2000, %sign3A_2002 : vector<8x1280xf32>
    %sign3A_2004 = arith.select %sign3A_2003, %sign3A_1999, %div3A_1991 : vector<8x1280xi1>, vector<8x1280xf32>
    %abs3A_2005 = math.absf %div3A_1991 : vector<8x1280xf32>
    %mul3A_2006 = arith.mulf %div3A_1991, %div3A_1991 : vector<8x1280xf32>
    %add3A_2007 = arith.constant 1.000000e+00 : f32
    %add3A_2008 = vector.broadcast %add3A_2007 : f32 to vector<8x1280xf32>
    %add3A_2009 = arith.addf %add3A_2008, %mul3A_2006 : vector<8x1280xf32>
    %sqrt3A_2010 = math.sqrt %add3A_2009 : vector<8x1280xf32>
    %add3A_2011 = arith.addf %abs3A_2005, %sqrt3A_2010 : vector<8x1280xf32>
    %div3A_2012 = arith.divf %sign3A_2004, %add3A_2011 : vector<8x1280xf32>
    %eq3A_2013 = arith.constant 0.000000e+00 : f32
    %eq3A_2014 = vector.broadcast %eq3A_2013 : f32 to vector<8x1280xf32>
    %eq3A_2015 = arith.cmpf oeq, %div3A_1991, %eq3A_2014 : vector<8x1280xf32>
    %jit3A_2016 = arith.constant 1.000000e+00 : f32
    %broadcast_in_dim3A_2017 = vector.broadcast %jit3A_2016 : f32 to vector<8x1280xf32>
    %select_n3A_2018 = arith.select %eq3A_2015, %broadcast_in_dim3A_2017, %div3A_2012 : vector<8x1280xi1>, vector<8x1280xf32>
    %eq3A_2019 = arith.constant 0.000000e+00 : f32
    %eq3A_2020 = vector.broadcast %eq3A_2019 : f32 to vector<8x1280xf32>
    %eq3A_2021 = arith.cmpf oeq, %sub3A_1959, %eq3A_2020 : vector<8x1280xf32>
    %jit3A_2022 = arith.constant 0.000000e+00 : f32
    %broadcast_in_dim3A_2023 = vector.broadcast %jit3A_2022 : f32 to vector<8x1280xf32>
    %select_n3A_2024 = arith.select %eq3A_2021, %broadcast_in_dim3A_2023, %select_n3A_2018 : vector<8x1280xi1>, vector<8x1280xf32>
    %mul3A_2025 = arith.mulf %select_n3A_2024, %select_n3A_2024 : vector<8x1280xf32>
    %add3A_2026 = arith.constant 1.000000e+00 : f32
    %add3A_2027 = vector.broadcast %add3A_2026 : f32 to vector<8x1280xf32>
    %add3A_2028 = arith.addf %add3A_2027, %mul3A_2025 : vector<8x1280xf32>
    %rsqrt3A_2029 = math.rsqrt %add3A_2028 : vector<8x1280xf32>
    %mul3A_2030 = arith.mulf %select_n3A_2024, %rsqrt3A_2029 : vector<8x1280xf32>
    %mul3A_2031 = arith.mulf %select_n3A_2024, %sub3A_1959 : vector<8x1280xf32>
    %sub3A_2032 = arith.subf %sub3A_1872, %mul3A_2031 : vector<8x1280xf32>
    %mul3A_2033 = arith.mulf %select_n3A_2024, %sub3A_1959 : vector<8x1280xf32>
    %add3A_2034 = arith.addf %sub3A_1952, %mul3A_2033 : vector<8x1280xf32>
    %broadcast_in_dim3A_2035 = arith.constant 0.000000e+00 : f32
    %broadcast_in_dim3A_2036 = vector.broadcast %broadcast_in_dim3A_2035 : f32 to vector<8x1280xf32>
    %mul3A_2037 = arith.mulf %rsqrt3A_2029, %add3A_1962 : vector<8x1280xf32>
    %mul3A_2038 = arith.mulf %mul3A_2030, %broadcast_in_dim3A_1956 : vector<8x1280xf32>
    %sub3A_2039 = arith.subf %mul3A_2037, %mul3A_2038 : vector<8x1280xf32>
    %mul3A_2040 = arith.mulf %mul3A_2030, %add3A_1962 : vector<8x1280xf32>
    %mul3A_2041 = arith.mulf %rsqrt3A_2029, %broadcast_in_dim3A_1956 : vector<8x1280xf32>
    %add3A_2042 = arith.addf %mul3A_2040, %mul3A_2041 : vector<8x1280xf32>
    %mul3A_2043 = arith.mulf %rsqrt3A_2029, %sub3A_1885 : vector<8x1280xf32>
    %mul3A_2044 = arith.mulf %mul3A_2030, %sub3A_1965 : vector<8x1280xf32>
    %sub3A_2045 = arith.subf %mul3A_2043, %mul3A_2044 : vector<8x1280xf32>
    %mul3A_2046 = arith.mulf %mul3A_2030, %sub3A_1885 : vector<8x1280xf32>
    %mul3A_2047 = arith.mulf %rsqrt3A_2029, %sub3A_1965 : vector<8x1280xf32>
    %add3A_2048 = arith.addf %mul3A_2046, %mul3A_2047 : vector<8x1280xf32>
    %mul3A_2049 = arith.mulf %rsqrt3A_2029, %sub3A_1891 : vector<8x1280xf32>
    %mul3A_2050 = arith.mulf %mul3A_2030, %sub3A_1971 : vector<8x1280xf32>
    %sub3A_2051 = arith.subf %mul3A_2049, %mul3A_2050 : vector<8x1280xf32>
    %mul3A_2052 = arith.mulf %mul3A_2030, %sub3A_1891 : vector<8x1280xf32>
    %mul3A_2053 = arith.mulf %rsqrt3A_2029, %sub3A_1971 : vector<8x1280xf32>
    %add3A_2054 = arith.addf %mul3A_2052, %mul3A_2053 : vector<8x1280xf32>
    %mul3A_2055 = arith.mulf %rsqrt3A_2029, %sub3A_1897 : vector<8x1280xf32>
    %mul3A_2056 = arith.mulf %mul3A_2030, %sub3A_1977 : vector<8x1280xf32>
    %sub3A_2057 = arith.subf %mul3A_2055, %mul3A_2056 : vector<8x1280xf32>
    %mul3A_2058 = arith.mulf %mul3A_2030, %sub3A_1897 : vector<8x1280xf32>
    %mul3A_2059 = arith.mulf %rsqrt3A_2029, %sub3A_1977 : vector<8x1280xf32>
    %add3A_2060 = arith.addf %mul3A_2058, %mul3A_2059 : vector<8x1280xf32>
    %ne3A_2061 = arith.constant 0.000000e+00 : f32
    %ne3A_2062 = vector.broadcast %ne3A_2061 : f32 to vector<8x1280xf32>
    %ne3A_2063 = arith.cmpf one, %sub3A_2039, %ne3A_2062 : vector<8x1280xf32>
    %jit3A_2064 = arith.constant 1.000000e+00 : f32
    %broadcast_in_dim3A_2065 = vector.broadcast %jit3A_2064 : f32 to vector<8x1280xf32>
    %select_n3A_2066 = arith.select %ne3A_2063, %sub3A_2039, %broadcast_in_dim3A_2065 : vector<8x1280xi1>, vector<8x1280xf32>
    %sub3A_2067 = arith.subf %add3A_1954, %sub3A_2032 : vector<8x1280xf32>
    %mul3A_2068 = arith.constant 5.000000e-01 : f32
    %mul3A_2069 = vector.broadcast %mul3A_2068 : f32 to vector<8x1280xf32>
    %mul3A_2070 = arith.mulf %sub3A_2067, %mul3A_2069 : vector<8x1280xf32>
    %div3A_2071 = arith.divf %mul3A_2070, %select_n3A_2066 : vector<8x1280xf32>
    %sign3A_2072 = tpu.bitcast %div3A_2071 : vector<8x1280xf32> -> vector<8x1280xi32>
    %sign3A_2073 = arith.constant -2147483648 : i32
    %sign3A_2074 = vector.broadcast %sign3A_2073 : i32 to vector<8x1280xi32>
    %sign3A_2075 = arith.andi %sign3A_2072, %sign3A_2074 : vector<8x1280xi32>
    %sign3A_2076 = arith.constant 1065353216 : i32
    %sign3A_2077 = vector.broadcast %sign3A_2076 : i32 to vector<8x1280xi32>
    %sign3A_2078 = arith.ori %sign3A_2077, %sign3A_2075 : vector<8x1280xi32>
    %sign3A_2079 = tpu.bitcast %sign3A_2078 : vector<8x1280xi32> -> vector<8x1280xf32>
    %sign3A_2080 = math.absf %div3A_2071 : vector<8x1280xf32>
    %sign3A_2081 = arith.constant 0.000000e+00 : f32
    %sign3A_2082 = vector.broadcast %sign3A_2081 : f32 to vector<8x1280xf32>
    %sign3A_2083 = arith.cmpf ogt, %sign3A_2080, %sign3A_2082 : vector<8x1280xf32>
    %sign3A_2084 = arith.select %sign3A_2083, %sign3A_2079, %div3A_2071 : vector<8x1280xi1>, vector<8x1280xf32>
    %abs3A_2085 = math.absf %div3A_2071 : vector<8x1280xf32>
    %mul3A_2086 = arith.mulf %div3A_2071, %div3A_2071 : vector<8x1280xf32>
    %add3A_2087 = arith.constant 1.000000e+00 : f32
    %add3A_2088 = vector.broadcast %add3A_2087 : f32 to vector<8x1280xf32>
    %add3A_2089 = arith.addf %add3A_2088, %mul3A_2086 : vector<8x1280xf32>
    %sqrt3A_2090 = math.sqrt %add3A_2089 : vector<8x1280xf32>
    %add3A_2091 = arith.addf %abs3A_2085, %sqrt3A_2090 : vector<8x1280xf32>
    %div3A_2092 = arith.divf %sign3A_2084, %add3A_2091 : vector<8x1280xf32>
    %eq3A_2093 = arith.constant 0.000000e+00 : f32
    %eq3A_2094 = vector.broadcast %eq3A_2093 : f32 to vector<8x1280xf32>
    %eq3A_2095 = arith.cmpf oeq, %div3A_2071, %eq3A_2094 : vector<8x1280xf32>
    %jit3A_2096 = arith.constant 1.000000e+00 : f32
    %broadcast_in_dim3A_2097 = vector.broadcast %jit3A_2096 : f32 to vector<8x1280xf32>
    %select_n3A_2098 = arith.select %eq3A_2095, %broadcast_in_dim3A_2097, %div3A_2092 : vector<8x1280xi1>, vector<8x1280xf32>
    %eq3A_2099 = arith.constant 0.000000e+00 : f32
    %eq3A_2100 = vector.broadcast %eq3A_2099 : f32 to vector<8x1280xf32>
    %eq3A_2101 = arith.cmpf oeq, %sub3A_2039, %eq3A_2100 : vector<8x1280xf32>
    %jit3A_2102 = arith.constant 0.000000e+00 : f32
    %broadcast_in_dim3A_2103 = vector.broadcast %jit3A_2102 : f32 to vector<8x1280xf32>
    %select_n3A_2104 = arith.select %eq3A_2101, %broadcast_in_dim3A_2103, %select_n3A_2098 : vector<8x1280xi1>, vector<8x1280xf32>
    %mul3A_2105 = arith.mulf %select_n3A_2104, %select_n3A_2104 : vector<8x1280xf32>
    %add3A_2106 = arith.constant 1.000000e+00 : f32
    %add3A_2107 = vector.broadcast %add3A_2106 : f32 to vector<8x1280xf32>
    %add3A_2108 = arith.addf %add3A_2107, %mul3A_2105 : vector<8x1280xf32>
    %rsqrt3A_2109 = math.rsqrt %add3A_2108 : vector<8x1280xf32>
    %mul3A_2110 = arith.mulf %select_n3A_2104, %rsqrt3A_2109 : vector<8x1280xf32>
    %mul3A_2111 = arith.mulf %select_n3A_2104, %sub3A_2039 : vector<8x1280xf32>
    %sub3A_2112 = arith.subf %sub3A_2032, %mul3A_2111 : vector<8x1280xf32>
    %mul3A_2113 = arith.mulf %select_n3A_2104, %sub3A_2039 : vector<8x1280xf32>
    %add3A_2114 = arith.addf %add3A_1954, %mul3A_2113 : vector<8x1280xf32>
    %mul3A_2115 = arith.mulf %mul3A_2110, %broadcast_in_dim3A_2036 : vector<8x1280xf32>
    %mul3A_2116 = arith.mulf %rsqrt3A_2109, %add3A_2042 : vector<8x1280xf32>
    %add3A_2117 = arith.addf %mul3A_2115, %mul3A_2116 : vector<8x1280xf32>
    %mul3A_2118 = arith.mulf %rsqrt3A_2109, %sub3A_2045 : vector<8x1280xf32>
    %mul3A_2119 = arith.mulf %mul3A_2110, %add3A_1968 : vector<8x1280xf32>
    %sub3A_2120 = arith.subf %mul3A_2118, %mul3A_2119 : vector<8x1280xf32>
    %mul3A_2121 = arith.mulf %mul3A_2110, %sub3A_2045 : vector<8x1280xf32>
    %mul3A_2122 = arith.mulf %rsqrt3A_2109, %add3A_1968 : vector<8x1280xf32>
    %add3A_2123 = arith.addf %mul3A_2121, %mul3A_2122 : vector<8x1280xf32>
    %mul3A_2124 = arith.mulf %rsqrt3A_2109, %sub3A_2051 : vector<8x1280xf32>
    %mul3A_2125 = arith.mulf %mul3A_2110, %add3A_1974 : vector<8x1280xf32>
    %sub3A_2126 = arith.subf %mul3A_2124, %mul3A_2125 : vector<8x1280xf32>
    %mul3A_2127 = arith.mulf %mul3A_2110, %sub3A_2051 : vector<8x1280xf32>
    %mul3A_2128 = arith.mulf %rsqrt3A_2109, %add3A_1974 : vector<8x1280xf32>
    %add3A_2129 = arith.addf %mul3A_2127, %mul3A_2128 : vector<8x1280xf32>
    %mul3A_2130 = arith.mulf %rsqrt3A_2109, %sub3A_2057 : vector<8x1280xf32>
    %mul3A_2131 = arith.mulf %mul3A_2110, %add3A_1980 : vector<8x1280xf32>
    %sub3A_2132 = arith.subf %mul3A_2130, %mul3A_2131 : vector<8x1280xf32>
    %mul3A_2133 = arith.mulf %mul3A_2110, %sub3A_2057 : vector<8x1280xf32>
    %mul3A_2134 = arith.mulf %rsqrt3A_2109, %add3A_1980 : vector<8x1280xf32>
    %add3A_2135 = arith.addf %mul3A_2133, %mul3A_2134 : vector<8x1280xf32>
    %ne3A_2136 = arith.constant 0.000000e+00 : f32
    %ne3A_2137 = vector.broadcast %ne3A_2136 : f32 to vector<8x1280xf32>
    %ne3A_2138 = arith.cmpf one, %add3A_2117, %ne3A_2137 : vector<8x1280xf32>
    %jit3A_2139 = arith.constant 1.000000e+00 : f32
    %broadcast_in_dim3A_2140 = vector.broadcast %jit3A_2139 : f32 to vector<8x1280xf32>
    %select_n3A_2141 = arith.select %ne3A_2138, %add3A_2117, %broadcast_in_dim3A_2140 : vector<8x1280xi1>, vector<8x1280xf32>
    %sub3A_2142 = arith.subf %add3A_2114, %add3A_2034 : vector<8x1280xf32>
    %mul3A_2143 = arith.constant 5.000000e-01 : f32
    %mul3A_2144 = vector.broadcast %mul3A_2143 : f32 to vector<8x1280xf32>
    %mul3A_2145 = arith.mulf %sub3A_2142, %mul3A_2144 : vector<8x1280xf32>
    %div3A_2146 = arith.divf %mul3A_2145, %select_n3A_2141 : vector<8x1280xf32>
    %sign3A_2147 = tpu.bitcast %div3A_2146 : vector<8x1280xf32> -> vector<8x1280xi32>
    %sign3A_2148 = arith.constant -2147483648 : i32
    %sign3A_2149 = vector.broadcast %sign3A_2148 : i32 to vector<8x1280xi32>
    %sign3A_2150 = arith.andi %sign3A_2147, %sign3A_2149 : vector<8x1280xi32>
    %sign3A_2151 = arith.constant 1065353216 : i32
    %sign3A_2152 = vector.broadcast %sign3A_2151 : i32 to vector<8x1280xi32>
    %sign3A_2153 = arith.ori %sign3A_2152, %sign3A_2150 : vector<8x1280xi32>
    %sign3A_2154 = tpu.bitcast %sign3A_2153 : vector<8x1280xi32> -> vector<8x1280xf32>
    %sign3A_2155 = math.absf %div3A_2146 : vector<8x1280xf32>
    %sign3A_2156 = arith.constant 0.000000e+00 : f32
    %sign3A_2157 = vector.broadcast %sign3A_2156 : f32 to vector<8x1280xf32>
    %sign3A_2158 = arith.cmpf ogt, %sign3A_2155, %sign3A_2157 : vector<8x1280xf32>
    %sign3A_2159 = arith.select %sign3A_2158, %sign3A_2154, %div3A_2146 : vector<8x1280xi1>, vector<8x1280xf32>
    %abs3A_2160 = math.absf %div3A_2146 : vector<8x1280xf32>
    %mul3A_2161 = arith.mulf %div3A_2146, %div3A_2146 : vector<8x1280xf32>
    %add3A_2162 = arith.constant 1.000000e+00 : f32
    %add3A_2163 = vector.broadcast %add3A_2162 : f32 to vector<8x1280xf32>
    %add3A_2164 = arith.addf %add3A_2163, %mul3A_2161 : vector<8x1280xf32>
    %sqrt3A_2165 = math.sqrt %add3A_2164 : vector<8x1280xf32>
    %add3A_2166 = arith.addf %abs3A_2160, %sqrt3A_2165 : vector<8x1280xf32>
    %div3A_2167 = arith.divf %sign3A_2159, %add3A_2166 : vector<8x1280xf32>
    %eq3A_2168 = arith.constant 0.000000e+00 : f32
    %eq3A_2169 = vector.broadcast %eq3A_2168 : f32 to vector<8x1280xf32>
    %eq3A_2170 = arith.cmpf oeq, %div3A_2146, %eq3A_2169 : vector<8x1280xf32>
    %jit3A_2171 = arith.constant 1.000000e+00 : f32
    %broadcast_in_dim3A_2172 = vector.broadcast %jit3A_2171 : f32 to vector<8x1280xf32>
    %select_n3A_2173 = arith.select %eq3A_2170, %broadcast_in_dim3A_2172, %div3A_2167 : vector<8x1280xi1>, vector<8x1280xf32>
    %eq3A_2174 = arith.constant 0.000000e+00 : f32
    %eq3A_2175 = vector.broadcast %eq3A_2174 : f32 to vector<8x1280xf32>
    %eq3A_2176 = arith.cmpf oeq, %add3A_2117, %eq3A_2175 : vector<8x1280xf32>
    %jit3A_2177 = arith.constant 0.000000e+00 : f32
    %broadcast_in_dim3A_2178 = vector.broadcast %jit3A_2177 : f32 to vector<8x1280xf32>
    %select_n3A_2179 = arith.select %eq3A_2176, %broadcast_in_dim3A_2178, %select_n3A_2173 : vector<8x1280xi1>, vector<8x1280xf32>
    %mul3A_2180 = arith.mulf %select_n3A_2179, %select_n3A_2179 : vector<8x1280xf32>
    %add3A_2181 = arith.constant 1.000000e+00 : f32
    %add3A_2182 = vector.broadcast %add3A_2181 : f32 to vector<8x1280xf32>
    %add3A_2183 = arith.addf %add3A_2182, %mul3A_2180 : vector<8x1280xf32>
    %rsqrt3A_2184 = math.rsqrt %add3A_2183 : vector<8x1280xf32>
    %mul3A_2185 = arith.mulf %select_n3A_2179, %rsqrt3A_2184 : vector<8x1280xf32>
    %mul3A_2186 = arith.mulf %select_n3A_2179, %add3A_2117 : vector<8x1280xf32>
    %sub3A_2187 = arith.subf %add3A_2034, %mul3A_2186 : vector<8x1280xf32>
    %mul3A_2188 = arith.mulf %select_n3A_2179, %add3A_2117 : vector<8x1280xf32>
    %add3A_2189 = arith.addf %add3A_2114, %mul3A_2188 : vector<8x1280xf32>
    %mul3A_2190 = arith.mulf %rsqrt3A_2184, %add3A_2048 : vector<8x1280xf32>
    %mul3A_2191 = arith.mulf %mul3A_2185, %add3A_2123 : vector<8x1280xf32>
    %sub3A_2192 = arith.subf %mul3A_2190, %mul3A_2191 : vector<8x1280xf32>
    %mul3A_2193 = arith.mulf %mul3A_2185, %add3A_2048 : vector<8x1280xf32>
    %mul3A_2194 = arith.mulf %rsqrt3A_2184, %add3A_2123 : vector<8x1280xf32>
    %add3A_2195 = arith.addf %mul3A_2193, %mul3A_2194 : vector<8x1280xf32>
    %mul3A_2196 = arith.mulf %rsqrt3A_2184, %add3A_2054 : vector<8x1280xf32>
    %mul3A_2197 = arith.mulf %mul3A_2185, %add3A_2129 : vector<8x1280xf32>
    %sub3A_2198 = arith.subf %mul3A_2196, %mul3A_2197 : vector<8x1280xf32>
    %mul3A_2199 = arith.mulf %mul3A_2185, %add3A_2054 : vector<8x1280xf32>
    %mul3A_2200 = arith.mulf %rsqrt3A_2184, %add3A_2129 : vector<8x1280xf32>
    %add3A_2201 = arith.addf %mul3A_2199, %mul3A_2200 : vector<8x1280xf32>
    %mul3A_2202 = arith.mulf %rsqrt3A_2184, %add3A_2060 : vector<8x1280xf32>
    %mul3A_2203 = arith.mulf %mul3A_2185, %add3A_2135 : vector<8x1280xf32>
    %sub3A_2204 = arith.subf %mul3A_2202, %mul3A_2203 : vector<8x1280xf32>
    %mul3A_2205 = arith.mulf %mul3A_2185, %add3A_2060 : vector<8x1280xf32>
    %mul3A_2206 = arith.mulf %rsqrt3A_2184, %add3A_2135 : vector<8x1280xf32>
    %add3A_2207 = arith.addf %mul3A_2205, %mul3A_2206 : vector<8x1280xf32>
    %lt3A = arith.cmpf olt, %sub3A_2112, %sub3A_2187 : vector<8x1280xf32>
    %select_n3A_2208 = arith.select %lt3A, %sub3A_2187, %sub3A_2112 : vector<8x1280xi1>, vector<8x1280xf32>
    %select_n3A_2209 = arith.select %lt3A, %sub3A_2112, %sub3A_2187 : vector<8x1280xi1>, vector<8x1280xf32>
    %select_n3A_2210 = arith.select %lt3A, %sub3A_2192, %sub3A_2120 : vector<8x1280xi1>, vector<8x1280xf32>
    %select_n3A_2211 = arith.select %lt3A, %sub3A_2120, %sub3A_2192 : vector<8x1280xi1>, vector<8x1280xf32>
    %select_n3A_2212 = arith.select %lt3A, %sub3A_2198, %sub3A_2126 : vector<8x1280xi1>, vector<8x1280xf32>
    %select_n3A_2213 = arith.select %lt3A, %sub3A_2126, %sub3A_2198 : vector<8x1280xi1>, vector<8x1280xf32>
    %select_n3A_2214 = arith.select %lt3A, %sub3A_2204, %sub3A_2132 : vector<8x1280xi1>, vector<8x1280xf32>
    %select_n3A_2215 = arith.select %lt3A, %sub3A_2132, %sub3A_2204 : vector<8x1280xi1>, vector<8x1280xf32>
    %lt3A_2216 = arith.cmpf olt, %select_n3A_2208, %add3A_2189 : vector<8x1280xf32>
    %select_n3A_2217 = arith.select %lt3A_2216, %add3A_2189, %select_n3A_2208 : vector<8x1280xi1>, vector<8x1280xf32>
    %select_n3A_2218 = arith.select %lt3A_2216, %select_n3A_2208, %add3A_2189 : vector<8x1280xi1>, vector<8x1280xf32>
    %select_n3A_2219 = arith.select %lt3A_2216, %add3A_2195, %select_n3A_2210 : vector<8x1280xi1>, vector<8x1280xf32>
    %select_n3A_2220 = arith.select %lt3A_2216, %select_n3A_2210, %add3A_2195 : vector<8x1280xi1>, vector<8x1280xf32>
    %select_n3A_2221 = arith.select %lt3A_2216, %add3A_2201, %select_n3A_2212 : vector<8x1280xi1>, vector<8x1280xf32>
    %select_n3A_2222 = arith.select %lt3A_2216, %select_n3A_2212, %add3A_2201 : vector<8x1280xi1>, vector<8x1280xf32>
    %select_n3A_2223 = arith.select %lt3A_2216, %add3A_2207, %select_n3A_2214 : vector<8x1280xi1>, vector<8x1280xf32>
    %select_n3A_2224 = arith.select %lt3A_2216, %select_n3A_2214, %add3A_2207 : vector<8x1280xi1>, vector<8x1280xf32>
    %lt3A_2225 = arith.cmpf olt, %select_n3A_2209, %select_n3A_2218 : vector<8x1280xf32>
    %select_n3A_2226 = arith.select %lt3A_2225, %select_n3A_2218, %select_n3A_2209 : vector<8x1280xi1>, vector<8x1280xf32>
    %select_n3A_2227 = arith.select %lt3A_2225, %select_n3A_2220, %select_n3A_2211 : vector<8x1280xi1>, vector<8x1280xf32>
    %select_n3A_2228 = arith.select %lt3A_2225, %select_n3A_2222, %select_n3A_2213 : vector<8x1280xi1>, vector<8x1280xf32>
    %select_n3A_2229 = arith.select %lt3A_2225, %select_n3A_2224, %select_n3A_2215 : vector<8x1280xi1>, vector<8x1280xf32>
    %mul3A_2230 = arith.mulf %sub3A, %select_n3A_2219 : vector<8x1280xf32>
    %mul3A_2231 = arith.mulf %sub3A_219, %select_n3A_2221 : vector<8x1280xf32>
    %add3A_2232 = arith.addf %mul3A_2230, %mul3A_2231 : vector<8x1280xf32>
    %mul3A_2233 = arith.mulf %sub3A_222, %select_n3A_2223 : vector<8x1280xf32>
    %add3A_2234 = arith.addf %add3A_2232, %mul3A_2233 : vector<8x1280xf32>
    %mul3A_2235 = arith.mulf %sub3A_225, %select_n3A_2219 : vector<8x1280xf32>
    %mul3A_2236 = arith.mulf %sub3A_228, %select_n3A_2221 : vector<8x1280xf32>
    %add3A_2237 = arith.addf %mul3A_2235, %mul3A_2236 : vector<8x1280xf32>
    %mul3A_2238 = arith.mulf %sub3A_231, %select_n3A_2223 : vector<8x1280xf32>
    %add3A_2239 = arith.addf %add3A_2237, %mul3A_2238 : vector<8x1280xf32>
    %mul3A_2240 = arith.mulf %sub3A_234, %select_n3A_2219 : vector<8x1280xf32>
    %mul3A_2241 = arith.mulf %sub3A_237, %select_n3A_2221 : vector<8x1280xf32>
    %add3A_2242 = arith.addf %mul3A_2240, %mul3A_2241 : vector<8x1280xf32>
    %mul3A_2243 = arith.mulf %sub3A_240, %select_n3A_2223 : vector<8x1280xf32>
    %add3A_2244 = arith.addf %add3A_2242, %mul3A_2243 : vector<8x1280xf32>
    %mul3A_2245 = arith.mulf %sub3A, %select_n3A_2227 : vector<8x1280xf32>
    %mul3A_2246 = arith.mulf %sub3A_219, %select_n3A_2228 : vector<8x1280xf32>
    %add3A_2247 = arith.addf %mul3A_2245, %mul3A_2246 : vector<8x1280xf32>
    %mul3A_2248 = arith.mulf %sub3A_222, %select_n3A_2229 : vector<8x1280xf32>
    %add3A_2249 = arith.addf %add3A_2247, %mul3A_2248 : vector<8x1280xf32>
    %mul3A_2250 = arith.mulf %sub3A_225, %select_n3A_2227 : vector<8x1280xf32>
    %mul3A_2251 = arith.mulf %sub3A_228, %select_n3A_2228 : vector<8x1280xf32>
    %add3A_2252 = arith.addf %mul3A_2250, %mul3A_2251 : vector<8x1280xf32>
    %mul3A_2253 = arith.mulf %sub3A_231, %select_n3A_2229 : vector<8x1280xf32>
    %add3A_2254 = arith.addf %add3A_2252, %mul3A_2253 : vector<8x1280xf32>
    %mul3A_2255 = arith.mulf %sub3A_234, %select_n3A_2227 : vector<8x1280xf32>
    %mul3A_2256 = arith.mulf %sub3A_237, %select_n3A_2228 : vector<8x1280xf32>
    %add3A_2257 = arith.addf %mul3A_2255, %mul3A_2256 : vector<8x1280xf32>
    %mul3A_2258 = arith.mulf %sub3A_240, %select_n3A_2229 : vector<8x1280xf32>
    %add3A_2259 = arith.addf %add3A_2257, %mul3A_2258 : vector<8x1280xf32>
    %mul3A_2260 = arith.mulf %add3A_2234, %add3A_2234 : vector<8x1280xf32>
    %mul3A_2261 = arith.mulf %add3A_2239, %add3A_2239 : vector<8x1280xf32>
    %add3A_2262 = arith.addf %mul3A_2260, %mul3A_2261 : vector<8x1280xf32>
    %mul3A_2263 = arith.mulf %add3A_2244, %add3A_2244 : vector<8x1280xf32>
    %add3A_2264 = arith.addf %add3A_2262, %mul3A_2263 : vector<8x1280xf32>
    %max3A_2265 = arith.constant 1.000000e-35 : f32
    %max3A_2266 = vector.broadcast %max3A_2265 : f32 to vector<8x1280xf32>
    %max3A_2267 = arith.maximumf %add3A_2264, %max3A_2266 : vector<8x1280xf32>
    %rsqrt3A_2268 = math.rsqrt %max3A_2267 : vector<8x1280xf32>
    %mul3A_2269 = arith.mulf %add3A_2234, %rsqrt3A_2268 : vector<8x1280xf32>
    %max3A_2270 = arith.constant 1.000000e-35 : f32
    %max3A_2271 = vector.broadcast %max3A_2270 : f32 to vector<8x1280xf32>
    %max3A_2272 = arith.maximumf %add3A_2264, %max3A_2271 : vector<8x1280xf32>
    %rsqrt3A_2273 = math.rsqrt %max3A_2272 : vector<8x1280xf32>
    %mul3A_2274 = arith.mulf %add3A_2239, %rsqrt3A_2273 : vector<8x1280xf32>
    %max3A_2275 = arith.constant 1.000000e-35 : f32
    %max3A_2276 = vector.broadcast %max3A_2275 : f32 to vector<8x1280xf32>
    %max3A_2277 = arith.maximumf %add3A_2264, %max3A_2276 : vector<8x1280xf32>
    %rsqrt3A_2278 = math.rsqrt %max3A_2277 : vector<8x1280xf32>
    %mul3A_2279 = arith.mulf %add3A_2244, %rsqrt3A_2278 : vector<8x1280xf32>
    %mul3A_2280 = arith.mulf %mul3A_2269, %add3A_2249 : vector<8x1280xf32>
    %mul3A_2281 = arith.mulf %mul3A_2274, %add3A_2254 : vector<8x1280xf32>
    %add3A_2282 = arith.addf %mul3A_2280, %mul3A_2281 : vector<8x1280xf32>
    %mul3A_2283 = arith.mulf %mul3A_2279, %add3A_2259 : vector<8x1280xf32>
    %add3A_2284 = arith.addf %add3A_2282, %mul3A_2283 : vector<8x1280xf32>
    %mul3A_2285 = arith.mulf %add3A_2284, %mul3A_2269 : vector<8x1280xf32>
    %sub3A_2286 = arith.subf %add3A_2249, %mul3A_2285 : vector<8x1280xf32>
    %mul3A_2287 = arith.mulf %add3A_2284, %mul3A_2274 : vector<8x1280xf32>
    %sub3A_2288 = arith.subf %add3A_2254, %mul3A_2287 : vector<8x1280xf32>
    %mul3A_2289 = arith.mulf %add3A_2284, %mul3A_2279 : vector<8x1280xf32>
    %sub3A_2290 = arith.subf %add3A_2259, %mul3A_2289 : vector<8x1280xf32>
    %mul3A_2291 = arith.mulf %sub3A_2286, %sub3A_2286 : vector<8x1280xf32>
    %mul3A_2292 = arith.mulf %sub3A_2288, %sub3A_2288 : vector<8x1280xf32>
    %add3A_2293 = arith.addf %mul3A_2291, %mul3A_2292 : vector<8x1280xf32>
    %mul3A_2294 = arith.mulf %sub3A_2290, %sub3A_2290 : vector<8x1280xf32>
    %add3A_2295 = arith.addf %add3A_2293, %mul3A_2294 : vector<8x1280xf32>
    %max3A_2296 = arith.constant 1.000000e-35 : f32
    %max3A_2297 = vector.broadcast %max3A_2296 : f32 to vector<8x1280xf32>
    %max3A_2298 = arith.maximumf %add3A_2295, %max3A_2297 : vector<8x1280xf32>
    %rsqrt3A_2299 = math.rsqrt %max3A_2298 : vector<8x1280xf32>
    %mul3A_2300 = arith.mulf %sub3A_2286, %rsqrt3A_2299 : vector<8x1280xf32>
    %max3A_2301 = arith.constant 1.000000e-35 : f32
    %max3A_2302 = vector.broadcast %max3A_2301 : f32 to vector<8x1280xf32>
    %max3A_2303 = arith.maximumf %add3A_2295, %max3A_2302 : vector<8x1280xf32>
    %rsqrt3A_2304 = math.rsqrt %max3A_2303 : vector<8x1280xf32>
    %mul3A_2305 = arith.mulf %sub3A_2288, %rsqrt3A_2304 : vector<8x1280xf32>
    %max3A_2306 = arith.constant 1.000000e-35 : f32
    %max3A_2307 = vector.broadcast %max3A_2306 : f32 to vector<8x1280xf32>
    %max3A_2308 = arith.maximumf %add3A_2295, %max3A_2307 : vector<8x1280xf32>
    %rsqrt3A_2309 = math.rsqrt %max3A_2308 : vector<8x1280xf32>
    %mul3A_2310 = arith.mulf %sub3A_2290, %rsqrt3A_2309 : vector<8x1280xf32>
    %mul3A_2311 = arith.mulf %mul3A_2274, %mul3A_2310 : vector<8x1280xf32>
    %mul3A_2312 = arith.mulf %mul3A_2279, %mul3A_2305 : vector<8x1280xf32>
    %sub3A_2313 = arith.subf %mul3A_2311, %mul3A_2312 : vector<8x1280xf32>
    %mul3A_2314 = arith.mulf %mul3A_2279, %mul3A_2300 : vector<8x1280xf32>
    %mul3A_2315 = arith.mulf %mul3A_2269, %mul3A_2310 : vector<8x1280xf32>
    %sub3A_2316 = arith.subf %mul3A_2314, %mul3A_2315 : vector<8x1280xf32>
    %mul3A_2317 = arith.mulf %mul3A_2269, %mul3A_2305 : vector<8x1280xf32>
    %mul3A_2318 = arith.mulf %mul3A_2274, %mul3A_2300 : vector<8x1280xf32>
    %sub3A_2319 = arith.subf %mul3A_2317, %mul3A_2318 : vector<8x1280xf32>
    %mul3A_2320 = arith.mulf %select_n3A_2221, %select_n3A_2229 : vector<8x1280xf32>
    %mul3A_2321 = arith.mulf %select_n3A_2223, %select_n3A_2228 : vector<8x1280xf32>
    %sub3A_2322 = arith.subf %mul3A_2320, %mul3A_2321 : vector<8x1280xf32>
    %mul3A_2323 = arith.mulf %select_n3A_2223, %select_n3A_2227 : vector<8x1280xf32>
    %mul3A_2324 = arith.mulf %select_n3A_2219, %select_n3A_2229 : vector<8x1280xf32>
    %sub3A_2325 = arith.subf %mul3A_2323, %mul3A_2324 : vector<8x1280xf32>
    %mul3A_2326 = arith.mulf %select_n3A_2219, %select_n3A_2228 : vector<8x1280xf32>
    %mul3A_2327 = arith.mulf %select_n3A_2221, %select_n3A_2227 : vector<8x1280xf32>
    %sub3A_2328 = arith.subf %mul3A_2326, %mul3A_2327 : vector<8x1280xf32>
    %mul3A_2329 = arith.constant 9.99999997E-7 : f32
    %mul3A_2330 = vector.broadcast %mul3A_2329 : f32 to vector<8x1280xf32>
    %mul3A_2331 = arith.mulf %select_n3A_2217, %mul3A_2330 : vector<8x1280xf32>
    %le3A = arith.cmpf ole, %select_n3A_2226, %mul3A_2331 : vector<8x1280xf32>
    %add3A_2332 = arith.addf %add3A_292, %mul3A_305 : vector<8x1280xf32>
    %add3A_2333 = arith.constant 1.000000e-30 : f32
    %add3A_2334 = vector.broadcast %add3A_2333 : f32 to vector<8x1280xf32>
    %add3A_2335 = arith.addf %add3A_2332, %add3A_2334 : vector<8x1280xf32>
    %mul3A_2336 = arith.constant 9.99999996E-13 : f32
    %mul3A_2337 = vector.broadcast %mul3A_2336 : f32 to vector<8x1280xf32>
    %mul3A_2338 = arith.mulf %add3A_2335, %mul3A_2337 : vector<8x1280xf32>
    %le3A_2339 = arith.cmpf ole, %add3A_272, %mul3A_2338 : vector<8x1280xf32>
    %mul3A_2340 = arith.mulf %mul3A_2269, %select_n3A_2219 : vector<8x1280xf32>
    %mul3A_2341 = arith.mulf %mul3A_2300, %select_n3A_2227 : vector<8x1280xf32>
    %add3A_2342 = arith.addf %mul3A_2340, %mul3A_2341 : vector<8x1280xf32>
    %mul3A_2343 = arith.mulf %sub3A_2313, %sub3A_2322 : vector<8x1280xf32>
    %add3A_2344 = arith.addf %add3A_2342, %mul3A_2343 : vector<8x1280xf32>
    %mul3A_2345 = arith.mulf %mul3A_2269, %select_n3A_2219 : vector<8x1280xf32>
    %select_n3A_2346 = arith.select %le3A, %mul3A_2345, %add3A_2344 : vector<8x1280xi1>, vector<8x1280xf32>
    %select_n3A_2347 = arith.select %le3A_2339, %broadcast_in_dim3A_306, %select_n3A_2346 : vector<8x1280xi1>, vector<8x1280xf32>
    %mul3A_2348 = arith.mulf %mul3A_2269, %select_n3A_2221 : vector<8x1280xf32>
    %mul3A_2349 = arith.mulf %mul3A_2300, %select_n3A_2228 : vector<8x1280xf32>
    %add3A_2350 = arith.addf %mul3A_2348, %mul3A_2349 : vector<8x1280xf32>
    %mul3A_2351 = arith.mulf %sub3A_2313, %sub3A_2325 : vector<8x1280xf32>
    %add3A_2352 = arith.addf %add3A_2350, %mul3A_2351 : vector<8x1280xf32>
    %mul3A_2353 = arith.mulf %mul3A_2269, %select_n3A_2221 : vector<8x1280xf32>
    %select_n3A_2354 = arith.select %le3A, %mul3A_2353, %add3A_2352 : vector<8x1280xi1>, vector<8x1280xf32>
    %select_n3A_2355 = arith.select %le3A_2339, %broadcast_in_dim3A_308, %select_n3A_2354 : vector<8x1280xi1>, vector<8x1280xf32>
    %mul3A_2356 = arith.mulf %mul3A_2269, %select_n3A_2223 : vector<8x1280xf32>
    %mul3A_2357 = arith.mulf %mul3A_2300, %select_n3A_2229 : vector<8x1280xf32>
    %add3A_2358 = arith.addf %mul3A_2356, %mul3A_2357 : vector<8x1280xf32>
    %mul3A_2359 = arith.mulf %sub3A_2313, %sub3A_2328 : vector<8x1280xf32>
    %add3A_2360 = arith.addf %add3A_2358, %mul3A_2359 : vector<8x1280xf32>
    %mul3A_2361 = arith.mulf %mul3A_2269, %select_n3A_2223 : vector<8x1280xf32>
    %select_n3A_2362 = arith.select %le3A, %mul3A_2361, %add3A_2360 : vector<8x1280xi1>, vector<8x1280xf32>
    %select_n3A_2363 = arith.select %le3A_2339, %broadcast_in_dim3A_308, %select_n3A_2362 : vector<8x1280xi1>, vector<8x1280xf32>
    %mul3A_2364 = arith.mulf %mul3A_2274, %select_n3A_2219 : vector<8x1280xf32>
    %mul3A_2365 = arith.mulf %mul3A_2305, %select_n3A_2227 : vector<8x1280xf32>
    %add3A_2366 = arith.addf %mul3A_2364, %mul3A_2365 : vector<8x1280xf32>
    %mul3A_2367 = arith.mulf %sub3A_2316, %sub3A_2322 : vector<8x1280xf32>
    %add3A_2368 = arith.addf %add3A_2366, %mul3A_2367 : vector<8x1280xf32>
    %mul3A_2369 = arith.mulf %mul3A_2274, %select_n3A_2219 : vector<8x1280xf32>
    %select_n3A_2370 = arith.select %le3A, %mul3A_2369, %add3A_2368 : vector<8x1280xi1>, vector<8x1280xf32>
    %select_n3A_2371 = arith.select %le3A_2339, %broadcast_in_dim3A_308, %select_n3A_2370 : vector<8x1280xi1>, vector<8x1280xf32>
    %mul3A_2372 = arith.mulf %mul3A_2274, %select_n3A_2221 : vector<8x1280xf32>
    %mul3A_2373 = arith.mulf %mul3A_2305, %select_n3A_2228 : vector<8x1280xf32>
    %add3A_2374 = arith.addf %mul3A_2372, %mul3A_2373 : vector<8x1280xf32>
    %mul3A_2375 = arith.mulf %sub3A_2316, %sub3A_2325 : vector<8x1280xf32>
    %add3A_2376 = arith.addf %add3A_2374, %mul3A_2375 : vector<8x1280xf32>
    %mul3A_2377 = arith.mulf %mul3A_2274, %select_n3A_2221 : vector<8x1280xf32>
    %select_n3A_2378 = arith.select %le3A, %mul3A_2377, %add3A_2376 : vector<8x1280xi1>, vector<8x1280xf32>
    %select_n3A_2379 = arith.select %le3A_2339, %broadcast_in_dim3A_306, %select_n3A_2378 : vector<8x1280xi1>, vector<8x1280xf32>
    %mul3A_2380 = arith.mulf %mul3A_2274, %select_n3A_2223 : vector<8x1280xf32>
    %mul3A_2381 = arith.mulf %mul3A_2305, %select_n3A_2229 : vector<8x1280xf32>
    %add3A_2382 = arith.addf %mul3A_2380, %mul3A_2381 : vector<8x1280xf32>
    %mul3A_2383 = arith.mulf %sub3A_2316, %sub3A_2328 : vector<8x1280xf32>
    %add3A_2384 = arith.addf %add3A_2382, %mul3A_2383 : vector<8x1280xf32>
    %mul3A_2385 = arith.mulf %mul3A_2274, %select_n3A_2223 : vector<8x1280xf32>
    %select_n3A_2386 = arith.select %le3A, %mul3A_2385, %add3A_2384 : vector<8x1280xi1>, vector<8x1280xf32>
    %select_n3A_2387 = arith.select %le3A_2339, %broadcast_in_dim3A_308, %select_n3A_2386 : vector<8x1280xi1>, vector<8x1280xf32>
    %mul3A_2388 = arith.mulf %mul3A_2279, %select_n3A_2219 : vector<8x1280xf32>
    %mul3A_2389 = arith.mulf %mul3A_2310, %select_n3A_2227 : vector<8x1280xf32>
    %add3A_2390 = arith.addf %mul3A_2388, %mul3A_2389 : vector<8x1280xf32>
    %mul3A_2391 = arith.mulf %sub3A_2319, %sub3A_2322 : vector<8x1280xf32>
    %add3A_2392 = arith.addf %add3A_2390, %mul3A_2391 : vector<8x1280xf32>
    %mul3A_2393 = arith.mulf %mul3A_2279, %select_n3A_2219 : vector<8x1280xf32>
    %select_n3A_2394 = arith.select %le3A, %mul3A_2393, %add3A_2392 : vector<8x1280xi1>, vector<8x1280xf32>
    %select_n3A_2395 = arith.select %le3A_2339, %broadcast_in_dim3A_308, %select_n3A_2394 : vector<8x1280xi1>, vector<8x1280xf32>
    %mul3A_2396 = arith.mulf %mul3A_2279, %select_n3A_2221 : vector<8x1280xf32>
    %mul3A_2397 = arith.mulf %mul3A_2310, %select_n3A_2228 : vector<8x1280xf32>
    %add3A_2398 = arith.addf %mul3A_2396, %mul3A_2397 : vector<8x1280xf32>
    %mul3A_2399 = arith.mulf %sub3A_2319, %sub3A_2325 : vector<8x1280xf32>
    %add3A_2400 = arith.addf %add3A_2398, %mul3A_2399 : vector<8x1280xf32>
    %mul3A_2401 = arith.mulf %mul3A_2279, %select_n3A_2221 : vector<8x1280xf32>
    %select_n3A_2402 = arith.select %le3A, %mul3A_2401, %add3A_2400 : vector<8x1280xi1>, vector<8x1280xf32>
    %select_n3A_2403 = arith.select %le3A_2339, %broadcast_in_dim3A_308, %select_n3A_2402 : vector<8x1280xi1>, vector<8x1280xf32>
    %mul3A_2404 = arith.mulf %mul3A_2279, %select_n3A_2223 : vector<8x1280xf32>
    %mul3A_2405 = arith.mulf %mul3A_2310, %select_n3A_2229 : vector<8x1280xf32>
    %add3A_2406 = arith.addf %mul3A_2404, %mul3A_2405 : vector<8x1280xf32>
    %mul3A_2407 = arith.mulf %sub3A_2319, %sub3A_2328 : vector<8x1280xf32>
    %add3A_2408 = arith.addf %add3A_2406, %mul3A_2407 : vector<8x1280xf32>
    %mul3A_2409 = arith.mulf %mul3A_2279, %select_n3A_2223 : vector<8x1280xf32>
    %select_n3A_2410 = arith.select %le3A, %mul3A_2409, %add3A_2408 : vector<8x1280xi1>, vector<8x1280xf32>
    %select_n3A_2411 = arith.select %le3A_2339, %broadcast_in_dim3A_306, %select_n3A_2410 : vector<8x1280xi1>, vector<8x1280xf32>
    %mul3A_2412 = arith.mulf %select_n3A_2347, %mul3A : vector<8x1280xf32>
    %mul3A_2413 = arith.mulf %select_n3A_2355, %mul3A_210 : vector<8x1280xf32>
    %add3A_2414 = arith.addf %mul3A_2412, %mul3A_2413 : vector<8x1280xf32>
    %mul3A_2415 = arith.mulf %select_n3A_2363, %mul3A_211 : vector<8x1280xf32>
    %add3A_2416 = arith.addf %add3A_2414, %mul3A_2415 : vector<8x1280xf32>
    %sub3A_2417 = arith.subf %mul3A_212, %add3A_2416 : vector<8x1280xf32>
    %mul3A_2418 = arith.mulf %select_n3A_2371, %mul3A : vector<8x1280xf32>
    %mul3A_2419 = arith.mulf %select_n3A_2379, %mul3A_210 : vector<8x1280xf32>
    %add3A_2420 = arith.addf %mul3A_2418, %mul3A_2419 : vector<8x1280xf32>
    %mul3A_2421 = arith.mulf %select_n3A_2387, %mul3A_211 : vector<8x1280xf32>
    %add3A_2422 = arith.addf %add3A_2420, %mul3A_2421 : vector<8x1280xf32>
    %sub3A_2423 = arith.subf %mul3A_213, %add3A_2422 : vector<8x1280xf32>
    %mul3A_2424 = arith.mulf %select_n3A_2395, %mul3A : vector<8x1280xf32>
    %mul3A_2425 = arith.mulf %select_n3A_2403, %mul3A_210 : vector<8x1280xf32>
    %add3A_2426 = arith.addf %mul3A_2424, %mul3A_2425 : vector<8x1280xf32>
    %mul3A_2427 = arith.mulf %select_n3A_2411, %mul3A_211 : vector<8x1280xf32>
    %add3A_2428 = arith.addf %add3A_2426, %mul3A_2427 : vector<8x1280xf32>
    %sub3A_2429 = arith.subf %mul3A_214, %add3A_2428 : vector<8x1280xf32>
    %get3A_2430 = arith.constant 0 : index
    %get3A_2431 = arith.constant 0 : index
    %get3A_2432 = arith.constant 0 : index
    %get3A_2433 = vector.load %arg1[%get3A_2430, %get3A_2431, %get3A_2432] : memref<3x8x1280xf32, #tpu.memory_space<vmem>>, vector<1x8x1280xf32>
    %get3A_2434 = vector.shape_cast %get3A_2433 : vector<1x8x1280xf32> to vector<8x1280xf32>
    %get3A_2435 = arith.constant 1 : index
    %get3A_2436 = arith.constant 0 : index
    %get3A_2437 = arith.constant 0 : index
    %get3A_2438 = vector.load %arg1[%get3A_2435, %get3A_2436, %get3A_2437] : memref<3x8x1280xf32, #tpu.memory_space<vmem>>, vector<1x8x1280xf32>
    %get3A_2439 = vector.shape_cast %get3A_2438 : vector<1x8x1280xf32> to vector<8x1280xf32>
    %get3A_2440 = arith.constant 2 : index
    %get3A_2441 = arith.constant 0 : index
    %get3A_2442 = arith.constant 0 : index
    %get3A_2443 = vector.load %arg1[%get3A_2440, %get3A_2441, %get3A_2442] : memref<3x8x1280xf32, #tpu.memory_space<vmem>>, vector<1x8x1280xf32>
    %get3A_2444 = vector.shape_cast %get3A_2443 : vector<1x8x1280xf32> to vector<8x1280xf32>
    %get3A_2445 = arith.constant 0 : index
    %get3A_2446 = arith.constant 0 : index
    %get3A_2447 = arith.constant 0 : index
    %get3A_2448 = vector.load %arg2[%get3A_2445, %get3A_2446, %get3A_2447] : memref<3x8x1280xf32, #tpu.memory_space<vmem>>, vector<1x8x1280xf32>
    %get3A_2449 = vector.shape_cast %get3A_2448 : vector<1x8x1280xf32> to vector<8x1280xf32>
    %get3A_2450 = arith.constant 1 : index
    %get3A_2451 = arith.constant 0 : index
    %get3A_2452 = arith.constant 0 : index
    %get3A_2453 = vector.load %arg2[%get3A_2450, %get3A_2451, %get3A_2452] : memref<3x8x1280xf32, #tpu.memory_space<vmem>>, vector<1x8x1280xf32>
    %get3A_2454 = vector.shape_cast %get3A_2453 : vector<1x8x1280xf32> to vector<8x1280xf32>
    %get3A_2455 = arith.constant 2 : index
    %get3A_2456 = arith.constant 0 : index
    %get3A_2457 = arith.constant 0 : index
    %get3A_2458 = vector.load %arg2[%get3A_2455, %get3A_2456, %get3A_2457] : memref<3x8x1280xf32, #tpu.memory_space<vmem>>, vector<1x8x1280xf32>
    %get3A_2459 = vector.shape_cast %get3A_2458 : vector<1x8x1280xf32> to vector<8x1280xf32>
    %mul3A_2460 = arith.mulf %select_n3A_2347, %get3A_2434 : vector<8x1280xf32>
    %mul3A_2461 = arith.mulf %select_n3A_2355, %get3A_2439 : vector<8x1280xf32>
    %add3A_2462 = arith.addf %mul3A_2460, %mul3A_2461 : vector<8x1280xf32>
    %mul3A_2463 = arith.mulf %select_n3A_2363, %get3A_2444 : vector<8x1280xf32>
    %add3A_2464 = arith.addf %add3A_2462, %mul3A_2463 : vector<8x1280xf32>
    %add3A_2465 = arith.addf %add3A_2464, %sub3A_2417 : vector<8x1280xf32>
    %sub3A_2466 = arith.subf %add3A_2465, %get3A_2449 : vector<8x1280xf32>
    %mul3A_2467 = arith.mulf %sub3A_2466, %sub3A_2466 : vector<8x1280xf32>
    %add3A_2468 = arith.addf %broadcast_in_dim3A_308, %mul3A_2467 : vector<8x1280xf32>
    %mul3A_2469 = arith.mulf %select_n3A_2371, %get3A_2434 : vector<8x1280xf32>
    %mul3A_2470 = arith.mulf %select_n3A_2379, %get3A_2439 : vector<8x1280xf32>
    %add3A_2471 = arith.addf %mul3A_2469, %mul3A_2470 : vector<8x1280xf32>
    %mul3A_2472 = arith.mulf %select_n3A_2387, %get3A_2444 : vector<8x1280xf32>
    %add3A_2473 = arith.addf %add3A_2471, %mul3A_2472 : vector<8x1280xf32>
    %add3A_2474 = arith.addf %add3A_2473, %sub3A_2423 : vector<8x1280xf32>
    %sub3A_2475 = arith.subf %add3A_2474, %get3A_2454 : vector<8x1280xf32>
    %mul3A_2476 = arith.mulf %sub3A_2475, %sub3A_2475 : vector<8x1280xf32>
    %add3A_2477 = arith.addf %add3A_2468, %mul3A_2476 : vector<8x1280xf32>
    %mul3A_2478 = arith.mulf %select_n3A_2395, %get3A_2434 : vector<8x1280xf32>
    %mul3A_2479 = arith.mulf %select_n3A_2403, %get3A_2439 : vector<8x1280xf32>
    %add3A_2480 = arith.addf %mul3A_2478, %mul3A_2479 : vector<8x1280xf32>
    %mul3A_2481 = arith.mulf %select_n3A_2411, %get3A_2444 : vector<8x1280xf32>
    %add3A_2482 = arith.addf %add3A_2480, %mul3A_2481 : vector<8x1280xf32>
    %add3A_2483 = arith.addf %add3A_2482, %sub3A_2429 : vector<8x1280xf32>
    %sub3A_2484 = arith.subf %add3A_2483, %get3A_2459 : vector<8x1280xf32>
    %mul3A_2485 = arith.mulf %sub3A_2484, %sub3A_2484 : vector<8x1280xf32>
    %add3A_2486 = arith.addf %add3A_2477, %mul3A_2485 : vector<8x1280xf32>
    %swap3A = arith.constant 0 : index
    %swap3A_2487 = arith.constant 0 : index
    %swap3A_2488 = arith.constant 0 : index
    %swap3A_2489 = vector.load %arg3[%swap3A, %swap3A_2487, %swap3A_2488] : memref<9x8x1280xf32, #tpu.memory_space<vmem>>, vector<1x8x1280xf32>
    %swap3A_2490 = vector.shape_cast %swap3A_2489 : vector<1x8x1280xf32> to vector<8x1280xf32>
    %swap3A_2491 = vector.shape_cast %select_n3A_2347 : vector<8x1280xf32> to vector<1x8x1280xf32>
    tpu.vector_store %arg3[%swap3A, %swap3A_2487, %swap3A_2488], %swap3A_2491 {strides = array<i32>} : memref<9x8x1280xf32, #tpu.memory_space<vmem>>, vector<1x8x1280xf32>,
    %swap3A_2492 = arith.constant 1 : index
    %swap3A_2493 = arith.constant 0 : index
    %swap3A_2494 = arith.constant 0 : index
    %swap3A_2495 = vector.load %arg3[%swap3A_2492, %swap3A_2493, %swap3A_2494] : memref<9x8x1280xf32, #tpu.memory_space<vmem>>, vector<1x8x1280xf32>
    %swap3A_2496 = vector.shape_cast %swap3A_2495 : vector<1x8x1280xf32> to vector<8x1280xf32>
    %swap3A_2497 = vector.shape_cast %select_n3A_2355 : vector<8x1280xf32> to vector<1x8x1280xf32>
    tpu.vector_store %arg3[%swap3A_2492, %swap3A_2493, %swap3A_2494], %swap3A_2497 {strides = array<i32>} : memref<9x8x1280xf32, #tpu.memory_space<vmem>>, vector<1x8x1280xf32>,
    %swap3A_2498 = arith.constant 2 : index
    %swap3A_2499 = arith.constant 0 : index
    %swap3A_2500 = arith.constant 0 : index
    %swap3A_2501 = vector.load %arg3[%swap3A_2498, %swap3A_2499, %swap3A_2500] : memref<9x8x1280xf32, #tpu.memory_space<vmem>>, vector<1x8x1280xf32>
    %swap3A_2502 = vector.shape_cast %swap3A_2501 : vector<1x8x1280xf32> to vector<8x1280xf32>
    %swap3A_2503 = vector.shape_cast %select_n3A_2363 : vector<8x1280xf32> to vector<1x8x1280xf32>
    tpu.vector_store %arg3[%swap3A_2498, %swap3A_2499, %swap3A_2500], %swap3A_2503 {strides = array<i32>} : memref<9x8x1280xf32, #tpu.memory_space<vmem>>, vector<1x8x1280xf32>,
    %swap3A_2504 = arith.constant 0 : index
    %swap3A_2505 = arith.constant 0 : index
    %swap3A_2506 = arith.constant 0 : index
    %swap3A_2507 = vector.load %arg4[%swap3A_2504, %swap3A_2505, %swap3A_2506] : memref<3x8x1280xf32, #tpu.memory_space<vmem>>, vector<1x8x1280xf32>
    %swap3A_2508 = vector.shape_cast %swap3A_2507 : vector<1x8x1280xf32> to vector<8x1280xf32>
    %swap3A_2509 = vector.shape_cast %sub3A_2417 : vector<8x1280xf32> to vector<1x8x1280xf32>
    tpu.vector_store %arg4[%swap3A_2504, %swap3A_2505, %swap3A_2506], %swap3A_2509 {strides = array<i32>} : memref<3x8x1280xf32, #tpu.memory_space<vmem>>, vector<1x8x1280xf32>,
    %swap3A_2510 = arith.constant 3 : index
    %swap3A_2511 = arith.constant 0 : index
    %swap3A_2512 = arith.constant 0 : index
    %swap3A_2513 = vector.load %arg3[%swap3A_2510, %swap3A_2511, %swap3A_2512] : memref<9x8x1280xf32, #tpu.memory_space<vmem>>, vector<1x8x1280xf32>
    %swap3A_2514 = vector.shape_cast %swap3A_2513 : vector<1x8x1280xf32> to vector<8x1280xf32>
    %swap3A_2515 = vector.shape_cast %select_n3A_2371 : vector<8x1280xf32> to vector<1x8x1280xf32>
    tpu.vector_store %arg3[%swap3A_2510, %swap3A_2511, %swap3A_2512], %swap3A_2515 {strides = array<i32>} : memref<9x8x1280xf32, #tpu.memory_space<vmem>>, vector<1x8x1280xf32>,
    %swap3A_2516 = arith.constant 4 : index
    %swap3A_2517 = arith.constant 0 : index
    %swap3A_2518 = arith.constant 0 : index
    %swap3A_2519 = vector.load %arg3[%swap3A_2516, %swap3A_2517, %swap3A_2518] : memref<9x8x1280xf32, #tpu.memory_space<vmem>>, vector<1x8x1280xf32>
    %swap3A_2520 = vector.shape_cast %swap3A_2519 : vector<1x8x1280xf32> to vector<8x1280xf32>
    %swap3A_2521 = vector.shape_cast %select_n3A_2379 : vector<8x1280xf32> to vector<1x8x1280xf32>
    tpu.vector_store %arg3[%swap3A_2516, %swap3A_2517, %swap3A_2518], %swap3A_2521 {strides = array<i32>} : memref<9x8x1280xf32, #tpu.memory_space<vmem>>, vector<1x8x1280xf32>,
    %swap3A_2522 = arith.constant 5 : index
    %swap3A_2523 = arith.constant 0 : index
    %swap3A_2524 = arith.constant 0 : index
    %swap3A_2525 = vector.load %arg3[%swap3A_2522, %swap3A_2523, %swap3A_2524] : memref<9x8x1280xf32, #tpu.memory_space<vmem>>, vector<1x8x1280xf32>
    %swap3A_2526 = vector.shape_cast %swap3A_2525 : vector<1x8x1280xf32> to vector<8x1280xf32>
    %swap3A_2527 = vector.shape_cast %select_n3A_2387 : vector<8x1280xf32> to vector<1x8x1280xf32>
    tpu.vector_store %arg3[%swap3A_2522, %swap3A_2523, %swap3A_2524], %swap3A_2527 {strides = array<i32>} : memref<9x8x1280xf32, #tpu.memory_space<vmem>>, vector<1x8x1280xf32>,
    %swap3A_2528 = arith.constant 1 : index
    %swap3A_2529 = arith.constant 0 : index
    %swap3A_2530 = arith.constant 0 : index
    %swap3A_2531 = vector.load %arg4[%swap3A_2528, %swap3A_2529, %swap3A_2530] : memref<3x8x1280xf32, #tpu.memory_space<vmem>>, vector<1x8x1280xf32>
    %swap3A_2532 = vector.shape_cast %swap3A_2531 : vector<1x8x1280xf32> to vector<8x1280xf32>
    %swap3A_2533 = vector.shape_cast %sub3A_2423 : vector<8x1280xf32> to vector<1x8x1280xf32>
    tpu.vector_store %arg4[%swap3A_2528, %swap3A_2529, %swap3A_2530], %swap3A_2533 {strides = array<i32>} : memref<3x8x1280xf32, #tpu.memory_space<vmem>>, vector<1x8x1280xf32>,
    %swap3A_2534 = arith.constant 6 : index
    %swap3A_2535 = arith.constant 0 : index
    %swap3A_2536 = arith.constant 0 : index
    %swap3A_2537 = vector.load %arg3[%swap3A_2534, %swap3A_2535, %swap3A_2536] : memref<9x8x1280xf32, #tpu.memory_space<vmem>>, vector<1x8x1280xf32>
    %swap3A_2538 = vector.shape_cast %swap3A_2537 : vector<1x8x1280xf32> to vector<8x1280xf32>
    %swap3A_2539 = vector.shape_cast %select_n3A_2395 : vector<8x1280xf32> to vector<1x8x1280xf32>
    tpu.vector_store %arg3[%swap3A_2534, %swap3A_2535, %swap3A_2536], %swap3A_2539 {strides = array<i32>} : memref<9x8x1280xf32, #tpu.memory_space<vmem>>, vector<1x8x1280xf32>,
    %swap3A_2540 = arith.constant 7 : index
    %swap3A_2541 = arith.constant 0 : index
    %swap3A_2542 = arith.constant 0 : index
    %swap3A_2543 = vector.load %arg3[%swap3A_2540, %swap3A_2541, %swap3A_2542] : memref<9x8x1280xf32, #tpu.memory_space<vmem>>, vector<1x8x1280xf32>
    %swap3A_2544 = vector.shape_cast %swap3A_2543 : vector<1x8x1280xf32> to vector<8x1280xf32>
    %swap3A_2545 = vector.shape_cast %select_n3A_2403 : vector<8x1280xf32> to vector<1x8x1280xf32>
    tpu.vector_store %arg3[%swap3A_2540, %swap3A_2541, %swap3A_2542], %swap3A_2545 {strides = array<i32>} : memref<9x8x1280xf32, #tpu.memory_space<vmem>>, vector<1x8x1280xf32>,
    %swap3A_2546 = arith.constant 8 : index
    %swap3A_2547 = arith.constant 0 : index
    %swap3A_2548 = arith.constant 0 : index
    %swap3A_2549 = vector.load %arg3[%swap3A_2546, %swap3A_2547, %swap3A_2548] : memref<9x8x1280xf32, #tpu.memory_space<vmem>>, vector<1x8x1280xf32>
    %swap3A_2550 = vector.shape_cast %swap3A_2549 : vector<1x8x1280xf32> to vector<8x1280xf32>
    %swap3A_2551 = vector.shape_cast %select_n3A_2411 : vector<8x1280xf32> to vector<1x8x1280xf32>
    tpu.vector_store %arg3[%swap3A_2546, %swap3A_2547, %swap3A_2548], %swap3A_2551 {strides = array<i32>} : memref<9x8x1280xf32, #tpu.memory_space<vmem>>, vector<1x8x1280xf32>,
    %swap3A_2552 = arith.constant 2 : index
    %swap3A_2553 = arith.constant 0 : index
    %swap3A_2554 = arith.constant 0 : index
    %swap3A_2555 = vector.load %arg4[%swap3A_2552, %swap3A_2553, %swap3A_2554] : memref<3x8x1280xf32, #tpu.memory_space<vmem>>, vector<1x8x1280xf32>
    %swap3A_2556 = vector.shape_cast %swap3A_2555 : vector<1x8x1280xf32> to vector<8x1280xf32>
    %swap3A_2557 = vector.shape_cast %sub3A_2429 : vector<8x1280xf32> to vector<1x8x1280xf32>
    tpu.vector_store %arg4[%swap3A_2552, %swap3A_2553, %swap3A_2554], %swap3A_2557 {strides = array<i32>} : memref<3x8x1280xf32, #tpu.memory_space<vmem>>, vector<1x8x1280xf32>,
    %swap3A_2558 = arith.constant 0 : index
    %swap3A_2559 = arith.constant 0 : index
    %swap3A_2560 = vector.load %arg5[%swap3A_2558, %swap3A_2559] : memref<8x1280xf32, #tpu.memory_space<vmem>>, vector<8x1280xf32>
    tpu.vector_store %arg5[%swap3A_2558, %swap3A_2559], %add3A_2486 {strides = array<i32>} : memref<8x1280xf32, #tpu.memory_space<vmem>>, vector<8x1280xf32>,
    %swap3A_2561 = arith.constant 0 : index
    %swap3A_2562 = arith.constant 0 : index
    %swap3A_2563 = vector.load %arg6[%swap3A_2561, %swap3A_2562] : memref<8x1280xf32, #tpu.memory_space<vmem>>, vector<8x1280xf32>
    tpu.vector_store %arg6[%swap3A_2561, %swap3A_2562], %add3A {strides = array<i32>} : memref<8x1280xf32, #tpu.memory_space<vmem>>, vector<8x1280xf32>,
    return
  }
}

module attributes {stable_mosaic.version = 14 : i64} {
  func.func @_k5_body(%arg0: memref<2x8x1280xf32, #tpu.memory_space<vmem>>, %arg1: memref<8x1280xf32, #tpu.memory_space<vmem>>, %arg2: memref<8x1280xf32, #tpu.memory_space<vmem>>) attributes {dimension_semantics = [], scalar_prefetch = 0 : i64, scratch_operands = 0 : i64, tpu.core_type = #tpu.core_type<tc>} {
    %get3A = arith.constant 0 : index
    %get3A_0 = arith.constant 0 : index
    %get3A_1 = arith.constant 0 : index
    %get3A_2 = vector.load %arg0[%get3A, %get3A_0, %get3A_1] : memref<2x8x1280xf32, #tpu.memory_space<vmem>>, vector<1x8x1280xf32>
    %get3A_3 = vector.shape_cast %get3A_2 : vector<1x8x1280xf32> to vector<8x1280xf32>
    %get3A_4 = arith.constant 1 : index
    %get3A_5 = arith.constant 0 : index
    %get3A_6 = arith.constant 0 : index
    %get3A_7 = vector.load %arg0[%get3A_4, %get3A_5, %get3A_6] : memref<2x8x1280xf32, #tpu.memory_space<vmem>>, vector<1x8x1280xf32>
    %get3A_8 = vector.shape_cast %get3A_7 : vector<1x8x1280xf32> to vector<8x1280xf32>
    %add3A = arith.addf %get3A_3, %get3A_8 : vector<8x1280xf32>
    %get3A_9 = arith.constant 0 : index
    %get3A_10 = arith.constant 0 : index
    %get3A_11 = vector.load %arg1[%get3A_9, %get3A_10] : memref<8x1280xf32, #tpu.memory_space<vmem>>, vector<8x1280xf32>
    %max3A = arith.constant 1.000000e+00 : f32
    %max3A_12 = vector.broadcast %max3A : f32 to vector<8x1280xf32>
    %max3A_13 = arith.maximumf %get3A_11, %max3A_12 : vector<8x1280xf32>
    %div3A = arith.divf %add3A, %max3A_13 : vector<8x1280xf32>
    %swap3A = arith.constant 0 : index
    %swap3A_14 = arith.constant 0 : index
    %swap3A_15 = vector.load %arg2[%swap3A, %swap3A_14] : memref<8x1280xf32, #tpu.memory_space<vmem>>, vector<8x1280xf32>
    tpu.vector_store %arg2[%swap3A, %swap3A_14], %div3A {strides = array<i32>} : memref<8x1280xf32, #tpu.memory_space<vmem>>, vector<8x1280xf32>,
    return
  }
}

</mosaic_0001>

<sc_bundles>
// kernel: kernel.11.cloned.1.call-start
scs
__scs_entry_jumppad:
0x0: {  	(pc) =	sbr.rel $0x88, $3  }
0x1: {  	(tag) =	ssettag $0x0;
	lr =	simm.s32 $0x1  }
0x2: {  	[smem:$0x3F9C] =	sst lr;
	_ =	strace $0xD0000000  }
0x3: {  	_ = 	snop  }
0x4: {  	_ = 	snop  }
0x5: {  	_ = 	snop  }
0x6: {  	_ = 	snop  }
0x7: {  	_ = 	snop  }
__scs_overlays_trampoline_lowered:
0x8: {  	[smem:$0x3FAB] =	sst s0  }
0x9: {  	[smem:$0x3FAC] =	sst s1  }
0xa: {  	[smem:$0x3FAD] =	sst s2  }
0xb: {  	[smem:$0x3FAE] =	sst s3  }
0xc: {  	[smem:$0x3FAF] =	sst s4  }
0xd: {  	[smem:$0x3FB0] =	sst s5  }
0xe: {  	[smem:$0x3FB1] =	sst s6  }
0xf: {  	[smem:$0x3FB2] =	sst s7  }
0x10: {  	[smem:$0x3FB3] =	sst s8  }
0x11: {  	[smem:$0x3FB4] =	sst s9;
	s0 =	simm.s32 @!p0 $0x0  }
0x12: {  	s1 =	sld [smem:$0x3F9A];
	s0 =	simm.s32 @p0 $0x1  }
0x13: {  	[smem:$0x3FB5] =	sst s0;
	s0 =	simm.s32 @!p1 $0x0  }
0x14: {  	s2 =	sld [smem:$0x3F99];
	s0 =	simm.s32 @p1 $0x1  }
0x15: {  	[smem:$0x3FB6] =	sst s0;
	s0 =	simm.s32 @!p2 $0x0  }
0x16: {  	s3 =	sld [smem:$0x3FDB];
	s0 =	simm.s32 @p2 $0x1  }
0x17: {  	s4 =	simm.s32 $0x1BF5;
	[smem:$0x3FB8] =	sst s0  }
0x18: {  	s0 =	sld [smem:$0x3F9B];
	_ =	swait.ge [sflag:s4], $0x0  }
0x19: {  	s7 =	sld [smem:$0x3F9C]  }
0x1a: {  	s8 =	sadd.s32 $0xFFFFE003, lr  }
0x1b: {  	s9 =	sadd.s32 $0xFFFFFEF7, lr;
	s5 =	simm.s32 $0xFFFFFFFF;
	p2 =	slt.u32 s8, $0xFFFFF086  }
0x1c: {  	p1 =	slt.u32 s9, $0xF7A;
	s5 =	simm.s32 @!p2 $0x0  }
0x1d: {  	s5 =	simm.s32 @p1 $0x1;
	p0 =	seq.s32 s7, s2  }
0x1e: {  	s7 =	smul.u32 @!p0 $0xF7A, s2;
	p2 =	seq.s32 @!p0 s5, $0x0  }
0x1f: {  	s9 =	smul.u32 $0xF7A, s1;
	s8 =	simm.s32 @!p0 $0x1BF5;
	p2 =	por !p2, p0  }
0x20: {  	[sflag:s8] =	ssyncset.s32 @!p0 $0xFFFFF086;
	s6 =	sadd.s32 @!p0 s3, s7;
	s7 =	simm.s32 @!p0 $0x108  }
0x21: {  	s3 =	sadd.s32 s3, s9;
	s6 =	sadd.s32 @!p0 $0x88, s6;
	s7 =	simm.s32 @p2 $0x1082  }
0x22: {  	[simem:s7], [sflag:s8] =	dma.local @!p0 [hbm:s6], $0xF7A  }
0x23: {  	s9 =	sor.u32 $0xD0000000, s2;
	s6 =	simm.s32 $0x108;
	_ =	swait.ge @!p0 [sflag:s8], $0x0  }
0x24: {  	s3 =	sadd.s32 $0x88, s3;
	s6 =	simm.s32 @!p1 $0x1082;
	[sflag:s4] =	ssyncset.s32 $0xFFFFF086  }
0x25: {  	[simem:s6], [sflag:s4] =	dma.local [hbm:s3], $0xF7A  }
0x26: {  	[smem:$0x3F9C] =	sst s1;
	(tag) =	ssettag s2;
	_ =	strace s9  }
0x27: {  	s1 =	sld [smem:$0x3FAC]  }
0x28: {  	s2 =	sld [smem:$0x3FAD]  }
0x29: {  	s4 =	sld [smem:$0x3FAF]  }
0x2a: {  	p0 =	seq.s32 s5, $0x0;
	s5 =	sld [smem:$0x3FB0]  }
0x2b: {  	s6 =	sld [smem:$0x3FB1]  }
0x2c: {  	s7 =	sld [smem:$0x3FB2]  }
0x2d: {  	s3 =	simm.s32 $0x108;
	s8 =	sld [smem:$0x3FB3]  }
0x2e: {  	s3 =	simm.s32 @!p0 $0x1082;
	s9 =	sld [smem:$0x3FB4]  }
0x2f: {  	lr =	sadd.s32 s0, s3;
	s0 =	sld [smem:$0x3FAB]  }
0x30: {  	s3 =	sld [smem:$0x3FAE]  }
0x31: {  	[smem:$0x3FB7] =	sst s10  }
0x32: {  	s10 =	sld [smem:$0x3FB5];
	_ =	sdelay $0x3  }
0x33: {  	p0 =	seq.s32 s10, $0x1;
	s10 =	sld [smem:$0x3FB7];
	_ =	sdelay $0x3  }
0x34: {  	[smem:$0x3FB7] =	sst s10  }
0x35: {  	s10 =	sld [smem:$0x3FB6];
	_ =	sdelay $0x3  }
0x36: {  	p1 =	seq.s32 s10, $0x1;
	s10 =	sld [smem:$0x3FB7];
	_ =	sdelay $0x3  }
0x37: {  	[smem:$0x3FB7] =	sst s10  }
0x38: {  	s10 =	sld [smem:$0x3FB8]  }
0x39: {  	_ = 	snop;
	(pc) =	sbr.ind lr, $3  }
0x3a: {  	_ = 	snop  }
0x3b: {  	_ = 	snop  }
0x3c: {  	p2 =	seq.s32 s10, $0x1;
	s10 =	sld [smem:$0x3FB7]  }
0x3d: {  	_ =	shalt  }
0x3e: {  	_ =	shalt  }
0x3f: {  	_ =	shalt  }
0x40: {  	_ =	shalt  }
0x41: {  	_ =	shalt  }
0x42: {  	_ =	shalt  }
0x43: {  	_ =	shalt  }
0x44: {  	_ =	shalt  }
0x45: {  	_ =	shalt  }
0x46: {  	_ =	shalt  }
0x47: {  	_ =	shalt  }
0x48: {  	_ =	shalt  }
0x49: {  	_ =	shalt  }
0x4a: {  	_ =	shalt  }
0x4b: {  	_ =	shalt  }
0x4c: {  	_ =	shalt  }
0x4d: {  	_ =	shalt  }
0x4e: {  	_ =	shalt  }
0x4f: {  	_ =	shalt  }
0x50: {  	_ =	shalt  }
0x51: {  	_ =	shalt  }
0x52: {  	_ =	shalt  }
0x53: {  	_ =	shalt  }
0x54: {  	_ =	shalt  }
0x55: {  	_ =	shalt  }
0x56: {  	_ =	shalt  }
0x57: {  	_ =	shalt  }
0x58: {  	_ =	shalt  }
0x59: {  	_ =	shalt  }
0x5a: {  	_ =	shalt  }
0x5b: {  	_ =	shalt  }
0x5c: {  	_ =	shalt  }
0x5d: {  	_ =	shalt  }
0x5e: {  	_ =	shalt  }
0x5f: {  	_ =	shalt  }
0x60: {  	_ =	shalt  }
0x61: {  	_ =	shalt  }
0x62: {  	_ =	shalt  }
0x63: {  	_ =	shalt  }
0x64: {  	_ =	shalt  }
0x65: {  	_ =	shalt  }
0x66: {  	_ =	shalt  }
0x67: {  	_ =	shalt  }
0x68: {  	_ =	shalt  }
0x69: {  	_ =	shalt  }
0x6a: {  	_ =	shalt  }
0x6b: {  	_ =	shalt  }
0x6c: {  	_ =	shalt  }
0x6d: {  	_ =	shalt  }
0x6e: {  	_ =	shalt  }
0x6f: {  	_ =	shalt  }
0x70: {  	_ =	shalt  }
0x71: {  	_ =	shalt  }
0x72: {  	_ =	shalt  }
0x73: {  	_ =	shalt  }
0x74: {  	_ =	shalt  }
0x75: {  	_ =	shalt  }
0x76: {  	_ =	shalt  }
0x77: {  	_ =	shalt  }
0x78: {  	_ =	shalt  }
0x79: {  	_ =	shalt  }
0x7a: {  	_ =	shalt  }
0x7b: {  	_ =	shalt  }
0x7c: {  	_ =	shalt  }
0x7d: {  	_ =	shalt  }
0x7e: {  	_ =	shalt  }
0x7f: {  	_ =	shalt  }
0x80: {  	_ =	shalt  }
0x81: {  	_ =	shalt  }
0x82: {  	_ =	shalt  }
0x83: {  	_ =	shalt  }
0x84: {  	_ =	shalt  }
0x85: {  	_ =	shalt  }
0x86: {  	_ =	shalt  }
0x87: {  	_ =	shalt  }
.Lfunc_end0:
.L_simem_size_0:
called_computation.1_lowered:
.L_overlay_start_0:
0x88: {  	s2 =	sld [smem:$0x3FD9]  }
0x89: {  	s3 =	sld [smem:$0x3FFE];
	_ =	sdelay $0x1  }
0x8a: {  	s1 =	srdreg.scid  }
0x8b: {  	s0 =	sand.u32 $0x1, s1  }
0x8c: {  	s16 =	sshll.u32 s0, $0xA;
	s2 =	sadd.s32 s3, s2  }
0x8d: {  	s2 =	sadd.s32 s2, s16  }
0x8e: {  	[smem:$0x3FC3] =	sst s2  }
0x8f: {  	_ = 	snop  }
0x90: {  	(tm) =	ssettm $0x1  }
0x91: {  	s17 =	sld [smem:$0x3FFB];
	_ =	sdelay $0x3  }
0x92: {  	_ =	strace s17  }
0x93: {  	s2 =	sld [smem:$0x3FFC];
	_ =	sdelay $0x3  }
0x94: {  	_ =	strace s2  }
0x95: {  	s2 =	sld [smem:$0x3FFD];
	_ =	sdelay $0x3  }
0x96: {  	_ =	strace s2  }
0x97: {  	_ =	strace $0x8FFFFFFF  }
0x98: {  	s18 =	sld [smem:$0x3FDB];
	_ =	sdelay $0x1  }
0x99: {  	s19 =	simm.s32 $_scs_section_size  }
0x9a: {  	s4 =	simm.s32 $_size__tile_overlayer_lowered;
	s5 =	simm.s32 $_tile_overlayer_lowered  }
0x9b: {  	s22 =	simm.s32 $0x1BFF;
	s21 =	sshll.u32 s5, $0x1;
	s2 =	sadd.s32 s19, s18  }
0x9c: {  	s6 =	simm.s32 $0x0;
	s20 =	sshll.u32 s4, $0x1;
	s4 =	sadd.s32 s21, s2  }
0x9d: {  	[timem:s6], [sflag:s22] =	dma.local [hbm:s4], s20  }
0x9e: {  	_ =	swait.ge [sflag:s22], s20  }
0x9f: {  	s3 =	ssub.s32 $0x0, s20;
	[sflag:s22] =	ssyncset.done $0x0  }
0xa0: {  	[sflag:s22] =	ssyncadd.s32 s3;
	_ =	sdelay $0x1  }
0xa1: {  	s23 =	simm.s32 $0x1B8B  }
0xa2: {  	_ =	swait.ge [sflag:s23], $0x1  }
0xa3: {  	[sflag:s23] =	ssyncset.done $0x0  }
0xa4: {  	s25 =	simm.s32 $0x1B8E;
	s24 =	sld [smem:$0x3FFE];
	[sflag:s23] =	ssyncadd.s32 $0xFFFFFFFF  }
0xa5: {  	s26 =	simm.s32 $execute0_lowered;
	[smem:$0x3FD2] =	sst s25  }
0xa6: {  	s4 =	sshll.u32 s26, $0x1;
	_ =	strace $0x80000049;
	[dreg:$0x1] =	wrdreg $0xFFFFFFFF  }
0xa7: {  	s28 =	simm.s32 $_size_execute0_lowered;
	s2 =	sadd.s32 s2, s4;
	[dreg:$0x0] =	wrdreg $0x0  }
0xa8: {  	s4 =	sshll.u32 s28, $0x1;
	[dreg:$0x2] =	wrdreg s2  }
0xa9: {  	[dreg:$0x3] =	wrdreg s4  }
0xaa: {  	[dreg:$0x4] =	wrdreg $0xC0  }
0xab: {  	_ =	task [dreg:s6], $0x5FFFF  }
0xac: {  	[dreg:$0x1] =	wrdreg $0xFFFFFFFF  }
0xad: {  	[dreg:$0x0] =	wrdreg $0x60  }
0xae: {  	[dreg:$0x2] =	wrdreg s24  }
0xaf: {  	[dreg:$0x3] =	wrdreg $0x30000  }
0xb0: {  	[dreg:$0x4] =	wrdreg $0x58000  }
0xb1: {  	[dreg:$0x5] =	wrdreg $0x9  }
0xb2: {  	_ =	task.clear_ibuf [dreg:s6], $0x6FFFF;
	_ =	strace $0x90000049  }
0xb3: {  	s29 =	simm.s32 $0x9;
	_ =	strace $0x8000004B  }
0xb4: {  	_ =	swait.ge [sflag:s29], $0x1  }
0xb5: {  	[sflag:s29] =	ssyncadd.s32 $0xFFFFFFFF  }
0xb6: {  	_ =	strace $0x9000004B  }
0xb7: {  	_ =	sfence  }
0xb8: {  	s30 =	sld [smem:$0x0];
	_ =	sdelay $0x2  }
0xb9: {  	s31 =	sshll.u32 s1, $0xD;
	s1 =	sshrl.u32 s1, $0x2  }
0xba: {  	s3 =	sand.u32 $0x4000, s31;
	s1 =	sadd.s32 s1, s30  }
0xbb: {  	s0 =	sor.u32 s3, s0;
	s1 =	sshll.u32 s1, $0x11  }
0xbc: {  	s0 =	sor.u32 s1, s0  }
0xbd: {  	s0 =	sadd.s32 $0x8F2B, s0  }
0xbe: {  	[sflag:s0] =	ssyncadd.remote.s32 $0x1  }
0xbf: {  	_ =	sfence.sel $0xFFFF  }
0xc0: {  	[dreg:$0x0] =	wrdreg $0xFFFFFFFF;
	(pc) =	sbr.abs _section_cstart, $3  }
0xc1: {  	[dreg:$0x1] =	wrdreg $0xFFFFFFFF  }
0xc2: {  	_ =	task.clear_ibuf [dreg:s6], $0x2FFFF;
	_ =	strace $0x9FFFFFFF  }
0xc3: {  	(tm) =	ssettm $0x7FFFFFFF  }
tec
execute0_lowered:
.L_overlay_start_1:
0x0: {  	(tag) =	ssettag $0x1  }
0x1: {  	s6 =	rddreg [dreg:$0x0]  }
0x2: {  	s0 =	srdreg.scid;
	s2 =	rddreg [dreg:$0x1]  }
0x3: {  	s3 =	rddreg [dreg:$0x2];
	s15 =	simm.s32 $0x80;
	s16 =	simm.s32 $0x400  }
0x4: {  	s17 =	simm.s32 $0x1400;
	s18 =	simm.s32 $0x2800;
	s19 =	simm.s32 $0x1  }
0x5: {  	s20 =	simm.s32 $0x0;
	s5 =	sand.u32 $0x1, s0;
	s0 =	stileid.u32  }
0x6: {  	s1 =	sshll.u32 s5, $0x4;
	s4 =	sshll.u32 s0, $0x7;
	s29 =	smul.u32 $0x14000, s0  }
0x7: {  	s9 =	smul.u32 $0x140000, s5;
	s5 =	ssub.s32 $0x2, s5;
	s31 =	sshll.u32 s0, $0x6  }
0x8: {  	s1 =	sor.u32 s0, s1;
	s8 =	sand.u32 $0x380, s4;
	s4 =	simm.s32 $0x0  }
0x9: {  	s11 =	sshrl.u32 s5, $0x1;
	s1 =	sshrl.u32 s1, $0x3;
	[smem:$0x7FF] =	sst s4  }
0xa: {  	s30 =	sshrl.u32 s29, $0x3;
	s9 =	sadd.s32 s29, s9;
	s7 =	smul.u32 $0xA000, s1  }
0xb: {  	s11 =	ssub.s32 s5, s11;
	s13 =	sadd.s32 s29, s3;
	s14 =	sadd.s32 s29, s2  }
0xc: {  	s1 =	rddreg [dreg:$0x3];
	_ =	strace $0x8000004A;
	s7 =	sor.u32 s8, s7  }
0xd: {  	s9 =	sshrl.u32 s9, $0x3;
	s11 =	smax.u32 s11, $0x1;
	s7 =	sshrl.u32 s7, $0x3  }
0xe: {  	s14 =	sshrl.u32 s14, $0x3;
	s10 =	sadd.s32 s7, s6;
	s7 =	sadd.s32 s30, s6  }
0xf: {  	s12 =	sadd.s32 s9, s6;
	s6 =	sor.u32 $0x1C02, s31;
	s5 =	sadd.s32 $0x32400, s7  }
0x10: {  	s7 =	sadd.s32 $0x400, s7;
	s8 =	sadd.s32 $0x2D400, s10;
	s9 =	sadd.s32 $0x28400, s10  }
0x11: {  	vm0 =	vmmov $0xffff;
	s10 =	sadd.s32 $0x5A400, s12;
	s12 =	sshrl.u32 s13, $0x3;
	s13 =	simm.s32 $0x2  }
.LBB2_1:
0x12: {  	[spmem:s12], [sflag:s6] =	dma.local [hbm:s5], $0x2800  }
0x13: {  	_ =	swait.ge [sflag:s13], $0x2800  }
0x14: {  	[sflag:s13] =	ssyncset.done $0x0  }
0x15: {  	[sflag:s13] =	ssyncadd.s32 $0xFFFFD800  }
0x16: {  	[spmem:s14], [sflag:s6] =	dma.local [hbm:s7], $0x2800  }
0x17: {  	_ =	swait.ge [sflag:s13], $0x2800  }
0x18: {  	[sflag:s13] =	ssyncset.done $0x0  }
0x19: {  	[sflag:s13] =	ssyncadd.s32 $0xFFFFD800  }
0x1a: {  	[tilespmem:s4], [sflag:$0x2] =	stream.strided.gather [hbm4b:s8+s15], $0x1400, s16, s15, $0x38;
	[tilespmem:$0x8000] =	vst v63  }
0x1b: {  	_ =	swait.ge [sflag:s13], $0x1400  }
0x1c: {  	[sflag:s13] =	ssyncset.done $0x0  }
0x1d: {  	[sflag:s13] =	ssyncadd.s32 $0xFFFFEC00  }
0x1e: {  	[tilespmem:s17], [sflag:$0x2] =	stream.strided.gather [hbm4b:s9+s15], $0x1400, s16, s15, $0x38;
	[tilespmem:$0x8000] =	vst v63  }
0x1f: {  	_ =	swait.ge [sflag:s13], $0x1400  }
0x20: {  	[sflag:s13] =	ssyncset.done $0x0  }
0x21: {  	[sflag:s13] =	ssyncadd.s32 $0xFFFFEC00  }
0x22: {  	s21 =	simm.s32 $0x0;
	[bflag:$0x0] =	sbarrier.arrive $0xFFFF  }
0x23: {  	v0 =	vld [tilespmem:s21+$0x0];
	_ =	sdelay $0x3  }
0x24: {  	v1 =	vld [tilespmem:s21+$0x1400];
	_ =	sdelay $0x3  }
0x25: {  	[tilespmem:s18], [sflag:$0x1] =	stream.indirect_vreg.gather [spmem:s2], $0x10, v0, vm0, $0xb8;
	[tilespmem:$0x8000] =	vst v63  }
0x26: {  	_ =	swait.ge [sflag:s19], $0x100  }
0x27: {  	[sflag:s19] =	ssyncset.done $0x0  }
0x28: {  	[sflag:s19] =	ssyncadd.s32 $0xFFFFFF00  }
0x29: {  	[spmem:s3] =	stream.indirect_vreg.scatter.add.f32 [tilespmem:s18], [sflag:$0x2], $0x10, v1, vm0, $0xb8;
	[tilespmem:$0x8000] =	vst v63  }
0x2a: {  	_ =	swait.ge [sflag:s13], $0x100  }
0x2b: {  	s22 =	simm.s32 $0x80;
	s21 =	simm.s32 $0x40;
	[sflag:s13] =	ssyncset.done $0x0  }
.LBB2_2:
0x2c: {  	s23 =	sshra.s32 s21, $0x2  }
0x2d: {  	[sflag:s13] =	ssyncadd.s32 $0xFFFFFF00;
	s21 =	smov.u32 s22;
	s24 =	sadd.s32 $0x40, s22  }
0x2e: {  	p0 =	sne.s32 s22, $0x4FC0;
	v0 =	vld [tilespmem:s23+$0x0];
	_ =	sdelay $0x3  }
0x2f: {  	v1 =	vld [tilespmem:s23+$0x1400];
	_ =	sdelay $0x3  }
0x30: {  	[tilespmem:s18], [sflag:$0x1] =	stream.indirect_vreg.gather [spmem:s2], $0x10, v0, vm0, $0xb8;
	[tilespmem:$0x8000] =	vst v63  }
0x31: {  	_ =	swait.ge [sflag:s19], $0x100  }
.Ltmp0:
0x32: {  	[sflag:s19] =	ssyncset.done $0x0;
	(pc) =	sbr.rel @p0 .LBB2_2-.Ltmp0, $4  }
0x33: {  	[sflag:s19] =	ssyncadd.s32 $0xFFFFFF00  }
0x34: {  	[spmem:s3] =	stream.indirect_vreg.scatter.add.f32 [tilespmem:s18], [sflag:$0x2], $0x10, v1, vm0, $0xb8;
	[tilespmem:$0x8000] =	vst v63  }
0x35: {  	_ =	swait.ge [sflag:s13], $0x100  }
0x36: {  	s22 =	smov.u32 s24;
	[sflag:s13] =	ssyncset.done $0x0  }
0x37: {  	s21 =	sshra.s32 s21, $0x2;
	[sflag:s13] =	ssyncadd.s32 $0xFFFFFF00  }
0x38: {  	v0 =	vld [tilespmem:s21+$0x0];
	_ =	sdelay $0x3  }
0x39: {  	v1 =	vld [tilespmem:s21+$0x1400];
	_ =	sdelay $0x3  }
0x3a: {  	[tilespmem:s18], [sflag:$0x1] =	stream.indirect_vreg.gather [spmem:s2], $0x10, v0, vm0, $0xb8;
	[tilespmem:$0x8000] =	vst v63  }
0x3b: {  	_ =	swait.ge [sflag:s19], $0x100  }
0x3c: {  	[sflag:s19] =	ssyncset.done $0x0  }
0x3d: {  	[sflag:s19] =	ssyncadd.s32 $0xFFFFFF00  }
0x3e: {  	[spmem:s3] =	stream.indirect_vreg.scatter.add.f32 [tilespmem:s18], [sflag:$0x2], $0x10, v1, vm0, $0xb8;
	[tilespmem:$0x8000] =	vst v63  }
0x3f: {  	_ =	swait.ge [sflag:s13], $0x100  }
0x40: {  	s20 =	sadd.s32 $0x1, s20;
	[sflag:s13] =	ssyncset.done $0x0  }
0x41: {  	p0 =	sne.s32 s20, s11;
	[sflag:s13] =	ssyncadd.s32 $0xFFFFFF00  }
.Ltmp1:
0x42: {  	[bflag:$0x0] =	sbarrier.arrive $0xFFFF;
	(pc) =	sbr.rel @p0 .LBB2_1-.Ltmp1, $4  }
0x43: {  	[hbm:s10], [sflag:s6] =	dma.local [spmem:s12], $0x2800  }
0x44: {  	_ =	swait.ge [sflag:s13], $0x2800  }
0x45: {  	[sflag:s13] =	ssyncset.done $0x0  }
0x46: {  	[sflag:s13] =	ssyncadd.s32 $0xFFFFD800  }
0x47: {  	_ =	sfence.sel $0x180000  }
0x48: {  	[bflag:$0x0] =	sbarrier.arrive $0xFFFF  }
0x49: {  	p0 =	sne.s32 s0, $0x0;
	_ =	strace $0x9000004A  }
0x4a: {  	s0 =	sadd.s32 @!p0 $0x100000, s1;
	[bflag:$0x2] =	sbarrier.arrive $0xFFFF  }
0x4b: {  	[sflag:s0] =	ssyncadd.tile.s32 @!p0 $0x1;
	_ =	shalt  }
.Lfunc_end2:
_tile_overlayer_lowered:
.L_overlay_start_2:
0x4c: {  	(tag) =	ssettag $0x2  }
0x4d: {  	s0 =	rddreg [dreg:$0x0];
	s2 =	stileid.u32  }
0x4e: {  	s1 =	rddreg [dreg:$0x1];
	p0 =	sne.s32 s2, $0x0  }
0x4f: {  	s3 =	rddreg [dreg:$0x2];
	[bflag:$0x3] =	sbarrier.arrive $0xFFFF;
	s2 =	simm.s32 @!p0 $0x1C02  }
0x50: {  	[timem:s3], [sflag:s2] =	dma.local @!p0 [hbm:s0], s1  }
0x51: {  	s0 =	simm.s32 @!p0 $0x2  }
0x52: {  	_ =	swait.ge @!p0 [sflag:s0], s1  }
0x53: {  	s1 =	ssub.s32 @!p0 $0x0, s1;
	[sflag:s0] =	ssyncset.done @!p0 $0x0  }
0x54: {  	[sflag:s0] =	ssyncadd.s32 @!p0 s1  }
0x55: {  	[bflag:$0x3] =	sbarrier.arrive $0xFFFF  }
0x56: {  	_ =	shalt  }

// kernel: kernel.8.cloned.1.call-start
scs
__scs_entry_jumppad:
0x0: {  	(pc) =	sbr.rel $0x88, $3  }
0x1: {  	(tag) =	ssettag $0x0;
	lr =	simm.s32 $0x1  }
0x2: {  	[smem:$0x3F9C] =	sst lr;
	_ =	strace $0xD0000000  }
0x3: {  	_ = 	snop  }
0x4: {  	_ = 	snop  }
0x5: {  	_ = 	snop  }
0x6: {  	_ = 	snop  }
0x7: {  	_ = 	snop  }
__scs_overlays_trampoline_lowered:
0x8: {  	[smem:$0x3FAB] =	sst s0  }
0x9: {  	[smem:$0x3FAC] =	sst s1  }
0xa: {  	[smem:$0x3FAD] =	sst s2  }
0xb: {  	[smem:$0x3FAE] =	sst s3  }
0xc: {  	[smem:$0x3FAF] =	sst s4  }
0xd: {  	[smem:$0x3FB0] =	sst s5  }
0xe: {  	[smem:$0x3FB1] =	sst s6  }
0xf: {  	[smem:$0x3FB2] =	sst s7  }
0x10: {  	[smem:$0x3FB3] =	sst s8  }
0x11: {  	[smem:$0x3FB4] =	sst s9;
	s0 =	simm.s32 @!p0 $0x0  }
0x12: {  	s1 =	sld [smem:$0x3F9A];
	s0 =	simm.s32 @p0 $0x1  }
0x13: {  	[smem:$0x3FB5] =	sst s0;
	s0 =	simm.s32 @!p1 $0x0  }
0x14: {  	s2 =	sld [smem:$0x3F99];
	s0 =	simm.s32 @p1 $0x1  }
0x15: {  	[smem:$0x3FB6] =	sst s0;
	s0 =	simm.s32 @!p2 $0x0  }
0x16: {  	s3 =	sld [smem:$0x3FDB];
	s0 =	simm.s32 @p2 $0x1  }
0x17: {  	s4 =	simm.s32 $0x1BF5;
	[smem:$0x3FB8] =	sst s0  }
0x18: {  	s0 =	sld [smem:$0x3F9B];
	_ =	swait.ge [sflag:s4], $0x0  }
0x19: {  	s7 =	sld [smem:$0x3F9C]  }
0x1a: {  	s8 =	sadd.s32 $0xFFFFE003, lr  }
0x1b: {  	s9 =	sadd.s32 $0xFFFFFEF7, lr;
	s5 =	simm.s32 $0xFFFFFFFF;
	p2 =	slt.u32 s8, $0xFFFFF086  }
0x1c: {  	p1 =	slt.u32 s9, $0xF7A;
	s5 =	simm.s32 @!p2 $0x0  }
0x1d: {  	s5 =	simm.s32 @p1 $0x1;
	p0 =	seq.s32 s7, s2  }
0x1e: {  	s7 =	smul.u32 @!p0 $0xF7A, s2;
	p2 =	seq.s32 @!p0 s5, $0x0  }
0x1f: {  	s9 =	smul.u32 $0xF7A, s1;
	s8 =	simm.s32 @!p0 $0x1BF5;
	p2 =	por !p2, p0  }
0x20: {  	[sflag:s8] =	ssyncset.s32 @!p0 $0xFFFFF086;
	s6 =	sadd.s32 @!p0 s3, s7;
	s7 =	simm.s32 @!p0 $0x108  }
0x21: {  	s3 =	sadd.s32 s3, s9;
	s6 =	sadd.s32 @!p0 $0x88, s6;
	s7 =	simm.s32 @p2 $0x1082  }
0x22: {  	[simem:s7], [sflag:s8] =	dma.local @!p0 [hbm:s6], $0xF7A  }
0x23: {  	s9 =	sor.u32 $0xD0000000, s2;
	s6 =	simm.s32 $0x108;
	_ =	swait.ge @!p0 [sflag:s8], $0x0  }
0x24: {  	s3 =	sadd.s32 $0x88, s3;
	s6 =	simm.s32 @!p1 $0x1082;
	[sflag:s4] =	ssyncset.s32 $0xFFFFF086  }
0x25: {  	[simem:s6], [sflag:s4] =	dma.local [hbm:s3], $0xF7A  }
0x26: {  	[smem:$0x3F9C] =	sst s1;
	(tag) =	ssettag s2;
	_ =	strace s9  }
0x27: {  	s1 =	sld [smem:$0x3FAC]  }
0x28: {  	s2 =	sld [smem:$0x3FAD]  }
0x29: {  	s4 =	sld [smem:$0x3FAF]  }
0x2a: {  	p0 =	seq.s32 s5, $0x0;
	s5 =	sld [smem:$0x3FB0]  }
0x2b: {  	s6 =	sld [smem:$0x3FB1]  }
0x2c: {  	s7 =	sld [smem:$0x3FB2]  }
0x2d: {  	s3 =	simm.s32 $0x108;
	s8 =	sld [smem:$0x3FB3]  }
0x2e: {  	s3 =	simm.s32 @!p0 $0x1082;
	s9 =	sld [smem:$0x3FB4]  }
0x2f: {  	lr =	sadd.s32 s0, s3;
	s0 =	sld [smem:$0x3FAB]  }
0x30: {  	s3 =	sld [smem:$0x3FAE]  }
0x31: {  	[smem:$0x3FB7] =	sst s10  }
0x32: {  	s10 =	sld [smem:$0x3FB5];
	_ =	sdelay $0x3  }
0x33: {  	p0 =	seq.s32 s10, $0x1;
	s10 =	sld [smem:$0x3FB7];
	_ =	sdelay $0x3  }
0x34: {  	[smem:$0x3FB7] =	sst s10  }
0x35: {  	s10 =	sld [smem:$0x3FB6];
	_ =	sdelay $0x3  }
0x36: {  	p1 =	seq.s32 s10, $0x1;
	s10 =	sld [smem:$0x3FB7];
	_ =	sdelay $0x3  }
0x37: {  	[smem:$0x3FB7] =	sst s10  }
0x38: {  	s10 =	sld [smem:$0x3FB8]  }
0x39: {  	_ = 	snop;
	(pc) =	sbr.ind lr, $3  }
0x3a: {  	_ = 	snop  }
0x3b: {  	_ = 	snop  }
0x3c: {  	p2 =	seq.s32 s10, $0x1;
	s10 =	sld [smem:$0x3FB7]  }
0x3d: {  	_ =	shalt  }
0x3e: {  	_ =	shalt  }
0x3f: {  	_ =	shalt  }
0x40: {  	_ =	shalt  }
0x41: {  	_ =	shalt  }
0x42: {  	_ =	shalt  }
0x43: {  	_ =	shalt  }
0x44: {  	_ =	shalt  }
0x45: {  	_ =	shalt  }
0x46: {  	_ =	shalt  }
0x47: {  	_ =	shalt  }
0x48: {  	_ =	shalt  }
0x49: {  	_ =	shalt  }
0x4a: {  	_ =	shalt  }
0x4b: {  	_ =	shalt  }
0x4c: {  	_ =	shalt  }
0x4d: {  	_ =	shalt  }
0x4e: {  	_ =	shalt  }
0x4f: {  	_ =	shalt  }
0x50: {  	_ =	shalt  }
0x51: {  	_ =	shalt  }
0x52: {  	_ =	shalt  }
0x53: {  	_ =	shalt  }
0x54: {  	_ =	shalt  }
0x55: {  	_ =	shalt  }
0x56: {  	_ =	shalt  }
0x57: {  	_ =	shalt  }
0x58: {  	_ =	shalt  }
0x59: {  	_ =	shalt  }
0x5a: {  	_ =	shalt  }
0x5b: {  	_ =	shalt  }
0x5c: {  	_ =	shalt  }
0x5d: {  	_ =	shalt  }
0x5e: {  	_ =	shalt  }
0x5f: {  	_ =	shalt  }
0x60: {  	_ =	shalt  }
0x61: {  	_ =	shalt  }
0x62: {  	_ =	shalt  }
0x63: {  	_ =	shalt  }
0x64: {  	_ =	shalt  }
0x65: {  	_ =	shalt  }
0x66: {  	_ =	shalt  }
0x67: {  	_ =	shalt  }
0x68: {  	_ =	shalt  }
0x69: {  	_ =	shalt  }
0x6a: {  	_ =	shalt  }
0x6b: {  	_ =	shalt  }
0x6c: {  	_ =	shalt  }
0x6d: {  	_ =	shalt  }
0x6e: {  	_ =	shalt  }
0x6f: {  	_ =	shalt  }
0x70: {  	_ =	shalt  }
0x71: {  	_ =	shalt  }
0x72: {  	_ =	shalt  }
0x73: {  	_ =	shalt  }
0x74: {  	_ =	shalt  }
0x75: {  	_ =	shalt  }
0x76: {  	_ =	shalt  }
0x77: {  	_ =	shalt  }
0x78: {  	_ =	shalt  }
0x79: {  	_ =	shalt  }
0x7a: {  	_ =	shalt  }
0x7b: {  	_ =	shalt  }
0x7c: {  	_ =	shalt  }
0x7d: {  	_ =	shalt  }
0x7e: {  	_ =	shalt  }
0x7f: {  	_ =	shalt  }
0x80: {  	_ =	shalt  }
0x81: {  	_ =	shalt  }
0x82: {  	_ =	shalt  }
0x83: {  	_ =	shalt  }
0x84: {  	_ =	shalt  }
0x85: {  	_ =	shalt  }
0x86: {  	_ =	shalt  }
0x87: {  	_ =	shalt  }
.Lfunc_end0:
.L_simem_size_0:
called_computation_lowered:
.L_overlay_start_0:
0x88: {  	s2 =	sld [smem:$0x3FD9]  }
0x89: {  	s3 =	sld [smem:$0x3FFE];
	_ =	sdelay $0x1  }
0x8a: {  	s1 =	srdreg.scid  }
0x8b: {  	s0 =	sand.u32 $0x1, s1  }
0x8c: {  	s16 =	sshll.u32 s0, $0xA;
	s2 =	sadd.s32 s3, s2  }
0x8d: {  	s2 =	sadd.s32 s2, s16  }
0x8e: {  	[smem:$0x3FC3] =	sst s2  }
0x8f: {  	_ = 	snop  }
0x90: {  	(tm) =	ssettm $0x1  }
0x91: {  	s17 =	sld [smem:$0x3FFB];
	_ =	sdelay $0x3  }
0x92: {  	_ =	strace s17  }
0x93: {  	s2 =	sld [smem:$0x3FFC];
	_ =	sdelay $0x3  }
0x94: {  	_ =	strace s2  }
0x95: {  	s2 =	sld [smem:$0x3FFD];
	_ =	sdelay $0x3  }
0x96: {  	_ =	strace s2  }
0x97: {  	_ =	strace $0x8FFFFFFF  }
0x98: {  	s18 =	sld [smem:$0x3FDB];
	_ =	sdelay $0x1  }
0x99: {  	s19 =	simm.s32 $_scs_section_size  }
0x9a: {  	s4 =	simm.s32 $_size__tile_overlayer_lowered;
	s5 =	simm.s32 $_tile_overlayer_lowered  }
0x9b: {  	s22 =	simm.s32 $0x1BFF;
	s21 =	sshll.u32 s5, $0x1;
	s2 =	sadd.s32 s19, s18  }
0x9c: {  	s6 =	simm.s32 $0x0;
	s20 =	sshll.u32 s4, $0x1;
	s4 =	sadd.s32 s21, s2  }
0x9d: {  	[timem:s6], [sflag:s22] =	dma.local [hbm:s4], s20  }
0x9e: {  	_ =	swait.ge [sflag:s22], s20  }
0x9f: {  	s3 =	ssub.s32 $0x0, s20;
	[sflag:s22] =	ssyncset.done $0x0  }
0xa0: {  	[sflag:s22] =	ssyncadd.s32 s3;
	_ =	sdelay $0x1  }
0xa1: {  	s23 =	simm.s32 $0x1B8B  }
0xa2: {  	_ =	swait.ge [sflag:s23], $0x1  }
0xa3: {  	[sflag:s23] =	ssyncset.done $0x0  }
0xa4: {  	s25 =	simm.s32 $0x1B8E;
	s24 =	sld [smem:$0x3FFE];
	[sflag:s23] =	ssyncadd.s32 $0xFFFFFFFF  }
0xa5: {  	s26 =	simm.s32 $execute0_lowered;
	[smem:$0x3FD2] =	sst s25  }
0xa6: {  	s4 =	sshll.u32 s26, $0x1;
	_ =	strace $0x80000046;
	[dreg:$0x1] =	wrdreg $0xFFFFFFFF  }
0xa7: {  	s28 =	simm.s32 $_size_execute0_lowered;
	s2 =	sadd.s32 s2, s4;
	[dreg:$0x0] =	wrdreg $0x0  }
0xa8: {  	s4 =	sshll.u32 s28, $0x1;
	[dreg:$0x2] =	wrdreg s2  }
0xa9: {  	[dreg:$0x3] =	wrdreg s4  }
0xaa: {  	[dreg:$0x4] =	wrdreg $0xC0  }
0xab: {  	_ =	task [dreg:s6], $0x5FFFF  }
0xac: {  	[dreg:$0x1] =	wrdreg $0xFFFFFFFF  }
0xad: {  	[dreg:$0x0] =	wrdreg $0x60  }
0xae: {  	[dreg:$0x2] =	wrdreg s24  }
0xaf: {  	[dreg:$0x3] =	wrdreg $0x30000  }
0xb0: {  	[dreg:$0x4] =	wrdreg $0x58000  }
0xb1: {  	[dreg:$0x5] =	wrdreg $0x9  }
0xb2: {  	_ =	task.clear_ibuf [dreg:s6], $0x6FFFF;
	_ =	strace $0x90000046  }
0xb3: {  	s29 =	simm.s32 $0x9;
	_ =	strace $0x80000048  }
0xb4: {  	_ =	swait.ge [sflag:s29], $0x1  }
0xb5: {  	[sflag:s29] =	ssyncadd.s32 $0xFFFFFFFF  }
0xb6: {  	_ =	strace $0x90000048  }
0xb7: {  	_ =	sfence  }
0xb8: {  	s30 =	sld [smem:$0x0];
	_ =	sdelay $0x2  }
0xb9: {  	s31 =	sshll.u32 s1, $0xD;
	s1 =	sshrl.u32 s1, $0x2  }
0xba: {  	s3 =	sand.u32 $0x4000, s31;
	s1 =	sadd.s32 s1, s30  }
0xbb: {  	s0 =	sor.u32 s3, s0;
	s1 =	sshll.u32 s1, $0x11  }
0xbc: {  	s0 =	sor.u32 s1, s0  }
0xbd: {  	s0 =	sadd.s32 $0x8F2B, s0  }
0xbe: {  	[sflag:s0] =	ssyncadd.remote.s32 $0x1  }
0xbf: {  	_ =	sfence.sel $0xFFFF  }
0xc0: {  	[dreg:$0x0] =	wrdreg $0xFFFFFFFF;
	(pc) =	sbr.abs _section_cstart, $3  }
0xc1: {  	[dreg:$0x1] =	wrdreg $0xFFFFFFFF  }
0xc2: {  	_ =	task.clear_ibuf [dreg:s6], $0x2FFFF;
	_ =	strace $0x9FFFFFFF  }
0xc3: {  	(tm) =	ssettm $0x7FFFFFFF  }
tec
execute0_lowered:
.L_overlay_start_1:
0x0: {  	(tag) =	ssettag $0x1  }
0x1: {  	s6 =	rddreg [dreg:$0x0]  }
0x2: {  	s0 =	srdreg.scid;
	s2 =	rddreg [dreg:$0x1]  }
0x3: {  	s3 =	rddreg [dreg:$0x2];
	s15 =	simm.s32 $0x80;
	s16 =	simm.s32 $0x400  }
0x4: {  	s17 =	simm.s32 $0x1400;
	s18 =	simm.s32 $0x2800;
	s19 =	simm.s32 $0x1  }
0x5: {  	s20 =	simm.s32 $0x0;
	s5 =	sand.u32 $0x1, s0;
	s0 =	stileid.u32  }
0x6: {  	s1 =	sshll.u32 s5, $0x4;
	s4 =	sshll.u32 s0, $0x7;
	s29 =	smul.u32 $0x14000, s0  }
0x7: {  	s9 =	smul.u32 $0x140000, s5;
	s5 =	ssub.s32 $0x2, s5;
	s31 =	sshll.u32 s0, $0x6  }
0x8: {  	s1 =	sor.u32 s0, s1;
	s8 =	sand.u32 $0x380, s4;
	s4 =	simm.s32 $0x0  }
0x9: {  	s11 =	sshrl.u32 s5, $0x1;
	s1 =	sshrl.u32 s1, $0x3;
	[smem:$0x7FF] =	sst s4  }
0xa: {  	s30 =	sshrl.u32 s29, $0x3;
	s9 =	sadd.s32 s29, s9;
	s7 =	smul.u32 $0xA000, s1  }
0xb: {  	s11 =	ssub.s32 s5, s11;
	s13 =	sadd.s32 s29, s3;
	s14 =	sadd.s32 s29, s2  }
0xc: {  	s1 =	rddreg [dreg:$0x3];
	_ =	strace $0x80000047;
	s7 =	sor.u32 s8, s7  }
0xd: {  	s9 =	sshrl.u32 s9, $0x3;
	s11 =	smax.u32 s11, $0x1;
	s7 =	sshrl.u32 s7, $0x3  }
0xe: {  	s14 =	sshrl.u32 s14, $0x3;
	s10 =	sadd.s32 s7, s6;
	s7 =	sadd.s32 s30, s6  }
0xf: {  	s12 =	sadd.s32 s9, s6;
	s6 =	sor.u32 $0x1C02, s31;
	s5 =	sadd.s32 $0x32400, s7  }
0x10: {  	s7 =	sadd.s32 $0x400, s7;
	s8 =	sadd.s32 $0x2D400, s10;
	s9 =	sadd.s32 $0x28400, s10  }
0x11: {  	vm0 =	vmmov $0xffff;
	s10 =	sadd.s32 $0x5A400, s12;
	s12 =	sshrl.u32 s13, $0x3;
	s13 =	simm.s32 $0x2  }
.LBB2_1:
0x12: {  	[spmem:s12], [sflag:s6] =	dma.local [hbm:s5], $0x2800  }
0x13: {  	_ =	swait.ge [sflag:s13], $0x2800  }
0x14: {  	[sflag:s13] =	ssyncset.done $0x0  }
0x15: {  	[sflag:s13] =	ssyncadd.s32 $0xFFFFD800  }
0x16: {  	[spmem:s14], [sflag:s6] =	dma.local [hbm:s7], $0x2800  }
0x17: {  	_ =	swait.ge [sflag:s13], $0x2800  }
0x18: {  	[sflag:s13] =	ssyncset.done $0x0  }
0x19: {  	[sflag:s13] =	ssyncadd.s32 $0xFFFFD800  }
0x1a: {  	[tilespmem:s4], [sflag:$0x2] =	stream.strided.gather [hbm4b:s8+s15], $0x1400, s16, s15, $0x38;
	[tilespmem:$0x8000] =	vst v63  }
0x1b: {  	_ =	swait.ge [sflag:s13], $0x1400  }
0x1c: {  	[sflag:s13] =	ssyncset.done $0x0  }
0x1d: {  	[sflag:s13] =	ssyncadd.s32 $0xFFFFEC00  }
0x1e: {  	[tilespmem:s17], [sflag:$0x2] =	stream.strided.gather [hbm4b:s9+s15], $0x1400, s16, s15, $0x38;
	[tilespmem:$0x8000] =	vst v63  }
0x1f: {  	_ =	swait.ge [sflag:s13], $0x1400  }
0x20: {  	[sflag:s13] =	ssyncset.done $0x0  }
0x21: {  	[sflag:s13] =	ssyncadd.s32 $0xFFFFEC00  }
0x22: {  	s21 =	simm.s32 $0x0;
	[bflag:$0x0] =	sbarrier.arrive $0xFFFF  }
0x23: {  	v0 =	vld [tilespmem:s21+$0x0];
	_ =	sdelay $0x3  }
0x24: {  	v1 =	vld [tilespmem:s21+$0x1400];
	_ =	sdelay $0x3  }
0x25: {  	[tilespmem:s18], [sflag:$0x1] =	stream.indirect_vreg.gather [spmem:s2], $0x10, v0, vm0, $0xb8;
	[tilespmem:$0x8000] =	vst v63  }
0x26: {  	_ =	swait.ge [sflag:s19], $0x100  }
0x27: {  	[sflag:s19] =	ssyncset.done $0x0  }
0x28: {  	[sflag:s19] =	ssyncadd.s32 $0xFFFFFF00  }
0x29: {  	[spmem:s3] =	stream.indirect_vreg.scatter.add.f32 [tilespmem:s18], [sflag:$0x2], $0x10, v1, vm0, $0xb8;
	[tilespmem:$0x8000] =	vst v63  }
0x2a: {  	_ =	swait.ge [sflag:s13], $0x100  }
0x2b: {  	s22 =	simm.s32 $0x80;
	s21 =	simm.s32 $0x40;
	[sflag:s13] =	ssyncset.done $0x0  }
.LBB2_2:
0x2c: {  	s23 =	sshra.s32 s21, $0x2  }
0x2d: {  	[sflag:s13] =	ssyncadd.s32 $0xFFFFFF00;
	s21 =	smov.u32 s22;
	s24 =	sadd.s32 $0x40, s22  }
0x2e: {  	p0 =	sne.s32 s22, $0x4FC0;
	v0 =	vld [tilespmem:s23+$0x0];
	_ =	sdelay $0x3  }
0x2f: {  	v1 =	vld [tilespmem:s23+$0x1400];
	_ =	sdelay $0x3  }
0x30: {  	[tilespmem:s18], [sflag:$0x1] =	stream.indirect_vreg.gather [spmem:s2], $0x10, v0, vm0, $0xb8;
	[tilespmem:$0x8000] =	vst v63  }
0x31: {  	_ =	swait.ge [sflag:s19], $0x100  }
.Ltmp0:
0x32: {  	[sflag:s19] =	ssyncset.done $0x0;
	(pc) =	sbr.rel @p0 .LBB2_2-.Ltmp0, $4  }
0x33: {  	[sflag:s19] =	ssyncadd.s32 $0xFFFFFF00  }
0x34: {  	[spmem:s3] =	stream.indirect_vreg.scatter.add.f32 [tilespmem:s18], [sflag:$0x2], $0x10, v1, vm0, $0xb8;
	[tilespmem:$0x8000] =	vst v63  }
0x35: {  	_ =	swait.ge [sflag:s13], $0x100  }
0x36: {  	s22 =	smov.u32 s24;
	[sflag:s13] =	ssyncset.done $0x0  }
0x37: {  	s21 =	sshra.s32 s21, $0x2;
	[sflag:s13] =	ssyncadd.s32 $0xFFFFFF00  }
0x38: {  	v0 =	vld [tilespmem:s21+$0x0];
	_ =	sdelay $0x3  }
0x39: {  	v1 =	vld [tilespmem:s21+$0x1400];
	_ =	sdelay $0x3  }
0x3a: {  	[tilespmem:s18], [sflag:$0x1] =	stream.indirect_vreg.gather [spmem:s2], $0x10, v0, vm0, $0xb8;
	[tilespmem:$0x8000] =	vst v63  }
0x3b: {  	_ =	swait.ge [sflag:s19], $0x100  }
0x3c: {  	[sflag:s19] =	ssyncset.done $0x0  }
0x3d: {  	[sflag:s19] =	ssyncadd.s32 $0xFFFFFF00  }
0x3e: {  	[spmem:s3] =	stream.indirect_vreg.scatter.add.f32 [tilespmem:s18], [sflag:$0x2], $0x10, v1, vm0, $0xb8;
	[tilespmem:$0x8000] =	vst v63  }
0x3f: {  	_ =	swait.ge [sflag:s13], $0x100  }
0x40: {  	s20 =	sadd.s32 $0x1, s20;
	[sflag:s13] =	ssyncset.done $0x0  }
0x41: {  	p0 =	sne.s32 s20, s11;
	[sflag:s13] =	ssyncadd.s32 $0xFFFFFF00  }
.Ltmp1:
0x42: {  	[bflag:$0x0] =	sbarrier.arrive $0xFFFF;
	(pc) =	sbr.rel @p0 .LBB2_1-.Ltmp1, $4  }
0x43: {  	[hbm:s10], [sflag:s6] =	dma.local [spmem:s12], $0x2800  }
0x44: {  	_ =	swait.ge [sflag:s13], $0x2800  }
0x45: {  	[sflag:s13] =	ssyncset.done $0x0  }
0x46: {  	[sflag:s13] =	ssyncadd.s32 $0xFFFFD800  }
0x47: {  	_ =	sfence.sel $0x180000  }
0x48: {  	[bflag:$0x0] =	sbarrier.arrive $0xFFFF  }
0x49: {  	p0 =	sne.s32 s0, $0x0;
	_ =	strace $0x90000047  }
0x4a: {  	s0 =	sadd.s32 @!p0 $0x100000, s1;
	[bflag:$0x2] =	sbarrier.arrive $0xFFFF  }
0x4b: {  	[sflag:s0] =	ssyncadd.tile.s32 @!p0 $0x1;
	_ =	shalt  }
.Lfunc_end2:
_tile_overlayer_lowered:
.L_overlay_start_2:
0x4c: {  	(tag) =	ssettag $0x2  }
0x4d: {  	s0 =	rddreg [dreg:$0x0];
	s2 =	stileid.u32  }
0x4e: {  	s1 =	rddreg [dreg:$0x1];
	p0 =	sne.s32 s2, $0x0  }
0x4f: {  	s3 =	rddreg [dreg:$0x2];
	[bflag:$0x3] =	sbarrier.arrive $0xFFFF;
	s2 =	simm.s32 @!p0 $0x1C02  }
0x50: {  	[timem:s3], [sflag:s2] =	dma.local @!p0 [hbm:s0], s1  }
0x51: {  	s0 =	simm.s32 @!p0 $0x2  }
0x52: {  	_ =	swait.ge @!p0 [sflag:s0], s1  }
0x53: {  	s1 =	ssub.s32 @!p0 $0x0, s1;
	[sflag:s0] =	ssyncset.done @!p0 $0x0  }
0x54: {  	[sflag:s0] =	ssyncadd.s32 @!p0 s1  }
0x55: {  	[bflag:$0x3] =	sbarrier.arrive $0xFFFF  }
0x56: {  	_ =	shalt  }

</sc_bundles>
